<compile_context>
chip_gen: v7x
topology: tpu7x:2x2x1
jax: 0.10.2.dev20260603
libtpu: 0.0.44.dev20260713+nightly
codegen_flags: <defaults>
</compile_context>

<pallas_src>
import functools

import jax
import jax.numpy as jnp
from jax import lax
from jax.experimental import pallas as pl
from jax.experimental.pallas import tpu as pltpu
from jax.experimental.pallas import tpu_sc as plsc

BATCH = 16384
FIELDS = 26
EMBED_DIM = 32
VOCAB = 1000000

NUM_CORES = 2
NUM_SUBCORES = 16
NW = NUM_CORES * NUM_SUBCORES
BLK = 128
NBB = BATCH // BLK
BB_PER_W = NBB // NW
IDS_PER_W = BB_PER_W * BLK
TILES_PER_W = FIELDS * BB_PER_W
NBUF = 4

_mesh = plsc.VectorSubcoreMesh(
    core_axis_name="c",
    subcore_axis_name="s",
    num_cores=NUM_CORES,
    num_subcores=NUM_SUBCORES,
)


@functools.partial(
    pl.kernel,
    mesh=_mesh,
    out_type=jax.ShapeDtypeStruct((FIELDS, 4, NBB, 8, BLK), jnp.float32),
    scratch_types=[
        pltpu.VMEM((FIELDS * IDS_PER_W,), jnp.int32),
        [pltpu.VMEM((BLK, EMBED_DIM), jnp.float32) for _ in range(NBUF)],
        [pltpu.VMEM((4, 8, BLK), jnp.float32) for _ in range(2)],
        [pltpu.SemaphoreType.DMA for _ in range(NBUF)],
        [pltpu.SemaphoreType.DMA for _ in range(2)],
    ],
    compiler_params=pltpu.CompilerParams(
        use_tc_tiling_on_sc=False, needs_layout_passes=False
    ),
)
def _gather_kernel(t_hbm, idsf_hbm, out_hbm, idsv, gbufs, transb, gsems, ssems):
    wid = lax.axis_index("s") * NUM_CORES + lax.axis_index("c")
    for f in range(FIELDS):
        pltpu.sync_copy(
            idsf_hbm.at[pl.ds(f * BATCH + wid * IDS_PER_W, IDS_PER_W)],
            idsv.at[pl.ds(f * IDS_PER_W, IDS_PER_W)],
        )

    bidx = [lax.iota(jnp.int32, 16) + g * 16 for g in range(8)]
    eidx = [jnp.full((16,), e, jnp.int32) for e in range(EMBED_DIM)]

    def body(t0, carry):
        gathers = []
        for b in range(NBUF):
            t = t0 + b
            f = t // BB_PER_W
            bl = t % BB_PER_W
            gathers.append(
                pltpu.async_copy(
                    t_hbm.at[idsv.at[pl.ds(f * IDS_PER_W + bl * BLK, BLK)]],
                    gbufs[b],
                    gsems[b],
                )
            )
        stores = {}
        for b in range(NBUF):
            t = t0 + b
            f = t // BB_PER_W
            bb = wid * BB_PER_W + t % BB_PER_W
            gathers[b].wait()
            gbuf = gbufs[b]
            trans = transb[b % 2]
            if b >= 2:
                stores[b - 2].wait()

            @plsc.parallel_loop(0, EMBED_DIM, step=1, unroll=16)
            def _transpose(e):
                ev = jnp.full((16,), 1, jnp.int32) * e
                eb_i = lax.shift_right_logical(e, 3)
                es_i = jnp.bitwise_and(e, 7)
                for g in range(8):
                    trans[eb_i, es_i, pl.ds(g * 16, 16)] = plsc.load_gather(
                        gbuf, [bidx[g], ev]
                    )

            stores[b] = pltpu.async_copy(
                trans, out_hbm.at[f, :, bb], ssems[b % 2]
            )
        stores[NBUF - 2].wait()
        stores[NBUF - 1].wait()
        return carry

    lax.fori_loop(0, TILES_PER_W // NBUF, lambda i, c: body(i * NBUF, c), 0)


def kernel(ids, table):
    idsf = ids.T.reshape(-1)
    out5 = _gather_kernel(table, idsf)
    return out5.transpose(2, 4, 0, 1, 3).reshape(BATCH, FIELDS, EMBED_DIM)

# --- scband reference (transcript-rebuilt; emitter-appended) ---
"""Pipeline reference for scband-embedding-variable-28355374088862 (READ-ONLY COPY).

The authoritative reference and input builder live on the scoring server;
editing this copy changes nothing except your own understanding.
"""

import jax, jax.numpy as jnp
import numpy as np

BATCH = 16384
FIELDS = 26
VOCAB = 1000000
EMBED_DIM = 32


def setup_inputs(seed: int = 0) -> dict:
    key = jax.random.key(seed)
    k1, k2 = jax.random.split(key)
    ids = jax.random.randint(k1, (BATCH, FIELDS), 0, VOCAB).astype(jnp.int32)
    # learned parameter: the embedding variable's value table
    table = jax.random.normal(k2, (VOCAB, EMBED_DIM), dtype=jnp.float32) * 0.05
    return {"ids": ids, "table": table}


def reference(ids, table):
    # Faithful translation of EmbeddingVariable.unique_read (with_unique=True,
    # world_size == 1): dedup ids, sparse_read (gather) on unique ids, then
    # gather back via inverse indices and reshape to ids.shape + [embedding_dim].
    ids_flat = ids.reshape(-1)
    unique_ids, idx = jnp.unique(
        ids_flat, return_inverse=True, size=ids_flat.size, fill_value=0
    )
    unique_embeddings = jnp.take(table, unique_ids, axis=0)
    embeddings_flat = jnp.take(unique_embeddings, idx.reshape(-1), axis=0)
    embeddings = embeddings_flat.reshape(ids.shape + (EMBED_DIM,))
    return embeddings

if __name__ == "__main__":
    import jax
    _d = setup_inputs()
    print(jax.jit(kernel)(*tuple(_d.values())))

</pallas_src>

<mosaic_0001>
#map = affine_map<(d0, d1) -> (0, 0)>
#map1 = affine_map<(d0, d1) -> (0)>
#map2 = affine_map<(d0, d1) -> (0, 0, 0, 0, 0)>
module attributes {stable_mosaic.version = 14 : i64} {
  func.func @_gather_kernel(%arg0: i32, %arg1: i32, %arg2: memref<1000000x32xf32, #tpu.memory_space<hbm>>, %arg3: memref<425984xi32, #tpu.memory_space<hbm>>, %arg4: memref<26x4x128x8x128xf32, #tpu.memory_space<hbm>>, %arg5: memref<13312xi32, #tpu.memory_space<vmem>>, %arg6: memref<128x32xf32, #tpu.memory_space<vmem>>, %arg7: memref<128x32xf32, #tpu.memory_space<vmem>>, %arg8: memref<128x32xf32, #tpu.memory_space<vmem>>, %arg9: memref<128x32xf32, #tpu.memory_space<vmem>>, %arg10: memref<4x8x128xf32, #tpu.memory_space<vmem>>, %arg11: memref<4x8x128xf32, #tpu.memory_space<vmem>>, %arg12: memref<!tpu.dma_semaphore, #tpu.memory_space<semaphore_mem>>, %arg13: memref<!tpu.dma_semaphore, #tpu.memory_space<semaphore_mem>>, %arg14: memref<!tpu.dma_semaphore, #tpu.memory_space<semaphore_mem>>, %arg15: memref<!tpu.dma_semaphore, #tpu.memory_space<semaphore_mem>>, %arg16: memref<!tpu.dma_semaphore, #tpu.memory_space<semaphore_mem>>, %arg17: memref<!tpu.dma_semaphore, #tpu.memory_space<semaphore_mem>>) attributes {dimension_semantics = [#tpu.dimension_semantics<core_parallel>, #tpu.dimension_semantics<subcore_parallel>], iteration_bounds = array<i64: 2, 16>, scalar_prefetch = 0 : i64, scratch_operands = 13 : i64, tpu.core_type = #tpu.core_type<sc_vector_subcore>, window_params = [{transform_indices = #map}, {transform_indices = #map1}, {transform_indices = #map2}]} {
    %mul3A = arith.constant 2 : i32
    %mul3A_0 = arith.muli %arg1, %mul3A : i32
    %add3A = arith.addi %mul3A_0, %arg0 : i32
    %mul3A_1 = arith.constant 512 : i32
    %mul3A_2 = arith.muli %add3A, %mul3A_1 : i32
    %add3A_3 = arith.constant 0 : i32
    %add3A_4 = arith.addi %add3A_3, %mul3A_2 : i32
    "tpu.region"() ({
      %run_scoped3A = tpu.sem_alloc : memref<!tpu.dma_semaphore, #tpu.memory_space<semaphore_mem>>
      %dma_start3A = arith.constant 0 : i32
      %dma_start3A_204 = tpu.memref_slice %arg5[%dma_start3A] : memref<13312xi32, #tpu.memory_space<vmem>> -> memref<512xi32, #tpu.memory_space<vmem>>
      %dma_start3A_205 = tpu.memref_slice %arg3[%add3A_4] : memref<425984xi32, #tpu.memory_space<hbm>> -> memref<512xi32, #tpu.memory_space<hbm>>
      %dma_start3A_206 = arith.constant 0 : i32
      %dma_start3A_207 = tpu.memref_slice %arg5[%dma_start3A_206] : memref<13312xi32, #tpu.memory_space<vmem>> -> memref<512xi32, #tpu.memory_space<vmem>>
      %dma_start3A_208 = tpu.memref_slice %arg3[%add3A_4] : memref<425984xi32, #tpu.memory_space<hbm>> -> memref<512xi32, #tpu.memory_space<hbm>>
      tpu.enqueue_dma source(%dma_start3A_208 : memref<512xi32, #tpu.memory_space<hbm>>) target(%dma_start3A_207 : memref<512xi32, #tpu.memory_space<vmem>>) target_semaphore(%run_scoped3A : memref<!tpu.dma_semaphore, #tpu.memory_space<semaphore_mem>>)
      %dma_wait3A = arith.constant 0 : i32
      %dma_wait3A_209 = tpu.memref_slice %arg5[%dma_wait3A] : memref<13312xi32, #tpu.memory_space<vmem>> -> memref<512xi32, #tpu.memory_space<vmem>>
      %dma_wait3A_210 = tpu.memref_slice %arg3[%add3A_4] : memref<425984xi32, #tpu.memory_space<hbm>> -> memref<512xi32, #tpu.memory_space<hbm>>
      %dma_wait3A_211 = arith.constant 0 : i32
      %dma_wait3A_212 = tpu.memref_slice %arg5[%dma_wait3A_211] : memref<13312xi32, #tpu.memory_space<vmem>> -> memref<512xi32, #tpu.memory_space<vmem>>
      %dma_wait3A_213 = tpu.memref_slice %arg3[%add3A_4] : memref<425984xi32, #tpu.memory_space<hbm>> -> memref<512xi32, #tpu.memory_space<hbm>>
      tpu.wait_dma2 semaphore(%run_scoped3A : memref<!tpu.dma_semaphore, #tpu.memory_space<semaphore_mem>>) src(%dma_wait3A_213 : memref<512xi32, #tpu.memory_space<hbm>>) dst(%dma_wait3A_212 : memref<512xi32, #tpu.memory_space<vmem>>)
      tpu.yield
    }) : () -> ()
    %mul3A_5 = arith.constant 512 : i32
    %mul3A_6 = arith.muli %add3A, %mul3A_5 : i32
    %add3A_7 = arith.constant 16384 : i32
    %add3A_8 = arith.addi %add3A_7, %mul3A_6 : i32
    "tpu.region"() ({
      %run_scoped3A = tpu.sem_alloc : memref<!tpu.dma_semaphore, #tpu.memory_space<semaphore_mem>>
      %dma_start3A = arith.constant 512 : i32
      %dma_start3A_204 = tpu.memref_slice %arg5[%dma_start3A] : memref<13312xi32, #tpu.memory_space<vmem>> -> memref<512xi32, #tpu.memory_space<vmem>>
      %dma_start3A_205 = tpu.memref_slice %arg3[%add3A_8] : memref<425984xi32, #tpu.memory_space<hbm>> -> memref<512xi32, #tpu.memory_space<hbm>>
      %dma_start3A_206 = arith.constant 512 : i32
      %dma_start3A_207 = tpu.memref_slice %arg5[%dma_start3A_206] : memref<13312xi32, #tpu.memory_space<vmem>> -> memref<512xi32, #tpu.memory_space<vmem>>
      %dma_start3A_208 = tpu.memref_slice %arg3[%add3A_8] : memref<425984xi32, #tpu.memory_space<hbm>> -> memref<512xi32, #tpu.memory_space<hbm>>
      tpu.enqueue_dma source(%dma_start3A_208 : memref<512xi32, #tpu.memory_space<hbm>>) target(%dma_start3A_207 : memref<512xi32, #tpu.memory_space<vmem>>) target_semaphore(%run_scoped3A : memref<!tpu.dma_semaphore, #tpu.memory_space<semaphore_mem>>)
      %dma_wait3A = arith.constant 512 : i32
      %dma_wait3A_209 = tpu.memref_slice %arg5[%dma_wait3A] : memref<13312xi32, #tpu.memory_space<vmem>> -> memref<512xi32, #tpu.memory_space<vmem>>
      %dma_wait3A_210 = tpu.memref_slice %arg3[%add3A_8] : memref<425984xi32, #tpu.memory_space<hbm>> -> memref<512xi32, #tpu.memory_space<hbm>>
      %dma_wait3A_211 = arith.constant 512 : i32
      %dma_wait3A_212 = tpu.memref_slice %arg5[%dma_wait3A_211] : memref<13312xi32, #tpu.memory_space<vmem>> -> memref<512xi32, #tpu.memory_space<vmem>>
      %dma_wait3A_213 = tpu.memref_slice %arg3[%add3A_8] : memref<425984xi32, #tpu.memory_space<hbm>> -> memref<512xi32, #tpu.memory_space<hbm>>
      tpu.wait_dma2 semaphore(%run_scoped3A : memref<!tpu.dma_semaphore, #tpu.memory_space<semaphore_mem>>) src(%dma_wait3A_213 : memref<512xi32, #tpu.memory_space<hbm>>) dst(%dma_wait3A_212 : memref<512xi32, #tpu.memory_space<vmem>>)
      tpu.yield
    }) : () -> ()
    %mul3A_9 = arith.constant 512 : i32
    %mul3A_10 = arith.muli %add3A, %mul3A_9 : i32
    %add3A_11 = arith.constant 32768 : i32
    %add3A_12 = arith.addi %add3A_11, %mul3A_10 : i32
    "tpu.region"() ({
      %run_scoped3A = tpu.sem_alloc : memref<!tpu.dma_semaphore, #tpu.memory_space<semaphore_mem>>
      %dma_start3A = arith.constant 1024 : i32
      %dma_start3A_204 = tpu.memref_slice %arg5[%dma_start3A] : memref<13312xi32, #tpu.memory_space<vmem>> -> memref<512xi32, #tpu.memory_space<vmem>>
      %dma_start3A_205 = tpu.memref_slice %arg3[%add3A_12] : memref<425984xi32, #tpu.memory_space<hbm>> -> memref<512xi32, #tpu.memory_space<hbm>>
      %dma_start3A_206 = arith.constant 1024 : i32
      %dma_start3A_207 = tpu.memref_slice %arg5[%dma_start3A_206] : memref<13312xi32, #tpu.memory_space<vmem>> -> memref<512xi32, #tpu.memory_space<vmem>>
      %dma_start3A_208 = tpu.memref_slice %arg3[%add3A_12] : memref<425984xi32, #tpu.memory_space<hbm>> -> memref<512xi32, #tpu.memory_space<hbm>>
      tpu.enqueue_dma source(%dma_start3A_208 : memref<512xi32, #tpu.memory_space<hbm>>) target(%dma_start3A_207 : memref<512xi32, #tpu.memory_space<vmem>>) target_semaphore(%run_scoped3A : memref<!tpu.dma_semaphore, #tpu.memory_space<semaphore_mem>>)
      %dma_wait3A = arith.constant 1024 : i32
      %dma_wait3A_209 = tpu.memref_slice %arg5[%dma_wait3A] : memref<13312xi32, #tpu.memory_space<vmem>> -> memref<512xi32, #tpu.memory_space<vmem>>
      %dma_wait3A_210 = tpu.memref_slice %arg3[%add3A_12] : memref<425984xi32, #tpu.memory_space<hbm>> -> memref<512xi32, #tpu.memory_space<hbm>>
      %dma_wait3A_211 = arith.constant 1024 : i32
      %dma_wait3A_212 = tpu.memref_slice %arg5[%dma_wait3A_211] : memref<13312xi32, #tpu.memory_space<vmem>> -> memref<512xi32, #tpu.memory_space<vmem>>
      %dma_wait3A_213 = tpu.memref_slice %arg3[%add3A_12] : memref<425984xi32, #tpu.memory_space<hbm>> -> memref<512xi32, #tpu.memory_space<hbm>>
      tpu.wait_dma2 semaphore(%run_scoped3A : memref<!tpu.dma_semaphore, #tpu.memory_space<semaphore_mem>>) src(%dma_wait3A_213 : memref<512xi32, #tpu.memory_space<hbm>>) dst(%dma_wait3A_212 : memref<512xi32, #tpu.memory_space<vmem>>)
      tpu.yield
    }) : () -> ()
    %mul3A_13 = arith.constant 512 : i32
    %mul3A_14 = arith.muli %add3A, %mul3A_13 : i32
    %add3A_15 = arith.constant 49152 : i32
    %add3A_16 = arith.addi %add3A_15, %mul3A_14 : i32
    "tpu.region"() ({
      %run_scoped3A = tpu.sem_alloc : memref<!tpu.dma_semaphore, #tpu.memory_space<semaphore_mem>>
      %dma_start3A = arith.constant 1536 : i32
      %dma_start3A_204 = tpu.memref_slice %arg5[%dma_start3A] : memref<13312xi32, #tpu.memory_space<vmem>> -> memref<512xi32, #tpu.memory_space<vmem>>
      %dma_start3A_205 = tpu.memref_slice %arg3[%add3A_16] : memref<425984xi32, #tpu.memory_space<hbm>> -> memref<512xi32, #tpu.memory_space<hbm>>
      %dma_start3A_206 = arith.constant 1536 : i32
      %dma_start3A_207 = tpu.memref_slice %arg5[%dma_start3A_206] : memref<13312xi32, #tpu.memory_space<vmem>> -> memref<512xi32, #tpu.memory_space<vmem>>
      %dma_start3A_208 = tpu.memref_slice %arg3[%add3A_16] : memref<425984xi32, #tpu.memory_space<hbm>> -> memref<512xi32, #tpu.memory_space<hbm>>
      tpu.enqueue_dma source(%dma_start3A_208 : memref<512xi32, #tpu.memory_space<hbm>>) target(%dma_start3A_207 : memref<512xi32, #tpu.memory_space<vmem>>) target_semaphore(%run_scoped3A : memref<!tpu.dma_semaphore, #tpu.memory_space<semaphore_mem>>)
      %dma_wait3A = arith.constant 1536 : i32
      %dma_wait3A_209 = tpu.memref_slice %arg5[%dma_wait3A] : memref<13312xi32, #tpu.memory_space<vmem>> -> memref<512xi32, #tpu.memory_space<vmem>>
      %dma_wait3A_210 = tpu.memref_slice %arg3[%add3A_16] : memref<425984xi32, #tpu.memory_space<hbm>> -> memref<512xi32, #tpu.memory_space<hbm>>
      %dma_wait3A_211 = arith.constant 1536 : i32
      %dma_wait3A_212 = tpu.memref_slice %arg5[%dma_wait3A_211] : memref<13312xi32, #tpu.memory_space<vmem>> -> memref<512xi32, #tpu.memory_space<vmem>>
      %dma_wait3A_213 = tpu.memref_slice %arg3[%add3A_16] : memref<425984xi32, #tpu.memory_space<hbm>> -> memref<512xi32, #tpu.memory_space<hbm>>
      tpu.wait_dma2 semaphore(%run_scoped3A : memref<!tpu.dma_semaphore, #tpu.memory_space<semaphore_mem>>) src(%dma_wait3A_213 : memref<512xi32, #tpu.memory_space<hbm>>) dst(%dma_wait3A_212 : memref<512xi32, #tpu.memory_space<vmem>>)
      tpu.yield
    }) : () -> ()
    %mul3A_17 = arith.constant 512 : i32
    %mul3A_18 = arith.muli %add3A, %mul3A_17 : i32
    %add3A_19 = arith.constant 65536 : i32
    %add3A_20 = arith.addi %add3A_19, %mul3A_18 : i32
    "tpu.region"() ({
      %run_scoped3A = tpu.sem_alloc : memref<!tpu.dma_semaphore, #tpu.memory_space<semaphore_mem>>
      %dma_start3A = arith.constant 2048 : i32
      %dma_start3A_204 = tpu.memref_slice %arg5[%dma_start3A] : memref<13312xi32, #tpu.memory_space<vmem>> -> memref<512xi32, #tpu.memory_space<vmem>>
      %dma_start3A_205 = tpu.memref_slice %arg3[%add3A_20] : memref<425984xi32, #tpu.memory_space<hbm>> -> memref<512xi32, #tpu.memory_space<hbm>>
      %dma_start3A_206 = arith.constant 2048 : i32
      %dma_start3A_207 = tpu.memref_slice %arg5[%dma_start3A_206] : memref<13312xi32, #tpu.memory_space<vmem>> -> memref<512xi32, #tpu.memory_space<vmem>>
      %dma_start3A_208 = tpu.memref_slice %arg3[%add3A_20] : memref<425984xi32, #tpu.memory_space<hbm>> -> memref<512xi32, #tpu.memory_space<hbm>>
      tpu.enqueue_dma source(%dma_start3A_208 : memref<512xi32, #tpu.memory_space<hbm>>) target(%dma_start3A_207 : memref<512xi32, #tpu.memory_space<vmem>>) target_semaphore(%run_scoped3A : memref<!tpu.dma_semaphore, #tpu.memory_space<semaphore_mem>>)
      %dma_wait3A = arith.constant 2048 : i32
      %dma_wait3A_209 = tpu.memref_slice %arg5[%dma_wait3A] : memref<13312xi32, #tpu.memory_space<vmem>> -> memref<512xi32, #tpu.memory_space<vmem>>
      %dma_wait3A_210 = tpu.memref_slice %arg3[%add3A_20] : memref<425984xi32, #tpu.memory_space<hbm>> -> memref<512xi32, #tpu.memory_space<hbm>>
      %dma_wait3A_211 = arith.constant 2048 : i32
      %dma_wait3A_212 = tpu.memref_slice %arg5[%dma_wait3A_211] : memref<13312xi32, #tpu.memory_space<vmem>> -> memref<512xi32, #tpu.memory_space<vmem>>
      %dma_wait3A_213 = tpu.memref_slice %arg3[%add3A_20] : memref<425984xi32, #tpu.memory_space<hbm>> -> memref<512xi32, #tpu.memory_space<hbm>>
      tpu.wait_dma2 semaphore(%run_scoped3A : memref<!tpu.dma_semaphore, #tpu.memory_space<semaphore_mem>>) src(%dma_wait3A_213 : memref<512xi32, #tpu.memory_space<hbm>>) dst(%dma_wait3A_212 : memref<512xi32, #tpu.memory_space<vmem>>)
      tpu.yield
    }) : () -> ()
    %mul3A_21 = arith.constant 512 : i32
    %mul3A_22 = arith.muli %add3A, %mul3A_21 : i32
    %add3A_23 = arith.constant 81920 : i32
    %add3A_24 = arith.addi %add3A_23, %mul3A_22 : i32
    "tpu.region"() ({
      %run_scoped3A = tpu.sem_alloc : memref<!tpu.dma_semaphore, #tpu.memory_space<semaphore_mem>>
      %dma_start3A = arith.constant 2560 : i32
      %dma_start3A_204 = tpu.memref_slice %arg5[%dma_start3A] : memref<13312xi32, #tpu.memory_space<vmem>> -> memref<512xi32, #tpu.memory_space<vmem>>
      %dma_start3A_205 = tpu.memref_slice %arg3[%add3A_24] : memref<425984xi32, #tpu.memory_space<hbm>> -> memref<512xi32, #tpu.memory_space<hbm>>
      %dma_start3A_206 = arith.constant 2560 : i32
      %dma_start3A_207 = tpu.memref_slice %arg5[%dma_start3A_206] : memref<13312xi32, #tpu.memory_space<vmem>> -> memref<512xi32, #tpu.memory_space<vmem>>
      %dma_start3A_208 = tpu.memref_slice %arg3[%add3A_24] : memref<425984xi32, #tpu.memory_space<hbm>> -> memref<512xi32, #tpu.memory_space<hbm>>
      tpu.enqueue_dma source(%dma_start3A_208 : memref<512xi32, #tpu.memory_space<hbm>>) target(%dma_start3A_207 : memref<512xi32, #tpu.memory_space<vmem>>) target_semaphore(%run_scoped3A : memref<!tpu.dma_semaphore, #tpu.memory_space<semaphore_mem>>)
      %dma_wait3A = arith.constant 2560 : i32
      %dma_wait3A_209 = tpu.memref_slice %arg5[%dma_wait3A] : memref<13312xi32, #tpu.memory_space<vmem>> -> memref<512xi32, #tpu.memory_space<vmem>>
      %dma_wait3A_210 = tpu.memref_slice %arg3[%add3A_24] : memref<425984xi32, #tpu.memory_space<hbm>> -> memref<512xi32, #tpu.memory_space<hbm>>
      %dma_wait3A_211 = arith.constant 2560 : i32
      %dma_wait3A_212 = tpu.memref_slice %arg5[%dma_wait3A_211] : memref<13312xi32, #tpu.memory_space<vmem>> -> memref<512xi32, #tpu.memory_space<vmem>>
      %dma_wait3A_213 = tpu.memref_slice %arg3[%add3A_24] : memref<425984xi32, #tpu.memory_space<hbm>> -> memref<512xi32, #tpu.memory_space<hbm>>
      tpu.wait_dma2 semaphore(%run_scoped3A : memref<!tpu.dma_semaphore, #tpu.memory_space<semaphore_mem>>) src(%dma_wait3A_213 : memref<512xi32, #tpu.memory_space<hbm>>) dst(%dma_wait3A_212 : memref<512xi32, #tpu.memory_space<vmem>>)
      tpu.yield
    }) : () -> ()
    %mul3A_25 = arith.constant 512 : i32
    %mul3A_26 = arith.muli %add3A, %mul3A_25 : i32
    %add3A_27 = arith.constant 98304 : i32
    %add3A_28 = arith.addi %add3A_27, %mul3A_26 : i32
    "tpu.region"() ({
      %run_scoped3A = tpu.sem_alloc : memref<!tpu.dma_semaphore, #tpu.memory_space<semaphore_mem>>
      %dma_start3A = arith.constant 3072 : i32
      %dma_start3A_204 = tpu.memref_slice %arg5[%dma_start3A] : memref<13312xi32, #tpu.memory_space<vmem>> -> memref<512xi32, #tpu.memory_space<vmem>>
      %dma_start3A_205 = tpu.memref_slice %arg3[%add3A_28] : memref<425984xi32, #tpu.memory_space<hbm>> -> memref<512xi32, #tpu.memory_space<hbm>>
      %dma_start3A_206 = arith.constant 3072 : i32
      %dma_start3A_207 = tpu.memref_slice %arg5[%dma_start3A_206] : memref<13312xi32, #tpu.memory_space<vmem>> -> memref<512xi32, #tpu.memory_space<vmem>>
      %dma_start3A_208 = tpu.memref_slice %arg3[%add3A_28] : memref<425984xi32, #tpu.memory_space<hbm>> -> memref<512xi32, #tpu.memory_space<hbm>>
      tpu.enqueue_dma source(%dma_start3A_208 : memref<512xi32, #tpu.memory_space<hbm>>) target(%dma_start3A_207 : memref<512xi32, #tpu.memory_space<vmem>>) target_semaphore(%run_scoped3A : memref<!tpu.dma_semaphore, #tpu.memory_space<semaphore_mem>>)
      %dma_wait3A = arith.constant 3072 : i32
      %dma_wait3A_209 = tpu.memref_slice %arg5[%dma_wait3A] : memref<13312xi32, #tpu.memory_space<vmem>> -> memref<512xi32, #tpu.memory_space<vmem>>
      %dma_wait3A_210 = tpu.memref_slice %arg3[%add3A_28] : memref<425984xi32, #tpu.memory_space<hbm>> -> memref<512xi32, #tpu.memory_space<hbm>>
      %dma_wait3A_211 = arith.constant 3072 : i32
      %dma_wait3A_212 = tpu.memref_slice %arg5[%dma_wait3A_211] : memref<13312xi32, #tpu.memory_space<vmem>> -> memref<512xi32, #tpu.memory_space<vmem>>
      %dma_wait3A_213 = tpu.memref_slice %arg3[%add3A_28] : memref<425984xi32, #tpu.memory_space<hbm>> -> memref<512xi32, #tpu.memory_space<hbm>>
      tpu.wait_dma2 semaphore(%run_scoped3A : memref<!tpu.dma_semaphore, #tpu.memory_space<semaphore_mem>>) src(%dma_wait3A_213 : memref<512xi32, #tpu.memory_space<hbm>>) dst(%dma_wait3A_212 : memref<512xi32, #tpu.memory_space<vmem>>)
      tpu.yield
    }) : () -> ()
    %mul3A_29 = arith.constant 512 : i32
    %mul3A_30 = arith.muli %add3A, %mul3A_29 : i32
    %add3A_31 = arith.constant 114688 : i32
    %add3A_32 = arith.addi %add3A_31, %mul3A_30 : i32
    "tpu.region"() ({
      %run_scoped3A = tpu.sem_alloc : memref<!tpu.dma_semaphore, #tpu.memory_space<semaphore_mem>>
      %dma_start3A = arith.constant 3584 : i32
      %dma_start3A_204 = tpu.memref_slice %arg5[%dma_start3A] : memref<13312xi32, #tpu.memory_space<vmem>> -> memref<512xi32, #tpu.memory_space<vmem>>
      %dma_start3A_205 = tpu.memref_slice %arg3[%add3A_32] : memref<425984xi32, #tpu.memory_space<hbm>> -> memref<512xi32, #tpu.memory_space<hbm>>
      %dma_start3A_206 = arith.constant 3584 : i32
      %dma_start3A_207 = tpu.memref_slice %arg5[%dma_start3A_206] : memref<13312xi32, #tpu.memory_space<vmem>> -> memref<512xi32, #tpu.memory_space<vmem>>
      %dma_start3A_208 = tpu.memref_slice %arg3[%add3A_32] : memref<425984xi32, #tpu.memory_space<hbm>> -> memref<512xi32, #tpu.memory_space<hbm>>
      tpu.enqueue_dma source(%dma_start3A_208 : memref<512xi32, #tpu.memory_space<hbm>>) target(%dma_start3A_207 : memref<512xi32, #tpu.memory_space<vmem>>) target_semaphore(%run_scoped3A : memref<!tpu.dma_semaphore, #tpu.memory_space<semaphore_mem>>)
      %dma_wait3A = arith.constant 3584 : i32
      %dma_wait3A_209 = tpu.memref_slice %arg5[%dma_wait3A] : memref<13312xi32, #tpu.memory_space<vmem>> -> memref<512xi32, #tpu.memory_space<vmem>>
      %dma_wait3A_210 = tpu.memref_slice %arg3[%add3A_32] : memref<425984xi32, #tpu.memory_space<hbm>> -> memref<512xi32, #tpu.memory_space<hbm>>
      %dma_wait3A_211 = arith.constant 3584 : i32
      %dma_wait3A_212 = tpu.memref_slice %arg5[%dma_wait3A_211] : memref<13312xi32, #tpu.memory_space<vmem>> -> memref<512xi32, #tpu.memory_space<vmem>>
      %dma_wait3A_213 = tpu.memref_slice %arg3[%add3A_32] : memref<425984xi32, #tpu.memory_space<hbm>> -> memref<512xi32, #tpu.memory_space<hbm>>
      tpu.wait_dma2 semaphore(%run_scoped3A : memref<!tpu.dma_semaphore, #tpu.memory_space<semaphore_mem>>) src(%dma_wait3A_213 : memref<512xi32, #tpu.memory_space<hbm>>) dst(%dma_wait3A_212 : memref<512xi32, #tpu.memory_space<vmem>>)
      tpu.yield
    }) : () -> ()
    %mul3A_33 = arith.constant 512 : i32
    %mul3A_34 = arith.muli %add3A, %mul3A_33 : i32
    %add3A_35 = arith.constant 131072 : i32
    %add3A_36 = arith.addi %add3A_35, %mul3A_34 : i32
    "tpu.region"() ({
      %run_scoped3A = tpu.sem_alloc : memref<!tpu.dma_semaphore, #tpu.memory_space<semaphore_mem>>
      %dma_start3A = arith.constant 4096 : i32
      %dma_start3A_204 = tpu.memref_slice %arg5[%dma_start3A] : memref<13312xi32, #tpu.memory_space<vmem>> -> memref<512xi32, #tpu.memory_space<vmem>>
      %dma_start3A_205 = tpu.memref_slice %arg3[%add3A_36] : memref<425984xi32, #tpu.memory_space<hbm>> -> memref<512xi32, #tpu.memory_space<hbm>>
      %dma_start3A_206 = arith.constant 4096 : i32
      %dma_start3A_207 = tpu.memref_slice %arg5[%dma_start3A_206] : memref<13312xi32, #tpu.memory_space<vmem>> -> memref<512xi32, #tpu.memory_space<vmem>>
      %dma_start3A_208 = tpu.memref_slice %arg3[%add3A_36] : memref<425984xi32, #tpu.memory_space<hbm>> -> memref<512xi32, #tpu.memory_space<hbm>>
      tpu.enqueue_dma source(%dma_start3A_208 : memref<512xi32, #tpu.memory_space<hbm>>) target(%dma_start3A_207 : memref<512xi32, #tpu.memory_space<vmem>>) target_semaphore(%run_scoped3A : memref<!tpu.dma_semaphore, #tpu.memory_space<semaphore_mem>>)
      %dma_wait3A = arith.constant 4096 : i32
      %dma_wait3A_209 = tpu.memref_slice %arg5[%dma_wait3A] : memref<13312xi32, #tpu.memory_space<vmem>> -> memref<512xi32, #tpu.memory_space<vmem>>
      %dma_wait3A_210 = tpu.memref_slice %arg3[%add3A_36] : memref<425984xi32, #tpu.memory_space<hbm>> -> memref<512xi32, #tpu.memory_space<hbm>>
      %dma_wait3A_211 = arith.constant 4096 : i32
      %dma_wait3A_212 = tpu.memref_slice %arg5[%dma_wait3A_211] : memref<13312xi32, #tpu.memory_space<vmem>> -> memref<512xi32, #tpu.memory_space<vmem>>
      %dma_wait3A_213 = tpu.memref_slice %arg3[%add3A_36] : memref<425984xi32, #tpu.memory_space<hbm>> -> memref<512xi32, #tpu.memory_space<hbm>>
      tpu.wait_dma2 semaphore(%run_scoped3A : memref<!tpu.dma_semaphore, #tpu.memory_space<semaphore_mem>>) src(%dma_wait3A_213 : memref<512xi32, #tpu.memory_space<hbm>>) dst(%dma_wait3A_212 : memref<512xi32, #tpu.memory_space<vmem>>)
      tpu.yield
    }) : () -> ()
    %mul3A_37 = arith.constant 512 : i32
    %mul3A_38 = arith.muli %add3A, %mul3A_37 : i32
    %add3A_39 = arith.constant 147456 : i32
    %add3A_40 = arith.addi %add3A_39, %mul3A_38 : i32
    "tpu.region"() ({
      %run_scoped3A = tpu.sem_alloc : memref<!tpu.dma_semaphore, #tpu.memory_space<semaphore_mem>>
      %dma_start3A = arith.constant 4608 : i32
      %dma_start3A_204 = tpu.memref_slice %arg5[%dma_start3A] : memref<13312xi32, #tpu.memory_space<vmem>> -> memref<512xi32, #tpu.memory_space<vmem>>
      %dma_start3A_205 = tpu.memref_slice %arg3[%add3A_40] : memref<425984xi32, #tpu.memory_space<hbm>> -> memref<512xi32, #tpu.memory_space<hbm>>
      %dma_start3A_206 = arith.constant 4608 : i32
      %dma_start3A_207 = tpu.memref_slice %arg5[%dma_start3A_206] : memref<13312xi32, #tpu.memory_space<vmem>> -> memref<512xi32, #tpu.memory_space<vmem>>
      %dma_start3A_208 = tpu.memref_slice %arg3[%add3A_40] : memref<425984xi32, #tpu.memory_space<hbm>> -> memref<512xi32, #tpu.memory_space<hbm>>
      tpu.enqueue_dma source(%dma_start3A_208 : memref<512xi32, #tpu.memory_space<hbm>>) target(%dma_start3A_207 : memref<512xi32, #tpu.memory_space<vmem>>) target_semaphore(%run_scoped3A : memref<!tpu.dma_semaphore, #tpu.memory_space<semaphore_mem>>)
      %dma_wait3A = arith.constant 4608 : i32
      %dma_wait3A_209 = tpu.memref_slice %arg5[%dma_wait3A] : memref<13312xi32, #tpu.memory_space<vmem>> -> memref<512xi32, #tpu.memory_space<vmem>>
      %dma_wait3A_210 = tpu.memref_slice %arg3[%add3A_40] : memref<425984xi32, #tpu.memory_space<hbm>> -> memref<512xi32, #tpu.memory_space<hbm>>
      %dma_wait3A_211 = arith.constant 4608 : i32
      %dma_wait3A_212 = tpu.memref_slice %arg5[%dma_wait3A_211] : memref<13312xi32, #tpu.memory_space<vmem>> -> memref<512xi32, #tpu.memory_space<vmem>>
      %dma_wait3A_213 = tpu.memref_slice %arg3[%add3A_40] : memref<425984xi32, #tpu.memory_space<hbm>> -> memref<512xi32, #tpu.memory_space<hbm>>
      tpu.wait_dma2 semaphore(%run_scoped3A : memref<!tpu.dma_semaphore, #tpu.memory_space<semaphore_mem>>) src(%dma_wait3A_213 : memref<512xi32, #tpu.memory_space<hbm>>) dst(%dma_wait3A_212 : memref<512xi32, #tpu.memory_space<vmem>>)
      tpu.yield
    }) : () -> ()
    %mul3A_41 = arith.constant 512 : i32
    %mul3A_42 = arith.muli %add3A, %mul3A_41 : i32
    %add3A_43 = arith.constant 163840 : i32
    %add3A_44 = arith.addi %add3A_43, %mul3A_42 : i32
    "tpu.region"() ({
      %run_scoped3A = tpu.sem_alloc : memref<!tpu.dma_semaphore, #tpu.memory_space<semaphore_mem>>
      %dma_start3A = arith.constant 5120 : i32
      %dma_start3A_204 = tpu.memref_slice %arg5[%dma_start3A] : memref<13312xi32, #tpu.memory_space<vmem>> -> memref<512xi32, #tpu.memory_space<vmem>>
      %dma_start3A_205 = tpu.memref_slice %arg3[%add3A_44] : memref<425984xi32, #tpu.memory_space<hbm>> -> memref<512xi32, #tpu.memory_space<hbm>>
      %dma_start3A_206 = arith.constant 5120 : i32
      %dma_start3A_207 = tpu.memref_slice %arg5[%dma_start3A_206] : memref<13312xi32, #tpu.memory_space<vmem>> -> memref<512xi32, #tpu.memory_space<vmem>>
      %dma_start3A_208 = tpu.memref_slice %arg3[%add3A_44] : memref<425984xi32, #tpu.memory_space<hbm>> -> memref<512xi32, #tpu.memory_space<hbm>>
      tpu.enqueue_dma source(%dma_start3A_208 : memref<512xi32, #tpu.memory_space<hbm>>) target(%dma_start3A_207 : memref<512xi32, #tpu.memory_space<vmem>>) target_semaphore(%run_scoped3A : memref<!tpu.dma_semaphore, #tpu.memory_space<semaphore_mem>>)
      %dma_wait3A = arith.constant 5120 : i32
      %dma_wait3A_209 = tpu.memref_slice %arg5[%dma_wait3A] : memref<13312xi32, #tpu.memory_space<vmem>> -> memref<512xi32, #tpu.memory_space<vmem>>
      %dma_wait3A_210 = tpu.memref_slice %arg3[%add3A_44] : memref<425984xi32, #tpu.memory_space<hbm>> -> memref<512xi32, #tpu.memory_space<hbm>>
      %dma_wait3A_211 = arith.constant 5120 : i32
      %dma_wait3A_212 = tpu.memref_slice %arg5[%dma_wait3A_211] : memref<13312xi32, #tpu.memory_space<vmem>> -> memref<512xi32, #tpu.memory_space<vmem>>
      %dma_wait3A_213 = tpu.memref_slice %arg3[%add3A_44] : memref<425984xi32, #tpu.memory_space<hbm>> -> memref<512xi32, #tpu.memory_space<hbm>>
      tpu.wait_dma2 semaphore(%run_scoped3A : memref<!tpu.dma_semaphore, #tpu.memory_space<semaphore_mem>>) src(%dma_wait3A_213 : memref<512xi32, #tpu.memory_space<hbm>>) dst(%dma_wait3A_212 : memref<512xi32, #tpu.memory_space<vmem>>)
      tpu.yield
    }) : () -> ()
    %mul3A_45 = arith.constant 512 : i32
    %mul3A_46 = arith.muli %add3A, %mul3A_45 : i32
    %add3A_47 = arith.constant 180224 : i32
    %add3A_48 = arith.addi %add3A_47, %mul3A_46 : i32
    "tpu.region"() ({
      %run_scoped3A = tpu.sem_alloc : memref<!tpu.dma_semaphore, #tpu.memory_space<semaphore_mem>>
      %dma_start3A = arith.constant 5632 : i32
      %dma_start3A_204 = tpu.memref_slice %arg5[%dma_start3A] : memref<13312xi32, #tpu.memory_space<vmem>> -> memref<512xi32, #tpu.memory_space<vmem>>
      %dma_start3A_205 = tpu.memref_slice %arg3[%add3A_48] : memref<425984xi32, #tpu.memory_space<hbm>> -> memref<512xi32, #tpu.memory_space<hbm>>
      %dma_start3A_206 = arith.constant 5632 : i32
      %dma_start3A_207 = tpu.memref_slice %arg5[%dma_start3A_206] : memref<13312xi32, #tpu.memory_space<vmem>> -> memref<512xi32, #tpu.memory_space<vmem>>
      %dma_start3A_208 = tpu.memref_slice %arg3[%add3A_48] : memref<425984xi32, #tpu.memory_space<hbm>> -> memref<512xi32, #tpu.memory_space<hbm>>
      tpu.enqueue_dma source(%dma_start3A_208 : memref<512xi32, #tpu.memory_space<hbm>>) target(%dma_start3A_207 : memref<512xi32, #tpu.memory_space<vmem>>) target_semaphore(%run_scoped3A : memref<!tpu.dma_semaphore, #tpu.memory_space<semaphore_mem>>)
      %dma_wait3A = arith.constant 5632 : i32
      %dma_wait3A_209 = tpu.memref_slice %arg5[%dma_wait3A] : memref<13312xi32, #tpu.memory_space<vmem>> -> memref<512xi32, #tpu.memory_space<vmem>>
      %dma_wait3A_210 = tpu.memref_slice %arg3[%add3A_48] : memref<425984xi32, #tpu.memory_space<hbm>> -> memref<512xi32, #tpu.memory_space<hbm>>
      %dma_wait3A_211 = arith.constant 5632 : i32
      %dma_wait3A_212 = tpu.memref_slice %arg5[%dma_wait3A_211] : memref<13312xi32, #tpu.memory_space<vmem>> -> memref<512xi32, #tpu.memory_space<vmem>>
      %dma_wait3A_213 = tpu.memref_slice %arg3[%add3A_48] : memref<425984xi32, #tpu.memory_space<hbm>> -> memref<512xi32, #tpu.memory_space<hbm>>
      tpu.wait_dma2 semaphore(%run_scoped3A : memref<!tpu.dma_semaphore, #tpu.memory_space<semaphore_mem>>) src(%dma_wait3A_213 : memref<512xi32, #tpu.memory_space<hbm>>) dst(%dma_wait3A_212 : memref<512xi32, #tpu.memory_space<vmem>>)
      tpu.yield
    }) : () -> ()
    %mul3A_49 = arith.constant 512 : i32
    %mul3A_50 = arith.muli %add3A, %mul3A_49 : i32
    %add3A_51 = arith.constant 196608 : i32
    %add3A_52 = arith.addi %add3A_51, %mul3A_50 : i32
    "tpu.region"() ({
      %run_scoped3A = tpu.sem_alloc : memref<!tpu.dma_semaphore, #tpu.memory_space<semaphore_mem>>
      %dma_start3A = arith.constant 6144 : i32
      %dma_start3A_204 = tpu.memref_slice %arg5[%dma_start3A] : memref<13312xi32, #tpu.memory_space<vmem>> -> memref<512xi32, #tpu.memory_space<vmem>>
      %dma_start3A_205 = tpu.memref_slice %arg3[%add3A_52] : memref<425984xi32, #tpu.memory_space<hbm>> -> memref<512xi32, #tpu.memory_space<hbm>>
      %dma_start3A_206 = arith.constant 6144 : i32
      %dma_start3A_207 = tpu.memref_slice %arg5[%dma_start3A_206] : memref<13312xi32, #tpu.memory_space<vmem>> -> memref<512xi32, #tpu.memory_space<vmem>>
      %dma_start3A_208 = tpu.memref_slice %arg3[%add3A_52] : memref<425984xi32, #tpu.memory_space<hbm>> -> memref<512xi32, #tpu.memory_space<hbm>>
      tpu.enqueue_dma source(%dma_start3A_208 : memref<512xi32, #tpu.memory_space<hbm>>) target(%dma_start3A_207 : memref<512xi32, #tpu.memory_space<vmem>>) target_semaphore(%run_scoped3A : memref<!tpu.dma_semaphore, #tpu.memory_space<semaphore_mem>>)
      %dma_wait3A = arith.constant 6144 : i32
      %dma_wait3A_209 = tpu.memref_slice %arg5[%dma_wait3A] : memref<13312xi32, #tpu.memory_space<vmem>> -> memref<512xi32, #tpu.memory_space<vmem>>
      %dma_wait3A_210 = tpu.memref_slice %arg3[%add3A_52] : memref<425984xi32, #tpu.memory_space<hbm>> -> memref<512xi32, #tpu.memory_space<hbm>>
      %dma_wait3A_211 = arith.constant 6144 : i32
      %dma_wait3A_212 = tpu.memref_slice %arg5[%dma_wait3A_211] : memref<13312xi32, #tpu.memory_space<vmem>> -> memref<512xi32, #tpu.memory_space<vmem>>
      %dma_wait3A_213 = tpu.memref_slice %arg3[%add3A_52] : memref<425984xi32, #tpu.memory_space<hbm>> -> memref<512xi32, #tpu.memory_space<hbm>>
      tpu.wait_dma2 semaphore(%run_scoped3A : memref<!tpu.dma_semaphore, #tpu.memory_space<semaphore_mem>>) src(%dma_wait3A_213 : memref<512xi32, #tpu.memory_space<hbm>>) dst(%dma_wait3A_212 : memref<512xi32, #tpu.memory_space<vmem>>)
      tpu.yield
    }) : () -> ()
    %mul3A_53 = arith.constant 512 : i32
    %mul3A_54 = arith.muli %add3A, %mul3A_53 : i32
    %add3A_55 = arith.constant 212992 : i32
    %add3A_56 = arith.addi %add3A_55, %mul3A_54 : i32
    "tpu.region"() ({
      %run_scoped3A = tpu.sem_alloc : memref<!tpu.dma_semaphore, #tpu.memory_space<semaphore_mem>>
      %dma_start3A = arith.constant 6656 : i32
      %dma_start3A_204 = tpu.memref_slice %arg5[%dma_start3A] : memref<13312xi32, #tpu.memory_space<vmem>> -> memref<512xi32, #tpu.memory_space<vmem>>
      %dma_start3A_205 = tpu.memref_slice %arg3[%add3A_56] : memref<425984xi32, #tpu.memory_space<hbm>> -> memref<512xi32, #tpu.memory_space<hbm>>
      %dma_start3A_206 = arith.constant 6656 : i32
      %dma_start3A_207 = tpu.memref_slice %arg5[%dma_start3A_206] : memref<13312xi32, #tpu.memory_space<vmem>> -> memref<512xi32, #tpu.memory_space<vmem>>
      %dma_start3A_208 = tpu.memref_slice %arg3[%add3A_56] : memref<425984xi32, #tpu.memory_space<hbm>> -> memref<512xi32, #tpu.memory_space<hbm>>
      tpu.enqueue_dma source(%dma_start3A_208 : memref<512xi32, #tpu.memory_space<hbm>>) target(%dma_start3A_207 : memref<512xi32, #tpu.memory_space<vmem>>) target_semaphore(%run_scoped3A : memref<!tpu.dma_semaphore, #tpu.memory_space<semaphore_mem>>)
      %dma_wait3A = arith.constant 6656 : i32
      %dma_wait3A_209 = tpu.memref_slice %arg5[%dma_wait3A] : memref<13312xi32, #tpu.memory_space<vmem>> -> memref<512xi32, #tpu.memory_space<vmem>>
      %dma_wait3A_210 = tpu.memref_slice %arg3[%add3A_56] : memref<425984xi32, #tpu.memory_space<hbm>> -> memref<512xi32, #tpu.memory_space<hbm>>
      %dma_wait3A_211 = arith.constant 6656 : i32
      %dma_wait3A_212 = tpu.memref_slice %arg5[%dma_wait3A_211] : memref<13312xi32, #tpu.memory_space<vmem>> -> memref<512xi32, #tpu.memory_space<vmem>>
      %dma_wait3A_213 = tpu.memref_slice %arg3[%add3A_56] : memref<425984xi32, #tpu.memory_space<hbm>> -> memref<512xi32, #tpu.memory_space<hbm>>
      tpu.wait_dma2 semaphore(%run_scoped3A : memref<!tpu.dma_semaphore, #tpu.memory_space<semaphore_mem>>) src(%dma_wait3A_213 : memref<512xi32, #tpu.memory_space<hbm>>) dst(%dma_wait3A_212 : memref<512xi32, #tpu.memory_space<vmem>>)
      tpu.yield
    }) : () -> ()
    %mul3A_57 = arith.constant 512 : i32
    %mul3A_58 = arith.muli %add3A, %mul3A_57 : i32
    %add3A_59 = arith.constant 229376 : i32
    %add3A_60 = arith.addi %add3A_59, %mul3A_58 : i32
    "tpu.region"() ({
      %run_scoped3A = tpu.sem_alloc : memref<!tpu.dma_semaphore, #tpu.memory_space<semaphore_mem>>
      %dma_start3A = arith.constant 7168 : i32
      %dma_start3A_204 = tpu.memref_slice %arg5[%dma_start3A] : memref<13312xi32, #tpu.memory_space<vmem>> -> memref<512xi32, #tpu.memory_space<vmem>>
      %dma_start3A_205 = tpu.memref_slice %arg3[%add3A_60] : memref<425984xi32, #tpu.memory_space<hbm>> -> memref<512xi32, #tpu.memory_space<hbm>>
      %dma_start3A_206 = arith.constant 7168 : i32
      %dma_start3A_207 = tpu.memref_slice %arg5[%dma_start3A_206] : memref<13312xi32, #tpu.memory_space<vmem>> -> memref<512xi32, #tpu.memory_space<vmem>>
      %dma_start3A_208 = tpu.memref_slice %arg3[%add3A_60] : memref<425984xi32, #tpu.memory_space<hbm>> -> memref<512xi32, #tpu.memory_space<hbm>>
      tpu.enqueue_dma source(%dma_start3A_208 : memref<512xi32, #tpu.memory_space<hbm>>) target(%dma_start3A_207 : memref<512xi32, #tpu.memory_space<vmem>>) target_semaphore(%run_scoped3A : memref<!tpu.dma_semaphore, #tpu.memory_space<semaphore_mem>>)
      %dma_wait3A = arith.constant 7168 : i32
      %dma_wait3A_209 = tpu.memref_slice %arg5[%dma_wait3A] : memref<13312xi32, #tpu.memory_space<vmem>> -> memref<512xi32, #tpu.memory_space<vmem>>
      %dma_wait3A_210 = tpu.memref_slice %arg3[%add3A_60] : memref<425984xi32, #tpu.memory_space<hbm>> -> memref<512xi32, #tpu.memory_space<hbm>>
      %dma_wait3A_211 = arith.constant 7168 : i32
      %dma_wait3A_212 = tpu.memref_slice %arg5[%dma_wait3A_211] : memref<13312xi32, #tpu.memory_space<vmem>> -> memref<512xi32, #tpu.memory_space<vmem>>
      %dma_wait3A_213 = tpu.memref_slice %arg3[%add3A_60] : memref<425984xi32, #tpu.memory_space<hbm>> -> memref<512xi32, #tpu.memory_space<hbm>>
      tpu.wait_dma2 semaphore(%run_scoped3A : memref<!tpu.dma_semaphore, #tpu.memory_space<semaphore_mem>>) src(%dma_wait3A_213 : memref<512xi32, #tpu.memory_space<hbm>>) dst(%dma_wait3A_212 : memref<512xi32, #tpu.memory_space<vmem>>)
      tpu.yield
    }) : () -> ()
    %mul3A_61 = arith.constant 512 : i32
    %mul3A_62 = arith.muli %add3A, %mul3A_61 : i32
    %add3A_63 = arith.constant 245760 : i32
    %add3A_64 = arith.addi %add3A_63, %mul3A_62 : i32
    "tpu.region"() ({
      %run_scoped3A = tpu.sem_alloc : memref<!tpu.dma_semaphore, #tpu.memory_space<semaphore_mem>>
      %dma_start3A = arith.constant 7680 : i32
      %dma_start3A_204 = tpu.memref_slice %arg5[%dma_start3A] : memref<13312xi32, #tpu.memory_space<vmem>> -> memref<512xi32, #tpu.memory_space<vmem>>
      %dma_start3A_205 = tpu.memref_slice %arg3[%add3A_64] : memref<425984xi32, #tpu.memory_space<hbm>> -> memref<512xi32, #tpu.memory_space<hbm>>
      %dma_start3A_206 = arith.constant 7680 : i32
      %dma_start3A_207 = tpu.memref_slice %arg5[%dma_start3A_206] : memref<13312xi32, #tpu.memory_space<vmem>> -> memref<512xi32, #tpu.memory_space<vmem>>
      %dma_start3A_208 = tpu.memref_slice %arg3[%add3A_64] : memref<425984xi32, #tpu.memory_space<hbm>> -> memref<512xi32, #tpu.memory_space<hbm>>
      tpu.enqueue_dma source(%dma_start3A_208 : memref<512xi32, #tpu.memory_space<hbm>>) target(%dma_start3A_207 : memref<512xi32, #tpu.memory_space<vmem>>) target_semaphore(%run_scoped3A : memref<!tpu.dma_semaphore, #tpu.memory_space<semaphore_mem>>)
      %dma_wait3A = arith.constant 7680 : i32
      %dma_wait3A_209 = tpu.memref_slice %arg5[%dma_wait3A] : memref<13312xi32, #tpu.memory_space<vmem>> -> memref<512xi32, #tpu.memory_space<vmem>>
      %dma_wait3A_210 = tpu.memref_slice %arg3[%add3A_64] : memref<425984xi32, #tpu.memory_space<hbm>> -> memref<512xi32, #tpu.memory_space<hbm>>
      %dma_wait3A_211 = arith.constant 7680 : i32
      %dma_wait3A_212 = tpu.memref_slice %arg5[%dma_wait3A_211] : memref<13312xi32, #tpu.memory_space<vmem>> -> memref<512xi32, #tpu.memory_space<vmem>>
      %dma_wait3A_213 = tpu.memref_slice %arg3[%add3A_64] : memref<425984xi32, #tpu.memory_space<hbm>> -> memref<512xi32, #tpu.memory_space<hbm>>
      tpu.wait_dma2 semaphore(%run_scoped3A : memref<!tpu.dma_semaphore, #tpu.memory_space<semaphore_mem>>) src(%dma_wait3A_213 : memref<512xi32, #tpu.memory_space<hbm>>) dst(%dma_wait3A_212 : memref<512xi32, #tpu.memory_space<vmem>>)
      tpu.yield
    }) : () -> ()
    %mul3A_65 = arith.constant 512 : i32
    %mul3A_66 = arith.muli %add3A, %mul3A_65 : i32
    %add3A_67 = arith.constant 262144 : i32
    %add3A_68 = arith.addi %add3A_67, %mul3A_66 : i32
    "tpu.region"() ({
      %run_scoped3A = tpu.sem_alloc : memref<!tpu.dma_semaphore, #tpu.memory_space<semaphore_mem>>
      %dma_start3A = arith.constant 8192 : i32
      %dma_start3A_204 = tpu.memref_slice %arg5[%dma_start3A] : memref<13312xi32, #tpu.memory_space<vmem>> -> memref<512xi32, #tpu.memory_space<vmem>>
      %dma_start3A_205 = tpu.memref_slice %arg3[%add3A_68] : memref<425984xi32, #tpu.memory_space<hbm>> -> memref<512xi32, #tpu.memory_space<hbm>>
      %dma_start3A_206 = arith.constant 8192 : i32
      %dma_start3A_207 = tpu.memref_slice %arg5[%dma_start3A_206] : memref<13312xi32, #tpu.memory_space<vmem>> -> memref<512xi32, #tpu.memory_space<vmem>>
      %dma_start3A_208 = tpu.memref_slice %arg3[%add3A_68] : memref<425984xi32, #tpu.memory_space<hbm>> -> memref<512xi32, #tpu.memory_space<hbm>>
      tpu.enqueue_dma source(%dma_start3A_208 : memref<512xi32, #tpu.memory_space<hbm>>) target(%dma_start3A_207 : memref<512xi32, #tpu.memory_space<vmem>>) target_semaphore(%run_scoped3A : memref<!tpu.dma_semaphore, #tpu.memory_space<semaphore_mem>>)
      %dma_wait3A = arith.constant 8192 : i32
      %dma_wait3A_209 = tpu.memref_slice %arg5[%dma_wait3A] : memref<13312xi32, #tpu.memory_space<vmem>> -> memref<512xi32, #tpu.memory_space<vmem>>
      %dma_wait3A_210 = tpu.memref_slice %arg3[%add3A_68] : memref<425984xi32, #tpu.memory_space<hbm>> -> memref<512xi32, #tpu.memory_space<hbm>>
      %dma_wait3A_211 = arith.constant 8192 : i32
      %dma_wait3A_212 = tpu.memref_slice %arg5[%dma_wait3A_211] : memref<13312xi32, #tpu.memory_space<vmem>> -> memref<512xi32, #tpu.memory_space<vmem>>
      %dma_wait3A_213 = tpu.memref_slice %arg3[%add3A_68] : memref<425984xi32, #tpu.memory_space<hbm>> -> memref<512xi32, #tpu.memory_space<hbm>>
      tpu.wait_dma2 semaphore(%run_scoped3A : memref<!tpu.dma_semaphore, #tpu.memory_space<semaphore_mem>>) src(%dma_wait3A_213 : memref<512xi32, #tpu.memory_space<hbm>>) dst(%dma_wait3A_212 : memref<512xi32, #tpu.memory_space<vmem>>)
      tpu.yield
    }) : () -> ()
    %mul3A_69 = arith.constant 512 : i32
    %mul3A_70 = arith.muli %add3A, %mul3A_69 : i32
    %add3A_71 = arith.constant 278528 : i32
    %add3A_72 = arith.addi %add3A_71, %mul3A_70 : i32
    "tpu.region"() ({
      %run_scoped3A = tpu.sem_alloc : memref<!tpu.dma_semaphore, #tpu.memory_space<semaphore_mem>>
      %dma_start3A = arith.constant 8704 : i32
      %dma_start3A_204 = tpu.memref_slice %arg5[%dma_start3A] : memref<13312xi32, #tpu.memory_space<vmem>> -> memref<512xi32, #tpu.memory_space<vmem>>
      %dma_start3A_205 = tpu.memref_slice %arg3[%add3A_72] : memref<425984xi32, #tpu.memory_space<hbm>> -> memref<512xi32, #tpu.memory_space<hbm>>
      %dma_start3A_206 = arith.constant 8704 : i32
      %dma_start3A_207 = tpu.memref_slice %arg5[%dma_start3A_206] : memref<13312xi32, #tpu.memory_space<vmem>> -> memref<512xi32, #tpu.memory_space<vmem>>
      %dma_start3A_208 = tpu.memref_slice %arg3[%add3A_72] : memref<425984xi32, #tpu.memory_space<hbm>> -> memref<512xi32, #tpu.memory_space<hbm>>
      tpu.enqueue_dma source(%dma_start3A_208 : memref<512xi32, #tpu.memory_space<hbm>>) target(%dma_start3A_207 : memref<512xi32, #tpu.memory_space<vmem>>) target_semaphore(%run_scoped3A : memref<!tpu.dma_semaphore, #tpu.memory_space<semaphore_mem>>)
      %dma_wait3A = arith.constant 8704 : i32
      %dma_wait3A_209 = tpu.memref_slice %arg5[%dma_wait3A] : memref<13312xi32, #tpu.memory_space<vmem>> -> memref<512xi32, #tpu.memory_space<vmem>>
      %dma_wait3A_210 = tpu.memref_slice %arg3[%add3A_72] : memref<425984xi32, #tpu.memory_space<hbm>> -> memref<512xi32, #tpu.memory_space<hbm>>
      %dma_wait3A_211 = arith.constant 8704 : i32
      %dma_wait3A_212 = tpu.memref_slice %arg5[%dma_wait3A_211] : memref<13312xi32, #tpu.memory_space<vmem>> -> memref<512xi32, #tpu.memory_space<vmem>>
      %dma_wait3A_213 = tpu.memref_slice %arg3[%add3A_72] : memref<425984xi32, #tpu.memory_space<hbm>> -> memref<512xi32, #tpu.memory_space<hbm>>
      tpu.wait_dma2 semaphore(%run_scoped3A : memref<!tpu.dma_semaphore, #tpu.memory_space<semaphore_mem>>) src(%dma_wait3A_213 : memref<512xi32, #tpu.memory_space<hbm>>) dst(%dma_wait3A_212 : memref<512xi32, #tpu.memory_space<vmem>>)
      tpu.yield
    }) : () -> ()
    %mul3A_73 = arith.constant 512 : i32
    %mul3A_74 = arith.muli %add3A, %mul3A_73 : i32
    %add3A_75 = arith.constant 294912 : i32
    %add3A_76 = arith.addi %add3A_75, %mul3A_74 : i32
    "tpu.region"() ({
      %run_scoped3A = tpu.sem_alloc : memref<!tpu.dma_semaphore, #tpu.memory_space<semaphore_mem>>
      %dma_start3A = arith.constant 9216 : i32
      %dma_start3A_204 = tpu.memref_slice %arg5[%dma_start3A] : memref<13312xi32, #tpu.memory_space<vmem>> -> memref<512xi32, #tpu.memory_space<vmem>>
      %dma_start3A_205 = tpu.memref_slice %arg3[%add3A_76] : memref<425984xi32, #tpu.memory_space<hbm>> -> memref<512xi32, #tpu.memory_space<hbm>>
      %dma_start3A_206 = arith.constant 9216 : i32
      %dma_start3A_207 = tpu.memref_slice %arg5[%dma_start3A_206] : memref<13312xi32, #tpu.memory_space<vmem>> -> memref<512xi32, #tpu.memory_space<vmem>>
      %dma_start3A_208 = tpu.memref_slice %arg3[%add3A_76] : memref<425984xi32, #tpu.memory_space<hbm>> -> memref<512xi32, #tpu.memory_space<hbm>>
      tpu.enqueue_dma source(%dma_start3A_208 : memref<512xi32, #tpu.memory_space<hbm>>) target(%dma_start3A_207 : memref<512xi32, #tpu.memory_space<vmem>>) target_semaphore(%run_scoped3A : memref<!tpu.dma_semaphore, #tpu.memory_space<semaphore_mem>>)
      %dma_wait3A = arith.constant 9216 : i32
      %dma_wait3A_209 = tpu.memref_slice %arg5[%dma_wait3A] : memref<13312xi32, #tpu.memory_space<vmem>> -> memref<512xi32, #tpu.memory_space<vmem>>
      %dma_wait3A_210 = tpu.memref_slice %arg3[%add3A_76] : memref<425984xi32, #tpu.memory_space<hbm>> -> memref<512xi32, #tpu.memory_space<hbm>>
      %dma_wait3A_211 = arith.constant 9216 : i32
      %dma_wait3A_212 = tpu.memref_slice %arg5[%dma_wait3A_211] : memref<13312xi32, #tpu.memory_space<vmem>> -> memref<512xi32, #tpu.memory_space<vmem>>
      %dma_wait3A_213 = tpu.memref_slice %arg3[%add3A_76] : memref<425984xi32, #tpu.memory_space<hbm>> -> memref<512xi32, #tpu.memory_space<hbm>>
      tpu.wait_dma2 semaphore(%run_scoped3A : memref<!tpu.dma_semaphore, #tpu.memory_space<semaphore_mem>>) src(%dma_wait3A_213 : memref<512xi32, #tpu.memory_space<hbm>>) dst(%dma_wait3A_212 : memref<512xi32, #tpu.memory_space<vmem>>)
      tpu.yield
    }) : () -> ()
    %mul3A_77 = arith.constant 512 : i32
    %mul3A_78 = arith.muli %add3A, %mul3A_77 : i32
    %add3A_79 = arith.constant 311296 : i32
    %add3A_80 = arith.addi %add3A_79, %mul3A_78 : i32
    "tpu.region"() ({
      %run_scoped3A = tpu.sem_alloc : memref<!tpu.dma_semaphore, #tpu.memory_space<semaphore_mem>>
      %dma_start3A = arith.constant 9728 : i32
      %dma_start3A_204 = tpu.memref_slice %arg5[%dma_start3A] : memref<13312xi32, #tpu.memory_space<vmem>> -> memref<512xi32, #tpu.memory_space<vmem>>
      %dma_start3A_205 = tpu.memref_slice %arg3[%add3A_80] : memref<425984xi32, #tpu.memory_space<hbm>> -> memref<512xi32, #tpu.memory_space<hbm>>
      %dma_start3A_206 = arith.constant 9728 : i32
      %dma_start3A_207 = tpu.memref_slice %arg5[%dma_start3A_206] : memref<13312xi32, #tpu.memory_space<vmem>> -> memref<512xi32, #tpu.memory_space<vmem>>
      %dma_start3A_208 = tpu.memref_slice %arg3[%add3A_80] : memref<425984xi32, #tpu.memory_space<hbm>> -> memref<512xi32, #tpu.memory_space<hbm>>
      tpu.enqueue_dma source(%dma_start3A_208 : memref<512xi32, #tpu.memory_space<hbm>>) target(%dma_start3A_207 : memref<512xi32, #tpu.memory_space<vmem>>) target_semaphore(%run_scoped3A : memref<!tpu.dma_semaphore, #tpu.memory_space<semaphore_mem>>)
      %dma_wait3A = arith.constant 9728 : i32
      %dma_wait3A_209 = tpu.memref_slice %arg5[%dma_wait3A] : memref<13312xi32, #tpu.memory_space<vmem>> -> memref<512xi32, #tpu.memory_space<vmem>>
      %dma_wait3A_210 = tpu.memref_slice %arg3[%add3A_80] : memref<425984xi32, #tpu.memory_space<hbm>> -> memref<512xi32, #tpu.memory_space<hbm>>
      %dma_wait3A_211 = arith.constant 9728 : i32
      %dma_wait3A_212 = tpu.memref_slice %arg5[%dma_wait3A_211] : memref<13312xi32, #tpu.memory_space<vmem>> -> memref<512xi32, #tpu.memory_space<vmem>>
      %dma_wait3A_213 = tpu.memref_slice %arg3[%add3A_80] : memref<425984xi32, #tpu.memory_space<hbm>> -> memref<512xi32, #tpu.memory_space<hbm>>
      tpu.wait_dma2 semaphore(%run_scoped3A : memref<!tpu.dma_semaphore, #tpu.memory_space<semaphore_mem>>) src(%dma_wait3A_213 : memref<512xi32, #tpu.memory_space<hbm>>) dst(%dma_wait3A_212 : memref<512xi32, #tpu.memory_space<vmem>>)
      tpu.yield
    }) : () -> ()
    %mul3A_81 = arith.constant 512 : i32
    %mul3A_82 = arith.muli %add3A, %mul3A_81 : i32
    %add3A_83 = arith.constant 327680 : i32
    %add3A_84 = arith.addi %add3A_83, %mul3A_82 : i32
    "tpu.region"() ({
      %run_scoped3A = tpu.sem_alloc : memref<!tpu.dma_semaphore, #tpu.memory_space<semaphore_mem>>
      %dma_start3A = arith.constant 10240 : i32
      %dma_start3A_204 = tpu.memref_slice %arg5[%dma_start3A] : memref<13312xi32, #tpu.memory_space<vmem>> -> memref<512xi32, #tpu.memory_space<vmem>>
      %dma_start3A_205 = tpu.memref_slice %arg3[%add3A_84] : memref<425984xi32, #tpu.memory_space<hbm>> -> memref<512xi32, #tpu.memory_space<hbm>>
      %dma_start3A_206 = arith.constant 10240 : i32
      %dma_start3A_207 = tpu.memref_slice %arg5[%dma_start3A_206] : memref<13312xi32, #tpu.memory_space<vmem>> -> memref<512xi32, #tpu.memory_space<vmem>>
      %dma_start3A_208 = tpu.memref_slice %arg3[%add3A_84] : memref<425984xi32, #tpu.memory_space<hbm>> -> memref<512xi32, #tpu.memory_space<hbm>>
      tpu.enqueue_dma source(%dma_start3A_208 : memref<512xi32, #tpu.memory_space<hbm>>) target(%dma_start3A_207 : memref<512xi32, #tpu.memory_space<vmem>>) target_semaphore(%run_scoped3A : memref<!tpu.dma_semaphore, #tpu.memory_space<semaphore_mem>>)
      %dma_wait3A = arith.constant 10240 : i32
      %dma_wait3A_209 = tpu.memref_slice %arg5[%dma_wait3A] : memref<13312xi32, #tpu.memory_space<vmem>> -> memref<512xi32, #tpu.memory_space<vmem>>
      %dma_wait3A_210 = tpu.memref_slice %arg3[%add3A_84] : memref<425984xi32, #tpu.memory_space<hbm>> -> memref<512xi32, #tpu.memory_space<hbm>>
      %dma_wait3A_211 = arith.constant 10240 : i32
      %dma_wait3A_212 = tpu.memref_slice %arg5[%dma_wait3A_211] : memref<13312xi32, #tpu.memory_space<vmem>> -> memref<512xi32, #tpu.memory_space<vmem>>
      %dma_wait3A_213 = tpu.memref_slice %arg3[%add3A_84] : memref<425984xi32, #tpu.memory_space<hbm>> -> memref<512xi32, #tpu.memory_space<hbm>>
      tpu.wait_dma2 semaphore(%run_scoped3A : memref<!tpu.dma_semaphore, #tpu.memory_space<semaphore_mem>>) src(%dma_wait3A_213 : memref<512xi32, #tpu.memory_space<hbm>>) dst(%dma_wait3A_212 : memref<512xi32, #tpu.memory_space<vmem>>)
      tpu.yield
    }) : () -> ()
    %mul3A_85 = arith.constant 512 : i32
    %mul3A_86 = arith.muli %add3A, %mul3A_85 : i32
    %add3A_87 = arith.constant 344064 : i32
    %add3A_88 = arith.addi %add3A_87, %mul3A_86 : i32
    "tpu.region"() ({
      %run_scoped3A = tpu.sem_alloc : memref<!tpu.dma_semaphore, #tpu.memory_space<semaphore_mem>>
      %dma_start3A = arith.constant 10752 : i32
      %dma_start3A_204 = tpu.memref_slice %arg5[%dma_start3A] : memref<13312xi32, #tpu.memory_space<vmem>> -> memref<512xi32, #tpu.memory_space<vmem>>
      %dma_start3A_205 = tpu.memref_slice %arg3[%add3A_88] : memref<425984xi32, #tpu.memory_space<hbm>> -> memref<512xi32, #tpu.memory_space<hbm>>
      %dma_start3A_206 = arith.constant 10752 : i32
      %dma_start3A_207 = tpu.memref_slice %arg5[%dma_start3A_206] : memref<13312xi32, #tpu.memory_space<vmem>> -> memref<512xi32, #tpu.memory_space<vmem>>
      %dma_start3A_208 = tpu.memref_slice %arg3[%add3A_88] : memref<425984xi32, #tpu.memory_space<hbm>> -> memref<512xi32, #tpu.memory_space<hbm>>
      tpu.enqueue_dma source(%dma_start3A_208 : memref<512xi32, #tpu.memory_space<hbm>>) target(%dma_start3A_207 : memref<512xi32, #tpu.memory_space<vmem>>) target_semaphore(%run_scoped3A : memref<!tpu.dma_semaphore, #tpu.memory_space<semaphore_mem>>)
      %dma_wait3A = arith.constant 10752 : i32
      %dma_wait3A_209 = tpu.memref_slice %arg5[%dma_wait3A] : memref<13312xi32, #tpu.memory_space<vmem>> -> memref<512xi32, #tpu.memory_space<vmem>>
      %dma_wait3A_210 = tpu.memref_slice %arg3[%add3A_88] : memref<425984xi32, #tpu.memory_space<hbm>> -> memref<512xi32, #tpu.memory_space<hbm>>
      %dma_wait3A_211 = arith.constant 10752 : i32
      %dma_wait3A_212 = tpu.memref_slice %arg5[%dma_wait3A_211] : memref<13312xi32, #tpu.memory_space<vmem>> -> memref<512xi32, #tpu.memory_space<vmem>>
      %dma_wait3A_213 = tpu.memref_slice %arg3[%add3A_88] : memref<425984xi32, #tpu.memory_space<hbm>> -> memref<512xi32, #tpu.memory_space<hbm>>
      tpu.wait_dma2 semaphore(%run_scoped3A : memref<!tpu.dma_semaphore, #tpu.memory_space<semaphore_mem>>) src(%dma_wait3A_213 : memref<512xi32, #tpu.memory_space<hbm>>) dst(%dma_wait3A_212 : memref<512xi32, #tpu.memory_space<vmem>>)
      tpu.yield
    }) : () -> ()
    %mul3A_89 = arith.constant 512 : i32
    %mul3A_90 = arith.muli %add3A, %mul3A_89 : i32
    %add3A_91 = arith.constant 360448 : i32
    %add3A_92 = arith.addi %add3A_91, %mul3A_90 : i32
    "tpu.region"() ({
      %run_scoped3A = tpu.sem_alloc : memref<!tpu.dma_semaphore, #tpu.memory_space<semaphore_mem>>
      %dma_start3A = arith.constant 11264 : i32
      %dma_start3A_204 = tpu.memref_slice %arg5[%dma_start3A] : memref<13312xi32, #tpu.memory_space<vmem>> -> memref<512xi32, #tpu.memory_space<vmem>>
      %dma_start3A_205 = tpu.memref_slice %arg3[%add3A_92] : memref<425984xi32, #tpu.memory_space<hbm>> -> memref<512xi32, #tpu.memory_space<hbm>>
      %dma_start3A_206 = arith.constant 11264 : i32
      %dma_start3A_207 = tpu.memref_slice %arg5[%dma_start3A_206] : memref<13312xi32, #tpu.memory_space<vmem>> -> memref<512xi32, #tpu.memory_space<vmem>>
      %dma_start3A_208 = tpu.memref_slice %arg3[%add3A_92] : memref<425984xi32, #tpu.memory_space<hbm>> -> memref<512xi32, #tpu.memory_space<hbm>>
      tpu.enqueue_dma source(%dma_start3A_208 : memref<512xi32, #tpu.memory_space<hbm>>) target(%dma_start3A_207 : memref<512xi32, #tpu.memory_space<vmem>>) target_semaphore(%run_scoped3A : memref<!tpu.dma_semaphore, #tpu.memory_space<semaphore_mem>>)
      %dma_wait3A = arith.constant 11264 : i32
      %dma_wait3A_209 = tpu.memref_slice %arg5[%dma_wait3A] : memref<13312xi32, #tpu.memory_space<vmem>> -> memref<512xi32, #tpu.memory_space<vmem>>
      %dma_wait3A_210 = tpu.memref_slice %arg3[%add3A_92] : memref<425984xi32, #tpu.memory_space<hbm>> -> memref<512xi32, #tpu.memory_space<hbm>>
      %dma_wait3A_211 = arith.constant 11264 : i32
      %dma_wait3A_212 = tpu.memref_slice %arg5[%dma_wait3A_211] : memref<13312xi32, #tpu.memory_space<vmem>> -> memref<512xi32, #tpu.memory_space<vmem>>
      %dma_wait3A_213 = tpu.memref_slice %arg3[%add3A_92] : memref<425984xi32, #tpu.memory_space<hbm>> -> memref<512xi32, #tpu.memory_space<hbm>>
      tpu.wait_dma2 semaphore(%run_scoped3A : memref<!tpu.dma_semaphore, #tpu.memory_space<semaphore_mem>>) src(%dma_wait3A_213 : memref<512xi32, #tpu.memory_space<hbm>>) dst(%dma_wait3A_212 : memref<512xi32, #tpu.memory_space<vmem>>)
      tpu.yield
    }) : () -> ()
    %mul3A_93 = arith.constant 512 : i32
    %mul3A_94 = arith.muli %add3A, %mul3A_93 : i32
    %add3A_95 = arith.constant 376832 : i32
    %add3A_96 = arith.addi %add3A_95, %mul3A_94 : i32
    "tpu.region"() ({
      %run_scoped3A = tpu.sem_alloc : memref<!tpu.dma_semaphore, #tpu.memory_space<semaphore_mem>>
      %dma_start3A = arith.constant 11776 : i32
      %dma_start3A_204 = tpu.memref_slice %arg5[%dma_start3A] : memref<13312xi32, #tpu.memory_space<vmem>> -> memref<512xi32, #tpu.memory_space<vmem>>
      %dma_start3A_205 = tpu.memref_slice %arg3[%add3A_96] : memref<425984xi32, #tpu.memory_space<hbm>> -> memref<512xi32, #tpu.memory_space<hbm>>
      %dma_start3A_206 = arith.constant 11776 : i32
      %dma_start3A_207 = tpu.memref_slice %arg5[%dma_start3A_206] : memref<13312xi32, #tpu.memory_space<vmem>> -> memref<512xi32, #tpu.memory_space<vmem>>
      %dma_start3A_208 = tpu.memref_slice %arg3[%add3A_96] : memref<425984xi32, #tpu.memory_space<hbm>> -> memref<512xi32, #tpu.memory_space<hbm>>
      tpu.enqueue_dma source(%dma_start3A_208 : memref<512xi32, #tpu.memory_space<hbm>>) target(%dma_start3A_207 : memref<512xi32, #tpu.memory_space<vmem>>) target_semaphore(%run_scoped3A : memref<!tpu.dma_semaphore, #tpu.memory_space<semaphore_mem>>)
      %dma_wait3A = arith.constant 11776 : i32
      %dma_wait3A_209 = tpu.memref_slice %arg5[%dma_wait3A] : memref<13312xi32, #tpu.memory_space<vmem>> -> memref<512xi32, #tpu.memory_space<vmem>>
      %dma_wait3A_210 = tpu.memref_slice %arg3[%add3A_96] : memref<425984xi32, #tpu.memory_space<hbm>> -> memref<512xi32, #tpu.memory_space<hbm>>
      %dma_wait3A_211 = arith.constant 11776 : i32
      %dma_wait3A_212 = tpu.memref_slice %arg5[%dma_wait3A_211] : memref<13312xi32, #tpu.memory_space<vmem>> -> memref<512xi32, #tpu.memory_space<vmem>>
      %dma_wait3A_213 = tpu.memref_slice %arg3[%add3A_96] : memref<425984xi32, #tpu.memory_space<hbm>> -> memref<512xi32, #tpu.memory_space<hbm>>
      tpu.wait_dma2 semaphore(%run_scoped3A : memref<!tpu.dma_semaphore, #tpu.memory_space<semaphore_mem>>) src(%dma_wait3A_213 : memref<512xi32, #tpu.memory_space<hbm>>) dst(%dma_wait3A_212 : memref<512xi32, #tpu.memory_space<vmem>>)
      tpu.yield
    }) : () -> ()
    %mul3A_97 = arith.constant 512 : i32
    %mul3A_98 = arith.muli %add3A, %mul3A_97 : i32
    %add3A_99 = arith.constant 393216 : i32
    %add3A_100 = arith.addi %add3A_99, %mul3A_98 : i32
    "tpu.region"() ({
      %run_scoped3A = tpu.sem_alloc : memref<!tpu.dma_semaphore, #tpu.memory_space<semaphore_mem>>
      %dma_start3A = arith.constant 12288 : i32
      %dma_start3A_204 = tpu.memref_slice %arg5[%dma_start3A] : memref<13312xi32, #tpu.memory_space<vmem>> -> memref<512xi32, #tpu.memory_space<vmem>>
      %dma_start3A_205 = tpu.memref_slice %arg3[%add3A_100] : memref<425984xi32, #tpu.memory_space<hbm>> -> memref<512xi32, #tpu.memory_space<hbm>>
      %dma_start3A_206 = arith.constant 12288 : i32
      %dma_start3A_207 = tpu.memref_slice %arg5[%dma_start3A_206] : memref<13312xi32, #tpu.memory_space<vmem>> -> memref<512xi32, #tpu.memory_space<vmem>>
      %dma_start3A_208 = tpu.memref_slice %arg3[%add3A_100] : memref<425984xi32, #tpu.memory_space<hbm>> -> memref<512xi32, #tpu.memory_space<hbm>>
      tpu.enqueue_dma source(%dma_start3A_208 : memref<512xi32, #tpu.memory_space<hbm>>) target(%dma_start3A_207 : memref<512xi32, #tpu.memory_space<vmem>>) target_semaphore(%run_scoped3A : memref<!tpu.dma_semaphore, #tpu.memory_space<semaphore_mem>>)
      %dma_wait3A = arith.constant 12288 : i32
      %dma_wait3A_209 = tpu.memref_slice %arg5[%dma_wait3A] : memref<13312xi32, #tpu.memory_space<vmem>> -> memref<512xi32, #tpu.memory_space<vmem>>
      %dma_wait3A_210 = tpu.memref_slice %arg3[%add3A_100] : memref<425984xi32, #tpu.memory_space<hbm>> -> memref<512xi32, #tpu.memory_space<hbm>>
      %dma_wait3A_211 = arith.constant 12288 : i32
      %dma_wait3A_212 = tpu.memref_slice %arg5[%dma_wait3A_211] : memref<13312xi32, #tpu.memory_space<vmem>> -> memref<512xi32, #tpu.memory_space<vmem>>
      %dma_wait3A_213 = tpu.memref_slice %arg3[%add3A_100] : memref<425984xi32, #tpu.memory_space<hbm>> -> memref<512xi32, #tpu.memory_space<hbm>>
      tpu.wait_dma2 semaphore(%run_scoped3A : memref<!tpu.dma_semaphore, #tpu.memory_space<semaphore_mem>>) src(%dma_wait3A_213 : memref<512xi32, #tpu.memory_space<hbm>>) dst(%dma_wait3A_212 : memref<512xi32, #tpu.memory_space<vmem>>)
      tpu.yield
    }) : () -> ()
    %mul3A_101 = arith.constant 512 : i32
    %mul3A_102 = arith.muli %add3A, %mul3A_101 : i32
    %add3A_103 = arith.constant 409600 : i32
    %add3A_104 = arith.addi %add3A_103, %mul3A_102 : i32
    "tpu.region"() ({
      %run_scoped3A = tpu.sem_alloc : memref<!tpu.dma_semaphore, #tpu.memory_space<semaphore_mem>>
      %dma_start3A = arith.constant 12800 : i32
      %dma_start3A_204 = tpu.memref_slice %arg5[%dma_start3A] : memref<13312xi32, #tpu.memory_space<vmem>> -> memref<512xi32, #tpu.memory_space<vmem>>
      %dma_start3A_205 = tpu.memref_slice %arg3[%add3A_104] : memref<425984xi32, #tpu.memory_space<hbm>> -> memref<512xi32, #tpu.memory_space<hbm>>
      %dma_start3A_206 = arith.constant 12800 : i32
      %dma_start3A_207 = tpu.memref_slice %arg5[%dma_start3A_206] : memref<13312xi32, #tpu.memory_space<vmem>> -> memref<512xi32, #tpu.memory_space<vmem>>
      %dma_start3A_208 = tpu.memref_slice %arg3[%add3A_104] : memref<425984xi32, #tpu.memory_space<hbm>> -> memref<512xi32, #tpu.memory_space<hbm>>
      tpu.enqueue_dma source(%dma_start3A_208 : memref<512xi32, #tpu.memory_space<hbm>>) target(%dma_start3A_207 : memref<512xi32, #tpu.memory_space<vmem>>) target_semaphore(%run_scoped3A : memref<!tpu.dma_semaphore, #tpu.memory_space<semaphore_mem>>)
      %dma_wait3A = arith.constant 12800 : i32
      %dma_wait3A_209 = tpu.memref_slice %arg5[%dma_wait3A] : memref<13312xi32, #tpu.memory_space<vmem>> -> memref<512xi32, #tpu.memory_space<vmem>>
      %dma_wait3A_210 = tpu.memref_slice %arg3[%add3A_104] : memref<425984xi32, #tpu.memory_space<hbm>> -> memref<512xi32, #tpu.memory_space<hbm>>
      %dma_wait3A_211 = arith.constant 12800 : i32
      %dma_wait3A_212 = tpu.memref_slice %arg5[%dma_wait3A_211] : memref<13312xi32, #tpu.memory_space<vmem>> -> memref<512xi32, #tpu.memory_space<vmem>>
      %dma_wait3A_213 = tpu.memref_slice %arg3[%add3A_104] : memref<425984xi32, #tpu.memory_space<hbm>> -> memref<512xi32, #tpu.memory_space<hbm>>
      tpu.wait_dma2 semaphore(%run_scoped3A : memref<!tpu.dma_semaphore, #tpu.memory_space<semaphore_mem>>) src(%dma_wait3A_213 : memref<512xi32, #tpu.memory_space<hbm>>) dst(%dma_wait3A_212 : memref<512xi32, #tpu.memory_space<vmem>>)
      tpu.yield
    }) : () -> ()
    %iota3A = tpu.iota {dimensions = array<i32: 0>} : vector<16xi32>
    %add3A_105 = arith.constant 0 : i32
    %add3A_106 = vector.broadcast %add3A_105 : i32 to vector<16xi32>
    %add3A_107 = arith.addi %iota3A, %add3A_106 : vector<16xi32>
    %iota3A_108 = tpu.iota {dimensions = array<i32: 0>} : vector<16xi32>
    %add3A_109 = arith.constant 16 : i32
    %add3A_110 = vector.broadcast %add3A_109 : i32 to vector<16xi32>
    %add3A_111 = arith.addi %iota3A_108, %add3A_110 : vector<16xi32>
    %iota3A_112 = tpu.iota {dimensions = array<i32: 0>} : vector<16xi32>
    %add3A_113 = arith.constant 32 : i32
    %add3A_114 = vector.broadcast %add3A_113 : i32 to vector<16xi32>
    %add3A_115 = arith.addi %iota3A_112, %add3A_114 : vector<16xi32>
    %iota3A_116 = tpu.iota {dimensions = array<i32: 0>} : vector<16xi32>
    %add3A_117 = arith.constant 48 : i32
    %add3A_118 = vector.broadcast %add3A_117 : i32 to vector<16xi32>
    %add3A_119 = arith.addi %iota3A_116, %add3A_118 : vector<16xi32>
    %iota3A_120 = tpu.iota {dimensions = array<i32: 0>} : vector<16xi32>
    %add3A_121 = arith.constant 64 : i32
    %add3A_122 = vector.broadcast %add3A_121 : i32 to vector<16xi32>
    %add3A_123 = arith.addi %iota3A_120, %add3A_122 : vector<16xi32>
    %iota3A_124 = tpu.iota {dimensions = array<i32: 0>} : vector<16xi32>
    %add3A_125 = arith.constant 80 : i32
    %add3A_126 = vector.broadcast %add3A_125 : i32 to vector<16xi32>
    %add3A_127 = arith.addi %iota3A_124, %add3A_126 : vector<16xi32>
    %iota3A_128 = tpu.iota {dimensions = array<i32: 0>} : vector<16xi32>
    %add3A_129 = arith.constant 96 : i32
    %add3A_130 = vector.broadcast %add3A_129 : i32 to vector<16xi32>
    %add3A_131 = arith.addi %iota3A_128, %add3A_130 : vector<16xi32>
    %iota3A_132 = tpu.iota {dimensions = array<i32: 0>} : vector<16xi32>
    %add3A_133 = arith.constant 112 : i32
    %add3A_134 = vector.broadcast %add3A_133 : i32 to vector<16xi32>
    %add3A_135 = arith.addi %iota3A_132, %add3A_134 : vector<16xi32>
    %broadcast_in_dim3A = arith.constant 0 : i32
    %broadcast_in_dim3A_136 = vector.broadcast %broadcast_in_dim3A : i32 to vector<16xi32>
    %broadcast_in_dim3A_137 = arith.constant 1 : i32
    %broadcast_in_dim3A_138 = vector.broadcast %broadcast_in_dim3A_137 : i32 to vector<16xi32>
    %broadcast_in_dim3A_139 = arith.constant 2 : i32
    %broadcast_in_dim3A_140 = vector.broadcast %broadcast_in_dim3A_139 : i32 to vector<16xi32>
    %broadcast_in_dim3A_141 = arith.constant 3 : i32
    %broadcast_in_dim3A_142 = vector.broadcast %broadcast_in_dim3A_141 : i32 to vector<16xi32>
    %broadcast_in_dim3A_143 = arith.constant 4 : i32
    %broadcast_in_dim3A_144 = vector.broadcast %broadcast_in_dim3A_143 : i32 to vector<16xi32>
    %broadcast_in_dim3A_145 = arith.constant 5 : i32
    %broadcast_in_dim3A_146 = vector.broadcast %broadcast_in_dim3A_145 : i32 to vector<16xi32>
    %broadcast_in_dim3A_147 = arith.constant 6 : i32
    %broadcast_in_dim3A_148 = vector.broadcast %broadcast_in_dim3A_147 : i32 to vector<16xi32>
    %broadcast_in_dim3A_149 = arith.constant 7 : i32
    %broadcast_in_dim3A_150 = vector.broadcast %broadcast_in_dim3A_149 : i32 to vector<16xi32>
    %broadcast_in_dim3A_151 = arith.constant 8 : i32
    %broadcast_in_dim3A_152 = vector.broadcast %broadcast_in_dim3A_151 : i32 to vector<16xi32>
    %broadcast_in_dim3A_153 = arith.constant 9 : i32
    %broadcast_in_dim3A_154 = vector.broadcast %broadcast_in_dim3A_153 : i32 to vector<16xi32>
    %broadcast_in_dim3A_155 = arith.constant 10 : i32
    %broadcast_in_dim3A_156 = vector.broadcast %broadcast_in_dim3A_155 : i32 to vector<16xi32>
    %broadcast_in_dim3A_157 = arith.constant 11 : i32
    %broadcast_in_dim3A_158 = vector.broadcast %broadcast_in_dim3A_157 : i32 to vector<16xi32>
    %broadcast_in_dim3A_159 = arith.constant 12 : i32
    %broadcast_in_dim3A_160 = vector.broadcast %broadcast_in_dim3A_159 : i32 to vector<16xi32>
    %broadcast_in_dim3A_161 = arith.constant 13 : i32
    %broadcast_in_dim3A_162 = vector.broadcast %broadcast_in_dim3A_161 : i32 to vector<16xi32>
    %broadcast_in_dim3A_163 = arith.constant 14 : i32
    %broadcast_in_dim3A_164 = vector.broadcast %broadcast_in_dim3A_163 : i32 to vector<16xi32>
    %broadcast_in_dim3A_165 = arith.constant 15 : i32
    %broadcast_in_dim3A_166 = vector.broadcast %broadcast_in_dim3A_165 : i32 to vector<16xi32>
    %broadcast_in_dim3A_167 = arith.constant 16 : i32
    %broadcast_in_dim3A_168 = vector.broadcast %broadcast_in_dim3A_167 : i32 to vector<16xi32>
    %broadcast_in_dim3A_169 = arith.constant 17 : i32
    %broadcast_in_dim3A_170 = vector.broadcast %broadcast_in_dim3A_169 : i32 to vector<16xi32>
    %broadcast_in_dim3A_171 = arith.constant 18 : i32
    %broadcast_in_dim3A_172 = vector.broadcast %broadcast_in_dim3A_171 : i32 to vector<16xi32>
    %broadcast_in_dim3A_173 = arith.constant 19 : i32
    %broadcast_in_dim3A_174 = vector.broadcast %broadcast_in_dim3A_173 : i32 to vector<16xi32>
    %broadcast_in_dim3A_175 = arith.constant 20 : i32
    %broadcast_in_dim3A_176 = vector.broadcast %broadcast_in_dim3A_175 : i32 to vector<16xi32>
    %broadcast_in_dim3A_177 = arith.constant 21 : i32
    %broadcast_in_dim3A_178 = vector.broadcast %broadcast_in_dim3A_177 : i32 to vector<16xi32>
    %broadcast_in_dim3A_179 = arith.constant 22 : i32
    %broadcast_in_dim3A_180 = vector.broadcast %broadcast_in_dim3A_179 : i32 to vector<16xi32>
    %broadcast_in_dim3A_181 = arith.constant 23 : i32
    %broadcast_in_dim3A_182 = vector.broadcast %broadcast_in_dim3A_181 : i32 to vector<16xi32>
    %broadcast_in_dim3A_183 = arith.constant 24 : i32
    %broadcast_in_dim3A_184 = vector.broadcast %broadcast_in_dim3A_183 : i32 to vector<16xi32>
    %broadcast_in_dim3A_185 = arith.constant 25 : i32
    %broadcast_in_dim3A_186 = vector.broadcast %broadcast_in_dim3A_185 : i32 to vector<16xi32>
    %broadcast_in_dim3A_187 = arith.constant 26 : i32
    %broadcast_in_dim3A_188 = vector.broadcast %broadcast_in_dim3A_187 : i32 to vector<16xi32>
    %broadcast_in_dim3A_189 = arith.constant 27 : i32
    %broadcast_in_dim3A_190 = vector.broadcast %broadcast_in_dim3A_189 : i32 to vector<16xi32>
    %broadcast_in_dim3A_191 = arith.constant 28 : i32
    %broadcast_in_dim3A_192 = vector.broadcast %broadcast_in_dim3A_191 : i32 to vector<16xi32>
    %broadcast_in_dim3A_193 = arith.constant 29 : i32
    %broadcast_in_dim3A_194 = vector.broadcast %broadcast_in_dim3A_193 : i32 to vector<16xi32>
    %broadcast_in_dim3A_195 = arith.constant 30 : i32
    %broadcast_in_dim3A_196 = vector.broadcast %broadcast_in_dim3A_195 : i32 to vector<16xi32>
    %broadcast_in_dim3A_197 = arith.constant 31 : i32
    %broadcast_in_dim3A_198 = vector.broadcast %broadcast_in_dim3A_197 : i32 to vector<16xi32>
    %scan3A = arith.constant 0 : i32
    %scan3A_199 = arith.constant 0 : i32
    %scan3A_200 = arith.constant 26 : i32
    %scan3A_201 = arith.addi %scan3A_199, %scan3A_200 : i32
    %scan3A_202 = arith.constant 1 : i32
    scf.for %scan3A_204 = %scan3A_199 to %scan3A_201 step %scan3A_202  : i32 {
      %mul3A_205 = arith.constant 4 : i32
      %mul3A_206 = arith.muli %scan3A_204, %mul3A_205 : i32
      %add3A_207 = arith.constant 0 : i32
      %add3A_208 = arith.addi %mul3A_206, %add3A_207 : i32
      %jit3A = arith.constant 4 : i32
      %div3A = arith.divsi %add3A_208, %jit3A : i32
      %sign3A = arith.constant 0 : i32
      %sign3A_209 = arith.cmpi sgt, %add3A_208, %sign3A : i32
      %sign3A_210 = arith.extui %sign3A_209 : i1 to i32
      %sign3A_211 = arith.constant 0 : i32
      %sign3A_212 = arith.cmpi slt, %add3A_208, %sign3A_211 : i32
      %sign3A_213 = arith.extui %sign3A_212 : i1 to i32
      %sign3A_214 = arith.subi %sign3A_210, %sign3A_213 : i32
      %sign3A_215 = arith.constant 0 : i32
      %sign3A_216 = arith.cmpi sgt, %jit3A, %sign3A_215 : i32
      %sign3A_217 = arith.extui %sign3A_216 : i1 to i32
      %sign3A_218 = arith.constant 0 : i32
      %sign3A_219 = arith.cmpi slt, %jit3A, %sign3A_218 : i32
      %sign3A_220 = arith.extui %sign3A_219 : i1 to i32
      %sign3A_221 = arith.subi %sign3A_217, %sign3A_220 : i32
      %ne3A = arith.cmpi ne, %sign3A_214, %sign3A_221 : i32
      %rem3A = arith.remsi %add3A_208, %jit3A : i32
      %ne3A_222 = arith.constant 0 : i32
      %ne3A_223 = arith.cmpi ne, %rem3A, %ne3A_222 : i32
      %and3A = arith.andi %ne3A, %ne3A_223 : i1
      %sub3A = arith.constant 1 : i32
      %sub3A_224 = arith.subi %div3A, %sub3A : i32
      %select_n3A = arith.select %and3A, %sub3A_224, %div3A : i32
      %jit3A_225 = arith.constant 4 : i32
      %eq3A = arith.constant 0 : i32
      %eq3A_226 = arith.cmpi eq, %jit3A_225, %eq3A : i32
      %jit3A_227 = arith.constant 1 : i32
      %select_n3A_228 = arith.select %eq3A_226, %jit3A_227, %jit3A_225 : i32
      %rem3A_229 = arith.remsi %add3A_208, %select_n3A_228 : i32
      %ne3A_230 = arith.constant 0 : i32
      %ne3A_231 = arith.cmpi ne, %rem3A_229, %ne3A_230 : i32
      %lt3A = arith.constant 0 : i32
      %lt3A_232 = arith.cmpi slt, %rem3A_229, %lt3A : i32
      %lt3A_233 = arith.constant 0 : i32
      %lt3A_234 = arith.cmpi slt, %select_n3A_228, %lt3A_233 : i32
      %ne3A_235 = arith.xori %lt3A_232, %lt3A_234 : i1
      %and3A_236 = arith.andi %ne3A_235, %ne3A_231 : i1
      %add3A_237 = arith.addi %rem3A_229, %select_n3A_228 : i32
      %select_n3A_238 = arith.select %and3A_236, %add3A_237, %rem3A_229 : i32
      %mul3A_239 = arith.constant 512 : i32
      %mul3A_240 = arith.muli %select_n3A, %mul3A_239 : i32
      %mul3A_241 = arith.constant 128 : i32
      %mul3A_242 = arith.muli %select_n3A_238, %mul3A_241 : i32
      %add3A_243 = arith.addi %mul3A_240, %mul3A_242 : i32
      %dma_start3A = tpu.memref_slice %arg5[%add3A_243] : memref<13312xi32, #tpu.memory_space<vmem>> -> memref<128xi32, #tpu.memory_space<vmem>>
      %dma_start3A_244 = arith.constant 0 : i32
      %dma_start3A_245 = arith.constant 0 : i32
      %dma_start3A_246 = tpu.memref_slice %arg2[%dma_start3A_244, %dma_start3A_245] : memref<1000000x32xf32, #tpu.memory_space<hbm>> -> memref<1000000x32xf32, #tpu.memory_space<hbm>>
      tpu.enqueue_indirect_dma source(%dma_start3A_246 : memref<1000000x32xf32, #tpu.memory_space<hbm>>) target(%arg6 : memref<128x32xf32, #tpu.memory_space<vmem>>) offsets(%dma_start3A : memref<128xi32, #tpu.memory_space<vmem>>) semaphore(%arg12 : memref<!tpu.dma_semaphore, #tpu.memory_space<semaphore_mem>>)
      %add3A_247 = arith.constant 1 : i32
      %add3A_248 = arith.addi %mul3A_206, %add3A_247 : i32
      %jit3A_249 = arith.constant 4 : i32
      %div3A_250 = arith.divsi %add3A_248, %jit3A_249 : i32
      %sign3A_251 = arith.constant 0 : i32
      %sign3A_252 = arith.cmpi sgt, %add3A_248, %sign3A_251 : i32
      %sign3A_253 = arith.extui %sign3A_252 : i1 to i32
      %sign3A_254 = arith.constant 0 : i32
      %sign3A_255 = arith.cmpi slt, %add3A_248, %sign3A_254 : i32
      %sign3A_256 = arith.extui %sign3A_255 : i1 to i32
      %sign3A_257 = arith.subi %sign3A_253, %sign3A_256 : i32
      %sign3A_258 = arith.constant 0 : i32
      %sign3A_259 = arith.cmpi sgt, %jit3A_249, %sign3A_258 : i32
      %sign3A_260 = arith.extui %sign3A_259 : i1 to i32
      %sign3A_261 = arith.constant 0 : i32
      %sign3A_262 = arith.cmpi slt, %jit3A_249, %sign3A_261 : i32
      %sign3A_263 = arith.extui %sign3A_262 : i1 to i32
      %sign3A_264 = arith.subi %sign3A_260, %sign3A_263 : i32
      %ne3A_265 = arith.cmpi ne, %sign3A_257, %sign3A_264 : i32
      %rem3A_266 = arith.remsi %add3A_248, %jit3A_249 : i32
      %ne3A_267 = arith.constant 0 : i32
      %ne3A_268 = arith.cmpi ne, %rem3A_266, %ne3A_267 : i32
      %and3A_269 = arith.andi %ne3A_265, %ne3A_268 : i1
      %sub3A_270 = arith.constant 1 : i32
      %sub3A_271 = arith.subi %div3A_250, %sub3A_270 : i32
      %select_n3A_272 = arith.select %and3A_269, %sub3A_271, %div3A_250 : i32
      %jit3A_273 = arith.constant 4 : i32
      %eq3A_274 = arith.constant 0 : i32
      %eq3A_275 = arith.cmpi eq, %jit3A_273, %eq3A_274 : i32
      %jit3A_276 = arith.constant 1 : i32
      %select_n3A_277 = arith.select %eq3A_275, %jit3A_276, %jit3A_273 : i32
      %rem3A_278 = arith.remsi %add3A_248, %select_n3A_277 : i32
      %ne3A_279 = arith.constant 0 : i32
      %ne3A_280 = arith.cmpi ne, %rem3A_278, %ne3A_279 : i32
      %lt3A_281 = arith.constant 0 : i32
      %lt3A_282 = arith.cmpi slt, %rem3A_278, %lt3A_281 : i32
      %lt3A_283 = arith.constant 0 : i32
      %lt3A_284 = arith.cmpi slt, %select_n3A_277, %lt3A_283 : i32
      %ne3A_285 = arith.xori %lt3A_282, %lt3A_284 : i1
      %and3A_286 = arith.andi %ne3A_285, %ne3A_280 : i1
      %add3A_287 = arith.addi %rem3A_278, %select_n3A_277 : i32
      %select_n3A_288 = arith.select %and3A_286, %add3A_287, %rem3A_278 : i32
      %mul3A_289 = arith.constant 512 : i32
      %mul3A_290 = arith.muli %select_n3A_272, %mul3A_289 : i32
      %mul3A_291 = arith.constant 128 : i32
      %mul3A_292 = arith.muli %select_n3A_288, %mul3A_291 : i32
      %add3A_293 = arith.addi %mul3A_290, %mul3A_292 : i32
      %dma_start3A_294 = tpu.memref_slice %arg5[%add3A_293] : memref<13312xi32, #tpu.memory_space<vmem>> -> memref<128xi32, #tpu.memory_space<vmem>>
      %dma_start3A_295 = arith.constant 0 : i32
      %dma_start3A_296 = arith.constant 0 : i32
      %dma_start3A_297 = tpu.memref_slice %arg2[%dma_start3A_295, %dma_start3A_296] : memref<1000000x32xf32, #tpu.memory_space<hbm>> -> memref<1000000x32xf32, #tpu.memory_space<hbm>>
      tpu.enqueue_indirect_dma source(%dma_start3A_297 : memref<1000000x32xf32, #tpu.memory_space<hbm>>) target(%arg7 : memref<128x32xf32, #tpu.memory_space<vmem>>) offsets(%dma_start3A_294 : memref<128xi32, #tpu.memory_space<vmem>>) semaphore(%arg13 : memref<!tpu.dma_semaphore, #tpu.memory_space<semaphore_mem>>)
      %add3A_298 = arith.constant 2 : i32
      %add3A_299 = arith.addi %mul3A_206, %add3A_298 : i32
      %jit3A_300 = arith.constant 4 : i32
      %div3A_301 = arith.divsi %add3A_299, %jit3A_300 : i32
      %sign3A_302 = arith.constant 0 : i32
      %sign3A_303 = arith.cmpi sgt, %add3A_299, %sign3A_302 : i32
      %sign3A_304 = arith.extui %sign3A_303 : i1 to i32
      %sign3A_305 = arith.constant 0 : i32
      %sign3A_306 = arith.cmpi slt, %add3A_299, %sign3A_305 : i32
      %sign3A_307 = arith.extui %sign3A_306 : i1 to i32
      %sign3A_308 = arith.subi %sign3A_304, %sign3A_307 : i32
      %sign3A_309 = arith.constant 0 : i32
      %sign3A_310 = arith.cmpi sgt, %jit3A_300, %sign3A_309 : i32
      %sign3A_311 = arith.extui %sign3A_310 : i1 to i32
      %sign3A_312 = arith.constant 0 : i32
      %sign3A_313 = arith.cmpi slt, %jit3A_300, %sign3A_312 : i32
      %sign3A_314 = arith.extui %sign3A_313 : i1 to i32
      %sign3A_315 = arith.subi %sign3A_311, %sign3A_314 : i32
      %ne3A_316 = arith.cmpi ne, %sign3A_308, %sign3A_315 : i32
      %rem3A_317 = arith.remsi %add3A_299, %jit3A_300 : i32
      %ne3A_318 = arith.constant 0 : i32
      %ne3A_319 = arith.cmpi ne, %rem3A_317, %ne3A_318 : i32
      %and3A_320 = arith.andi %ne3A_316, %ne3A_319 : i1
      %sub3A_321 = arith.constant 1 : i32
      %sub3A_322 = arith.subi %div3A_301, %sub3A_321 : i32
      %select_n3A_323 = arith.select %and3A_320, %sub3A_322, %div3A_301 : i32
      %jit3A_324 = arith.constant 4 : i32
      %eq3A_325 = arith.constant 0 : i32
      %eq3A_326 = arith.cmpi eq, %jit3A_324, %eq3A_325 : i32
      %jit3A_327 = arith.constant 1 : i32
      %select_n3A_328 = arith.select %eq3A_326, %jit3A_327, %jit3A_324 : i32
      %rem3A_329 = arith.remsi %add3A_299, %select_n3A_328 : i32
      %ne3A_330 = arith.constant 0 : i32
      %ne3A_331 = arith.cmpi ne, %rem3A_329, %ne3A_330 : i32
      %lt3A_332 = arith.constant 0 : i32
      %lt3A_333 = arith.cmpi slt, %rem3A_329, %lt3A_332 : i32
      %lt3A_334 = arith.constant 0 : i32
      %lt3A_335 = arith.cmpi slt, %select_n3A_328, %lt3A_334 : i32
      %ne3A_336 = arith.xori %lt3A_333, %lt3A_335 : i1
      %and3A_337 = arith.andi %ne3A_336, %ne3A_331 : i1
      %add3A_338 = arith.addi %rem3A_329, %select_n3A_328 : i32
      %select_n3A_339 = arith.select %and3A_337, %add3A_338, %rem3A_329 : i32
      %mul3A_340 = arith.constant 512 : i32
      %mul3A_341 = arith.muli %select_n3A_323, %mul3A_340 : i32
      %mul3A_342 = arith.constant 128 : i32
      %mul3A_343 = arith.muli %select_n3A_339, %mul3A_342 : i32
      %add3A_344 = arith.addi %mul3A_341, %mul3A_343 : i32
      %dma_start3A_345 = tpu.memref_slice %arg5[%add3A_344] : memref<13312xi32, #tpu.memory_space<vmem>> -> memref<128xi32, #tpu.memory_space<vmem>>
      %dma_start3A_346 = arith.constant 0 : i32
      %dma_start3A_347 = arith.constant 0 : i32
      %dma_start3A_348 = tpu.memref_slice %arg2[%dma_start3A_346, %dma_start3A_347] : memref<1000000x32xf32, #tpu.memory_space<hbm>> -> memref<1000000x32xf32, #tpu.memory_space<hbm>>
      tpu.enqueue_indirect_dma source(%dma_start3A_348 : memref<1000000x32xf32, #tpu.memory_space<hbm>>) target(%arg8 : memref<128x32xf32, #tpu.memory_space<vmem>>) offsets(%dma_start3A_345 : memref<128xi32, #tpu.memory_space<vmem>>) semaphore(%arg14 : memref<!tpu.dma_semaphore, #tpu.memory_space<semaphore_mem>>)
      %add3A_349 = arith.constant 3 : i32
      %add3A_350 = arith.addi %mul3A_206, %add3A_349 : i32
      %jit3A_351 = arith.constant 4 : i32
      %div3A_352 = arith.divsi %add3A_350, %jit3A_351 : i32
      %sign3A_353 = arith.constant 0 : i32
      %sign3A_354 = arith.cmpi sgt, %add3A_350, %sign3A_353 : i32
      %sign3A_355 = arith.extui %sign3A_354 : i1 to i32
      %sign3A_356 = arith.constant 0 : i32
      %sign3A_357 = arith.cmpi slt, %add3A_350, %sign3A_356 : i32
      %sign3A_358 = arith.extui %sign3A_357 : i1 to i32
      %sign3A_359 = arith.subi %sign3A_355, %sign3A_358 : i32
      %sign3A_360 = arith.constant 0 : i32
      %sign3A_361 = arith.cmpi sgt, %jit3A_351, %sign3A_360 : i32
      %sign3A_362 = arith.extui %sign3A_361 : i1 to i32
      %sign3A_363 = arith.constant 0 : i32
      %sign3A_364 = arith.cmpi slt, %jit3A_351, %sign3A_363 : i32
      %sign3A_365 = arith.extui %sign3A_364 : i1 to i32
      %sign3A_366 = arith.subi %sign3A_362, %sign3A_365 : i32
      %ne3A_367 = arith.cmpi ne, %sign3A_359, %sign3A_366 : i32
      %rem3A_368 = arith.remsi %add3A_350, %jit3A_351 : i32
      %ne3A_369 = arith.constant 0 : i32
      %ne3A_370 = arith.cmpi ne, %rem3A_368, %ne3A_369 : i32
      %and3A_371 = arith.andi %ne3A_367, %ne3A_370 : i1
      %sub3A_372 = arith.constant 1 : i32
      %sub3A_373 = arith.subi %div3A_352, %sub3A_372 : i32
      %select_n3A_374 = arith.select %and3A_371, %sub3A_373, %div3A_352 : i32
      %jit3A_375 = arith.constant 4 : i32
      %eq3A_376 = arith.constant 0 : i32
      %eq3A_377 = arith.cmpi eq, %jit3A_375, %eq3A_376 : i32
      %jit3A_378 = arith.constant 1 : i32
      %select_n3A_379 = arith.select %eq3A_377, %jit3A_378, %jit3A_375 : i32
      %rem3A_380 = arith.remsi %add3A_350, %select_n3A_379 : i32
      %ne3A_381 = arith.constant 0 : i32
      %ne3A_382 = arith.cmpi ne, %rem3A_380, %ne3A_381 : i32
      %lt3A_383 = arith.constant 0 : i32
      %lt3A_384 = arith.cmpi slt, %rem3A_380, %lt3A_383 : i32
      %lt3A_385 = arith.constant 0 : i32
      %lt3A_386 = arith.cmpi slt, %select_n3A_379, %lt3A_385 : i32
      %ne3A_387 = arith.xori %lt3A_384, %lt3A_386 : i1
      %and3A_388 = arith.andi %ne3A_387, %ne3A_382 : i1
      %add3A_389 = arith.addi %rem3A_380, %select_n3A_379 : i32
      %select_n3A_390 = arith.select %and3A_388, %add3A_389, %rem3A_380 : i32
      %mul3A_391 = arith.constant 512 : i32
      %mul3A_392 = arith.muli %select_n3A_374, %mul3A_391 : i32
      %mul3A_393 = arith.constant 128 : i32
      %mul3A_394 = arith.muli %select_n3A_390, %mul3A_393 : i32
      %add3A_395 = arith.addi %mul3A_392, %mul3A_394 : i32
      %dma_start3A_396 = tpu.memref_slice %arg5[%add3A_395] : memref<13312xi32, #tpu.memory_space<vmem>> -> memref<128xi32, #tpu.memory_space<vmem>>
      %dma_start3A_397 = arith.constant 0 : i32
      %dma_start3A_398 = arith.constant 0 : i32
      %dma_start3A_399 = tpu.memref_slice %arg2[%dma_start3A_397, %dma_start3A_398] : memref<1000000x32xf32, #tpu.memory_space<hbm>> -> memref<1000000x32xf32, #tpu.memory_space<hbm>>
      tpu.enqueue_indirect_dma source(%dma_start3A_399 : memref<1000000x32xf32, #tpu.memory_space<hbm>>) target(%arg9 : memref<128x32xf32, #tpu.memory_space<vmem>>) offsets(%dma_start3A_396 : memref<128xi32, #tpu.memory_space<vmem>>) semaphore(%arg15 : memref<!tpu.dma_semaphore, #tpu.memory_space<semaphore_mem>>)
      %add3A_400 = arith.constant 0 : i32
      %add3A_401 = arith.addi %mul3A_206, %add3A_400 : i32
      %jit3A_402 = arith.constant 4 : i32
      %div3A_403 = arith.divsi %add3A_401, %jit3A_402 : i32
      %sign3A_404 = arith.constant 0 : i32
      %sign3A_405 = arith.cmpi sgt, %add3A_401, %sign3A_404 : i32
      %sign3A_406 = arith.extui %sign3A_405 : i1 to i32
      %sign3A_407 = arith.constant 0 : i32
      %sign3A_408 = arith.cmpi slt, %add3A_401, %sign3A_407 : i32
      %sign3A_409 = arith.extui %sign3A_408 : i1 to i32
      %sign3A_410 = arith.subi %sign3A_406, %sign3A_409 : i32
      %sign3A_411 = arith.constant 0 : i32
      %sign3A_412 = arith.cmpi sgt, %jit3A_402, %sign3A_411 : i32
      %sign3A_413 = arith.extui %sign3A_412 : i1 to i32
      %sign3A_414 = arith.constant 0 : i32
      %sign3A_415 = arith.cmpi slt, %jit3A_402, %sign3A_414 : i32
      %sign3A_416 = arith.extui %sign3A_415 : i1 to i32
      %sign3A_417 = arith.subi %sign3A_413, %sign3A_416 : i32
      %ne3A_418 = arith.cmpi ne, %sign3A_410, %sign3A_417 : i32
      %rem3A_419 = arith.remsi %add3A_401, %jit3A_402 : i32
      %ne3A_420 = arith.constant 0 : i32
      %ne3A_421 = arith.cmpi ne, %rem3A_419, %ne3A_420 : i32
      %and3A_422 = arith.andi %ne3A_418, %ne3A_421 : i1
      %sub3A_423 = arith.constant 1 : i32
      %sub3A_424 = arith.subi %div3A_403, %sub3A_423 : i32
      %select_n3A_425 = arith.select %and3A_422, %sub3A_424, %div3A_403 : i32
      %mul3A_426 = arith.constant 4 : i32
      %mul3A_427 = arith.muli %add3A, %mul3A_426 : i32
      %jit3A_428 = arith.constant 4 : i32
      %eq3A_429 = arith.constant 0 : i32
      %eq3A_430 = arith.cmpi eq, %jit3A_428, %eq3A_429 : i32
      %jit3A_431 = arith.constant 1 : i32
      %select_n3A_432 = arith.select %eq3A_430, %jit3A_431, %jit3A_428 : i32
      %rem3A_433 = arith.remsi %add3A_401, %select_n3A_432 : i32
      %ne3A_434 = arith.constant 0 : i32
      %ne3A_435 = arith.cmpi ne, %rem3A_433, %ne3A_434 : i32
      %lt3A_436 = arith.constant 0 : i32
      %lt3A_437 = arith.cmpi slt, %rem3A_433, %lt3A_436 : i32
      %lt3A_438 = arith.constant 0 : i32
      %lt3A_439 = arith.cmpi slt, %select_n3A_432, %lt3A_438 : i32
      %ne3A_440 = arith.xori %lt3A_437, %lt3A_439 : i1
      %and3A_441 = arith.andi %ne3A_440, %ne3A_435 : i1
      %add3A_442 = arith.addi %rem3A_433, %select_n3A_432 : i32
      %select_n3A_443 = arith.select %and3A_441, %add3A_442, %rem3A_433 : i32
      %add3A_444 = arith.addi %mul3A_427, %select_n3A_443 : i32
      %dma_wait3A = tpu.memref_slice %arg5[%add3A_243] : memref<13312xi32, #tpu.memory_space<vmem>> -> memref<128xi32, #tpu.memory_space<vmem>>
      %dma_wait3A_445 = arith.constant 0 : i32
      %dma_wait3A_446 = arith.constant 0 : i32
      %dma_wait3A_447 = tpu.memref_slice %arg2[%dma_wait3A_445, %dma_wait3A_446] : memref<1000000x32xf32, #tpu.memory_space<hbm>> -> memref<1000000x32xf32, #tpu.memory_space<hbm>>
      tpu.wait_indirect_dma semaphore(%arg12 : memref<!tpu.dma_semaphore, #tpu.memory_space<semaphore_mem>>) src(%dma_wait3A_447 : memref<1000000x32xf32, #tpu.memory_space<hbm>>) dst(%arg6 : memref<128x32xf32, #tpu.memory_space<vmem>>)
      %parallel_loop3A = arith.constant 0 : i32
      %parallel_loop3A_448 = arith.constant 32 : i32
      %parallel_loop3A_449 = arith.constant 1 : i32
      scf.for %parallel_loop3A_686 = %parallel_loop3A to %parallel_loop3A_448 step %parallel_loop3A_449  : i32 {
        %parallel_loop3A_687 = arith.constant 1 : i32
        %parallel_loop3A_688 = vector.broadcast %parallel_loop3A_687 : i32 to vector<16xi32>
        %parallel_loop3A_689 = vector.broadcast %parallel_loop3A_686 : i32 to vector<16xi32>
        %parallel_loop3A_690 = arith.muli %parallel_loop3A_688, %parallel_loop3A_689 : vector<16xi32>
        %parallel_loop3A_691 = arith.constant 3 : i32
        %parallel_loop3A_692 = arith.shrui %parallel_loop3A_686, %parallel_loop3A_691 : i32
        %parallel_loop3A_693 = arith.constant 7 : i32
        %parallel_loop3A_694 = arith.andi %parallel_loop3A_686, %parallel_loop3A_693 : i32
        %parallel_loop3A_695 = tpu.vector_load_idx %arg6[%add3A_107, %parallel_loop3A_690] : memref<128x32xf32, #tpu.memory_space<vmem>>[vector<16xi32>, vector<16xi32>], vector<16xf32>,
        %parallel_loop3A_696 = arith.index_cast %parallel_loop3A_692 : i32 to index
        %parallel_loop3A_697 = arith.index_cast %parallel_loop3A_694 : i32 to index
        %parallel_loop3A_698 = arith.constant 0 : index
        %parallel_loop3A_699 = tpu.vector_load %arg10[%parallel_loop3A_696, %parallel_loop3A_697, %parallel_loop3A_698] {strides = array<i32>} : memref<4x8x128xf32, #tpu.memory_space<vmem>>, vector<16xf32>,
        tpu.vector_store %arg10[%parallel_loop3A_696, %parallel_loop3A_697, %parallel_loop3A_698], %parallel_loop3A_695 {strides = array<i32>} : memref<4x8x128xf32, #tpu.memory_space<vmem>>, vector<16xf32>,
        %parallel_loop3A_700 = tpu.vector_load_idx %arg6[%add3A_111, %parallel_loop3A_690] : memref<128x32xf32, #tpu.memory_space<vmem>>[vector<16xi32>, vector<16xi32>], vector<16xf32>,
        %parallel_loop3A_701 = arith.index_cast %parallel_loop3A_692 : i32 to index
        %parallel_loop3A_702 = arith.index_cast %parallel_loop3A_694 : i32 to index
        %parallel_loop3A_703 = arith.constant 16 : index
        %parallel_loop3A_704 = tpu.vector_load %arg10[%parallel_loop3A_701, %parallel_loop3A_702, %parallel_loop3A_703] {strides = array<i32>} : memref<4x8x128xf32, #tpu.memory_space<vmem>>, vector<16xf32>,
        tpu.vector_store %arg10[%parallel_loop3A_701, %parallel_loop3A_702, %parallel_loop3A_703], %parallel_loop3A_700 {strides = array<i32>} : memref<4x8x128xf32, #tpu.memory_space<vmem>>, vector<16xf32>,
        %parallel_loop3A_705 = tpu.vector_load_idx %arg6[%add3A_115, %parallel_loop3A_690] : memref<128x32xf32, #tpu.memory_space<vmem>>[vector<16xi32>, vector<16xi32>], vector<16xf32>,
        %parallel_loop3A_706 = arith.index_cast %parallel_loop3A_692 : i32 to index
        %parallel_loop3A_707 = arith.index_cast %parallel_loop3A_694 : i32 to index
        %parallel_loop3A_708 = arith.constant 32 : index
        %parallel_loop3A_709 = tpu.vector_load %arg10[%parallel_loop3A_706, %parallel_loop3A_707, %parallel_loop3A_708] {strides = array<i32>} : memref<4x8x128xf32, #tpu.memory_space<vmem>>, vector<16xf32>,
        tpu.vector_store %arg10[%parallel_loop3A_706, %parallel_loop3A_707, %parallel_loop3A_708], %parallel_loop3A_705 {strides = array<i32>} : memref<4x8x128xf32, #tpu.memory_space<vmem>>, vector<16xf32>,
        %parallel_loop3A_710 = tpu.vector_load_idx %arg6[%add3A_119, %parallel_loop3A_690] : memref<128x32xf32, #tpu.memory_space<vmem>>[vector<16xi32>, vector<16xi32>], vector<16xf32>,
        %parallel_loop3A_711 = arith.index_cast %parallel_loop3A_692 : i32 to index
        %parallel_loop3A_712 = arith.index_cast %parallel_loop3A_694 : i32 to index
        %parallel_loop3A_713 = arith.constant 48 : index
        %parallel_loop3A_714 = tpu.vector_load %arg10[%parallel_loop3A_711, %parallel_loop3A_712, %parallel_loop3A_713] {strides = array<i32>} : memref<4x8x128xf32, #tpu.memory_space<vmem>>, vector<16xf32>,
        tpu.vector_store %arg10[%parallel_loop3A_711, %parallel_loop3A_712, %parallel_loop3A_713], %parallel_loop3A_710 {strides = array<i32>} : memref<4x8x128xf32, #tpu.memory_space<vmem>>, vector<16xf32>,
        %parallel_loop3A_715 = tpu.vector_load_idx %arg6[%add3A_123, %parallel_loop3A_690] : memref<128x32xf32, #tpu.memory_space<vmem>>[vector<16xi32>, vector<16xi32>], vector<16xf32>,
        %parallel_loop3A_716 = arith.index_cast %parallel_loop3A_692 : i32 to index
        %parallel_loop3A_717 = arith.index_cast %parallel_loop3A_694 : i32 to index
        %parallel_loop3A_718 = arith.constant 64 : index
        %parallel_loop3A_719 = tpu.vector_load %arg10[%parallel_loop3A_716, %parallel_loop3A_717, %parallel_loop3A_718] {strides = array<i32>} : memref<4x8x128xf32, #tpu.memory_space<vmem>>, vector<16xf32>,
        tpu.vector_store %arg10[%parallel_loop3A_716, %parallel_loop3A_717, %parallel_loop3A_718], %parallel_loop3A_715 {strides = array<i32>} : memref<4x8x128xf32, #tpu.memory_space<vmem>>, vector<16xf32>,
        %parallel_loop3A_720 = tpu.vector_load_idx %arg6[%add3A_127, %parallel_loop3A_690] : memref<128x32xf32, #tpu.memory_space<vmem>>[vector<16xi32>, vector<16xi32>], vector<16xf32>,
        %parallel_loop3A_721 = arith.index_cast %parallel_loop3A_692 : i32 to index
        %parallel_loop3A_722 = arith.index_cast %parallel_loop3A_694 : i32 to index
        %parallel_loop3A_723 = arith.constant 80 : index
        %parallel_loop3A_724 = tpu.vector_load %arg10[%parallel_loop3A_721, %parallel_loop3A_722, %parallel_loop3A_723] {strides = array<i32>} : memref<4x8x128xf32, #tpu.memory_space<vmem>>, vector<16xf32>,
        tpu.vector_store %arg10[%parallel_loop3A_721, %parallel_loop3A_722, %parallel_loop3A_723], %parallel_loop3A_720 {strides = array<i32>} : memref<4x8x128xf32, #tpu.memory_space<vmem>>, vector<16xf32>,
        %parallel_loop3A_725 = tpu.vector_load_idx %arg6[%add3A_131, %parallel_loop3A_690] : memref<128x32xf32, #tpu.memory_space<vmem>>[vector<16xi32>, vector<16xi32>], vector<16xf32>,
        %parallel_loop3A_726 = arith.index_cast %parallel_loop3A_692 : i32 to index
        %parallel_loop3A_727 = arith.index_cast %parallel_loop3A_694 : i32 to index
        %parallel_loop3A_728 = arith.constant 96 : index
        %parallel_loop3A_729 = tpu.vector_load %arg10[%parallel_loop3A_726, %parallel_loop3A_727, %parallel_loop3A_728] {strides = array<i32>} : memref<4x8x128xf32, #tpu.memory_space<vmem>>, vector<16xf32>,
        tpu.vector_store %arg10[%parallel_loop3A_726, %parallel_loop3A_727, %parallel_loop3A_728], %parallel_loop3A_725 {strides = array<i32>} : memref<4x8x128xf32, #tpu.memory_space<vmem>>, vector<16xf32>,
        %parallel_loop3A_730 = tpu.vector_load_idx %arg6[%add3A_135, %parallel_loop3A_690] : memref<128x32xf32, #tpu.memory_space<vmem>>[vector<16xi32>, vector<16xi32>], vector<16xf32>,
        %parallel_loop3A_731 = arith.index_cast %parallel_loop3A_692 : i32 to index
        %parallel_loop3A_732 = arith.index_cast %parallel_loop3A_694 : i32 to index
        %parallel_loop3A_733 = arith.constant 112 : index
        %parallel_loop3A_734 = tpu.vector_load %arg10[%parallel_loop3A_731, %parallel_loop3A_732, %parallel_loop3A_733] {strides = array<i32>} : memref<4x8x128xf32, #tpu.memory_space<vmem>>, vector<16xf32>,
        tpu.vector_store %arg10[%parallel_loop3A_731, %parallel_loop3A_732, %parallel_loop3A_733], %parallel_loop3A_730 {strides = array<i32>} : memref<4x8x128xf32, #tpu.memory_space<vmem>>, vector<16xf32>,
      } {sc.loop_unroll_factor = 16 : i64, sc.parallel_access}
      %dma_start3A_450 = arith.constant 0 : i32
      %dma_start3A_451 = arith.constant 0 : i32
      %dma_start3A_452 = arith.constant 0 : i32
      %dma_start3A_453 = tpu.memref_slice %arg4[%select_n3A_425, %dma_start3A_450, %add3A_444, %dma_start3A_451, %dma_start3A_452] : memref<26x4x128x8x128xf32, #tpu.memory_space<hbm>> -> memref<1x4x1x8x128xf32, #tpu.memory_space<hbm>>
      %dma_start3A_454 = tpu.memref_squeeze %dma_start3A_453 : memref<1x4x1x8x128xf32, #tpu.memory_space<hbm>> -> memref<4x8x128xf32, #tpu.memory_space<hbm>>
      %dma_start3A_455 = arith.constant 0 : i32
      %dma_start3A_456 = arith.constant 0 : i32
      %dma_start3A_457 = arith.constant 0 : i32
      %dma_start3A_458 = tpu.memref_slice %arg4[%select_n3A_425, %dma_start3A_455, %add3A_444, %dma_start3A_456, %dma_start3A_457] : memref<26x4x128x8x128xf32, #tpu.memory_space<hbm>> -> memref<1x4x1x8x128xf32, #tpu.memory_space<hbm>>
      %dma_start3A_459 = tpu.memref_squeeze %dma_start3A_458 : memref<1x4x1x8x128xf32, #tpu.memory_space<hbm>> -> memref<4x8x128xf32, #tpu.memory_space<hbm>>
      tpu.enqueue_dma source(%arg10 : memref<4x8x128xf32, #tpu.memory_space<vmem>>) target(%dma_start3A_459 : memref<4x8x128xf32, #tpu.memory_space<hbm>>) target_semaphore(%arg16 : memref<!tpu.dma_semaphore, #tpu.memory_space<semaphore_mem>>)
      %add3A_460 = arith.constant 1 : i32
      %add3A_461 = arith.addi %mul3A_206, %add3A_460 : i32
      %jit3A_462 = arith.constant 4 : i32
      %div3A_463 = arith.divsi %add3A_461, %jit3A_462 : i32
      %sign3A_464 = arith.constant 0 : i32
      %sign3A_465 = arith.cmpi sgt, %add3A_461, %sign3A_464 : i32
      %sign3A_466 = arith.extui %sign3A_465 : i1 to i32
      %sign3A_467 = arith.constant 0 : i32
      %sign3A_468 = arith.cmpi slt, %add3A_461, %sign3A_467 : i32
      %sign3A_469 = arith.extui %sign3A_468 : i1 to i32
      %sign3A_470 = arith.subi %sign3A_466, %sign3A_469 : i32
      %sign3A_471 = arith.constant 0 : i32
      %sign3A_472 = arith.cmpi sgt, %jit3A_462, %sign3A_471 : i32
      %sign3A_473 = arith.extui %sign3A_472 : i1 to i32
      %sign3A_474 = arith.constant 0 : i32
      %sign3A_475 = arith.cmpi slt, %jit3A_462, %sign3A_474 : i32
      %sign3A_476 = arith.extui %sign3A_475 : i1 to i32
      %sign3A_477 = arith.subi %sign3A_473, %sign3A_476 : i32
      %ne3A_478 = arith.cmpi ne, %sign3A_470, %sign3A_477 : i32
      %rem3A_479 = arith.remsi %add3A_461, %jit3A_462 : i32
      %ne3A_480 = arith.constant 0 : i32
      %ne3A_481 = arith.cmpi ne, %rem3A_479, %ne3A_480 : i32
      %and3A_482 = arith.andi %ne3A_478, %ne3A_481 : i1
      %sub3A_483 = arith.constant 1 : i32
      %sub3A_484 = arith.subi %div3A_463, %sub3A_483 : i32
      %select_n3A_485 = arith.select %and3A_482, %sub3A_484, %div3A_463 : i32
      %mul3A_486 = arith.constant 4 : i32
      %mul3A_487 = arith.muli %add3A, %mul3A_486 : i32
      %jit3A_488 = arith.constant 4 : i32
      %eq3A_489 = arith.constant 0 : i32
      %eq3A_490 = arith.cmpi eq, %jit3A_488, %eq3A_489 : i32
      %jit3A_491 = arith.constant 1 : i32
      %select_n3A_492 = arith.select %eq3A_490, %jit3A_491, %jit3A_488 : i32
      %rem3A_493 = arith.remsi %add3A_461, %select_n3A_492 : i32
      %ne3A_494 = arith.constant 0 : i32
      %ne3A_495 = arith.cmpi ne, %rem3A_493, %ne3A_494 : i32
      %lt3A_496 = arith.constant 0 : i32
      %lt3A_497 = arith.cmpi slt, %rem3A_493, %lt3A_496 : i32
      %lt3A_498 = arith.constant 0 : i32
      %lt3A_499 = arith.cmpi slt, %select_n3A_492, %lt3A_498 : i32
      %ne3A_500 = arith.xori %lt3A_497, %lt3A_499 : i1
      %and3A_501 = arith.andi %ne3A_500, %ne3A_495 : i1
      %add3A_502 = arith.addi %rem3A_493, %select_n3A_492 : i32
      %select_n3A_503 = arith.select %and3A_501, %add3A_502, %rem3A_493 : i32
      %add3A_504 = arith.addi %mul3A_487, %select_n3A_503 : i32
      %dma_wait3A_505 = tpu.memref_slice %arg5[%add3A_293] : memref<13312xi32, #tpu.memory_space<vmem>> -> memref<128xi32, #tpu.memory_space<vmem>>
      %dma_wait3A_506 = arith.constant 0 : i32
      %dma_wait3A_507 = arith.constant 0 : i32
      %dma_wait3A_508 = tpu.memref_slice %arg2[%dma_wait3A_506, %dma_wait3A_507] : memref<1000000x32xf32, #tpu.memory_space<hbm>> -> memref<1000000x32xf32, #tpu.memory_space<hbm>>
      tpu.wait_indirect_dma semaphore(%arg13 : memref<!tpu.dma_semaphore, #tpu.memory_space<semaphore_mem>>) src(%dma_wait3A_508 : memref<1000000x32xf32, #tpu.memory_space<hbm>>) dst(%arg7 : memref<128x32xf32, #tpu.memory_space<vmem>>)
      %parallel_loop3A_509 = arith.constant 0 : i32
      %parallel_loop3A_510 = arith.constant 32 : i32
      %parallel_loop3A_511 = arith.constant 1 : i32
      scf.for %parallel_loop3A_686 = %parallel_loop3A_509 to %parallel_loop3A_510 step %parallel_loop3A_511  : i32 {
        %parallel_loop3A_687 = arith.constant 1 : i32
        %parallel_loop3A_688 = vector.broadcast %parallel_loop3A_687 : i32 to vector<16xi32>
        %parallel_loop3A_689 = vector.broadcast %parallel_loop3A_686 : i32 to vector<16xi32>
        %parallel_loop3A_690 = arith.muli %parallel_loop3A_688, %parallel_loop3A_689 : vector<16xi32>
        %parallel_loop3A_691 = arith.constant 3 : i32
        %parallel_loop3A_692 = arith.shrui %parallel_loop3A_686, %parallel_loop3A_691 : i32
        %parallel_loop3A_693 = arith.constant 7 : i32
        %parallel_loop3A_694 = arith.andi %parallel_loop3A_686, %parallel_loop3A_693 : i32
        %parallel_loop3A_695 = tpu.vector_load_idx %arg7[%add3A_107, %parallel_loop3A_690] : memref<128x32xf32, #tpu.memory_space<vmem>>[vector<16xi32>, vector<16xi32>], vector<16xf32>,
        %parallel_loop3A_696 = arith.index_cast %parallel_loop3A_692 : i32 to index
        %parallel_loop3A_697 = arith.index_cast %parallel_loop3A_694 : i32 to index
        %parallel_loop3A_698 = arith.constant 0 : index
        %parallel_loop3A_699 = tpu.vector_load %arg11[%parallel_loop3A_696, %parallel_loop3A_697, %parallel_loop3A_698] {strides = array<i32>} : memref<4x8x128xf32, #tpu.memory_space<vmem>>, vector<16xf32>,
        tpu.vector_store %arg11[%parallel_loop3A_696, %parallel_loop3A_697, %parallel_loop3A_698], %parallel_loop3A_695 {strides = array<i32>} : memref<4x8x128xf32, #tpu.memory_space<vmem>>, vector<16xf32>,
        %parallel_loop3A_700 = tpu.vector_load_idx %arg7[%add3A_111, %parallel_loop3A_690] : memref<128x32xf32, #tpu.memory_space<vmem>>[vector<16xi32>, vector<16xi32>], vector<16xf32>,
        %parallel_loop3A_701 = arith.index_cast %parallel_loop3A_692 : i32 to index
        %parallel_loop3A_702 = arith.index_cast %parallel_loop3A_694 : i32 to index
        %parallel_loop3A_703 = arith.constant 16 : index
        %parallel_loop3A_704 = tpu.vector_load %arg11[%parallel_loop3A_701, %parallel_loop3A_702, %parallel_loop3A_703] {strides = array<i32>} : memref<4x8x128xf32, #tpu.memory_space<vmem>>, vector<16xf32>,
        tpu.vector_store %arg11[%parallel_loop3A_701, %parallel_loop3A_702, %parallel_loop3A_703], %parallel_loop3A_700 {strides = array<i32>} : memref<4x8x128xf32, #tpu.memory_space<vmem>>, vector<16xf32>,
        %parallel_loop3A_705 = tpu.vector_load_idx %arg7[%add3A_115, %parallel_loop3A_690] : memref<128x32xf32, #tpu.memory_space<vmem>>[vector<16xi32>, vector<16xi32>], vector<16xf32>,
        %parallel_loop3A_706 = arith.index_cast %parallel_loop3A_692 : i32 to index
        %parallel_loop3A_707 = arith.index_cast %parallel_loop3A_694 : i32 to index
        %parallel_loop3A_708 = arith.constant 32 : index
        %parallel_loop3A_709 = tpu.vector_load %arg11[%parallel_loop3A_706, %parallel_loop3A_707, %parallel_loop3A_708] {strides = array<i32>} : memref<4x8x128xf32, #tpu.memory_space<vmem>>, vector<16xf32>,
        tpu.vector_store %arg11[%parallel_loop3A_706, %parallel_loop3A_707, %parallel_loop3A_708], %parallel_loop3A_705 {strides = array<i32>} : memref<4x8x128xf32, #tpu.memory_space<vmem>>, vector<16xf32>,
        %parallel_loop3A_710 = tpu.vector_load_idx %arg7[%add3A_119, %parallel_loop3A_690] : memref<128x32xf32, #tpu.memory_space<vmem>>[vector<16xi32>, vector<16xi32>], vector<16xf32>,
        %parallel_loop3A_711 = arith.index_cast %parallel_loop3A_692 : i32 to index
        %parallel_loop3A_712 = arith.index_cast %parallel_loop3A_694 : i32 to index
        %parallel_loop3A_713 = arith.constant 48 : index
        %parallel_loop3A_714 = tpu.vector_load %arg11[%parallel_loop3A_711, %parallel_loop3A_712, %parallel_loop3A_713] {strides = array<i32>} : memref<4x8x128xf32, #tpu.memory_space<vmem>>, vector<16xf32>,
        tpu.vector_store %arg11[%parallel_loop3A_711, %parallel_loop3A_712, %parallel_loop3A_713], %parallel_loop3A_710 {strides = array<i32>} : memref<4x8x128xf32, #tpu.memory_space<vmem>>, vector<16xf32>,
        %parallel_loop3A_715 = tpu.vector_load_idx %arg7[%add3A_123, %parallel_loop3A_690] : memref<128x32xf32, #tpu.memory_space<vmem>>[vector<16xi32>, vector<16xi32>], vector<16xf32>,
        %parallel_loop3A_716 = arith.index_cast %parallel_loop3A_692 : i32 to index
        %parallel_loop3A_717 = arith.index_cast %parallel_loop3A_694 : i32 to index
        %parallel_loop3A_718 = arith.constant 64 : index
        %parallel_loop3A_719 = tpu.vector_load %arg11[%parallel_loop3A_716, %parallel_loop3A_717, %parallel_loop3A_718] {strides = array<i32>} : memref<4x8x128xf32, #tpu.memory_space<vmem>>, vector<16xf32>,
        tpu.vector_store %arg11[%parallel_loop3A_716, %parallel_loop3A_717, %parallel_loop3A_718], %parallel_loop3A_715 {strides = array<i32>} : memref<4x8x128xf32, #tpu.memory_space<vmem>>, vector<16xf32>,
        %parallel_loop3A_720 = tpu.vector_load_idx %arg7[%add3A_127, %parallel_loop3A_690] : memref<128x32xf32, #tpu.memory_space<vmem>>[vector<16xi32>, vector<16xi32>], vector<16xf32>,
        %parallel_loop3A_721 = arith.index_cast %parallel_loop3A_692 : i32 to index
        %parallel_loop3A_722 = arith.index_cast %parallel_loop3A_694 : i32 to index
        %parallel_loop3A_723 = arith.constant 80 : index
        %parallel_loop3A_724 = tpu.vector_load %arg11[%parallel_loop3A_721, %parallel_loop3A_722, %parallel_loop3A_723] {strides = array<i32>} : memref<4x8x128xf32, #tpu.memory_space<vmem>>, vector<16xf32>,
        tpu.vector_store %arg11[%parallel_loop3A_721, %parallel_loop3A_722, %parallel_loop3A_723], %parallel_loop3A_720 {strides = array<i32>} : memref<4x8x128xf32, #tpu.memory_space<vmem>>, vector<16xf32>,
        %parallel_loop3A_725 = tpu.vector_load_idx %arg7[%add3A_131, %parallel_loop3A_690] : memref<128x32xf32, #tpu.memory_space<vmem>>[vector<16xi32>, vector<16xi32>], vector<16xf32>,
        %parallel_loop3A_726 = arith.index_cast %parallel_loop3A_692 : i32 to index
        %parallel_loop3A_727 = arith.index_cast %parallel_loop3A_694 : i32 to index
        %parallel_loop3A_728 = arith.constant 96 : index
        %parallel_loop3A_729 = tpu.vector_load %arg11[%parallel_loop3A_726, %parallel_loop3A_727, %parallel_loop3A_728] {strides = array<i32>} : memref<4x8x128xf32, #tpu.memory_space<vmem>>, vector<16xf32>,
        tpu.vector_store %arg11[%parallel_loop3A_726, %parallel_loop3A_727, %parallel_loop3A_728], %parallel_loop3A_725 {strides = array<i32>} : memref<4x8x128xf32, #tpu.memory_space<vmem>>, vector<16xf32>,
        %parallel_loop3A_730 = tpu.vector_load_idx %arg7[%add3A_135, %parallel_loop3A_690] : memref<128x32xf32, #tpu.memory_space<vmem>>[vector<16xi32>, vector<16xi32>], vector<16xf32>,
        %parallel_loop3A_731 = arith.index_cast %parallel_loop3A_692 : i32 to index
        %parallel_loop3A_732 = arith.index_cast %parallel_loop3A_694 : i32 to index
        %parallel_loop3A_733 = arith.constant 112 : index
        %parallel_loop3A_734 = tpu.vector_load %arg11[%parallel_loop3A_731, %parallel_loop3A_732, %parallel_loop3A_733] {strides = array<i32>} : memref<4x8x128xf32, #tpu.memory_space<vmem>>, vector<16xf32>,
        tpu.vector_store %arg11[%parallel_loop3A_731, %parallel_loop3A_732, %parallel_loop3A_733], %parallel_loop3A_730 {strides = array<i32>} : memref<4x8x128xf32, #tpu.memory_space<vmem>>, vector<16xf32>,
      } {sc.loop_unroll_factor = 16 : i64, sc.parallel_access}
      %dma_start3A_512 = arith.constant 0 : i32
      %dma_start3A_513 = arith.constant 0 : i32
      %dma_start3A_514 = arith.constant 0 : i32
      %dma_start3A_515 = tpu.memref_slice %arg4[%select_n3A_485, %dma_start3A_512, %add3A_504, %dma_start3A_513, %dma_start3A_514] : memref<26x4x128x8x128xf32, #tpu.memory_space<hbm>> -> memref<1x4x1x8x128xf32, #tpu.memory_space<hbm>>
      %dma_start3A_516 = tpu.memref_squeeze %dma_start3A_515 : memref<1x4x1x8x128xf32, #tpu.memory_space<hbm>> -> memref<4x8x128xf32, #tpu.memory_space<hbm>>
      %dma_start3A_517 = arith.constant 0 : i32
      %dma_start3A_518 = arith.constant 0 : i32
      %dma_start3A_519 = arith.constant 0 : i32
      %dma_start3A_520 = tpu.memref_slice %arg4[%select_n3A_485, %dma_start3A_517, %add3A_504, %dma_start3A_518, %dma_start3A_519] : memref<26x4x128x8x128xf32, #tpu.memory_space<hbm>> -> memref<1x4x1x8x128xf32, #tpu.memory_space<hbm>>
      %dma_start3A_521 = tpu.memref_squeeze %dma_start3A_520 : memref<1x4x1x8x128xf32, #tpu.memory_space<hbm>> -> memref<4x8x128xf32, #tpu.memory_space<hbm>>
      tpu.enqueue_dma source(%arg11 : memref<4x8x128xf32, #tpu.memory_space<vmem>>) target(%dma_start3A_521 : memref<4x8x128xf32, #tpu.memory_space<hbm>>) target_semaphore(%arg17 : memref<!tpu.dma_semaphore, #tpu.memory_space<semaphore_mem>>)
      %add3A_522 = arith.constant 2 : i32
      %add3A_523 = arith.addi %mul3A_206, %add3A_522 : i32
      %jit3A_524 = arith.constant 4 : i32
      %div3A_525 = arith.divsi %add3A_523, %jit3A_524 : i32
      %sign3A_526 = arith.constant 0 : i32
      %sign3A_527 = arith.cmpi sgt, %add3A_523, %sign3A_526 : i32
      %sign3A_528 = arith.extui %sign3A_527 : i1 to i32
      %sign3A_529 = arith.constant 0 : i32
      %sign3A_530 = arith.cmpi slt, %add3A_523, %sign3A_529 : i32
      %sign3A_531 = arith.extui %sign3A_530 : i1 to i32
      %sign3A_532 = arith.subi %sign3A_528, %sign3A_531 : i32
      %sign3A_533 = arith.constant 0 : i32
      %sign3A_534 = arith.cmpi sgt, %jit3A_524, %sign3A_533 : i32
      %sign3A_535 = arith.extui %sign3A_534 : i1 to i32
      %sign3A_536 = arith.constant 0 : i32
      %sign3A_537 = arith.cmpi slt, %jit3A_524, %sign3A_536 : i32
      %sign3A_538 = arith.extui %sign3A_537 : i1 to i32
      %sign3A_539 = arith.subi %sign3A_535, %sign3A_538 : i32
      %ne3A_540 = arith.cmpi ne, %sign3A_532, %sign3A_539 : i32
      %rem3A_541 = arith.remsi %add3A_523, %jit3A_524 : i32
      %ne3A_542 = arith.constant 0 : i32
      %ne3A_543 = arith.cmpi ne, %rem3A_541, %ne3A_542 : i32
      %and3A_544 = arith.andi %ne3A_540, %ne3A_543 : i1
      %sub3A_545 = arith.constant 1 : i32
      %sub3A_546 = arith.subi %div3A_525, %sub3A_545 : i32
      %select_n3A_547 = arith.select %and3A_544, %sub3A_546, %div3A_525 : i32
      %mul3A_548 = arith.constant 4 : i32
      %mul3A_549 = arith.muli %add3A, %mul3A_548 : i32
      %jit3A_550 = arith.constant 4 : i32
      %eq3A_551 = arith.constant 0 : i32
      %eq3A_552 = arith.cmpi eq, %jit3A_550, %eq3A_551 : i32
      %jit3A_553 = arith.constant 1 : i32
      %select_n3A_554 = arith.select %eq3A_552, %jit3A_553, %jit3A_550 : i32
      %rem3A_555 = arith.remsi %add3A_523, %select_n3A_554 : i32
      %ne3A_556 = arith.constant 0 : i32
      %ne3A_557 = arith.cmpi ne, %rem3A_555, %ne3A_556 : i32
      %lt3A_558 = arith.constant 0 : i32
      %lt3A_559 = arith.cmpi slt, %rem3A_555, %lt3A_558 : i32
      %lt3A_560 = arith.constant 0 : i32
      %lt3A_561 = arith.cmpi slt, %select_n3A_554, %lt3A_560 : i32
      %ne3A_562 = arith.xori %lt3A_559, %lt3A_561 : i1
      %and3A_563 = arith.andi %ne3A_562, %ne3A_557 : i1
      %add3A_564 = arith.addi %rem3A_555, %select_n3A_554 : i32
      %select_n3A_565 = arith.select %and3A_563, %add3A_564, %rem3A_555 : i32
      %add3A_566 = arith.addi %mul3A_549, %select_n3A_565 : i32
      %dma_wait3A_567 = tpu.memref_slice %arg5[%add3A_344] : memref<13312xi32, #tpu.memory_space<vmem>> -> memref<128xi32, #tpu.memory_space<vmem>>
      %dma_wait3A_568 = arith.constant 0 : i32
      %dma_wait3A_569 = arith.constant 0 : i32
      %dma_wait3A_570 = tpu.memref_slice %arg2[%dma_wait3A_568, %dma_wait3A_569] : memref<1000000x32xf32, #tpu.memory_space<hbm>> -> memref<1000000x32xf32, #tpu.memory_space<hbm>>
      tpu.wait_indirect_dma semaphore(%arg14 : memref<!tpu.dma_semaphore, #tpu.memory_space<semaphore_mem>>) src(%dma_wait3A_570 : memref<1000000x32xf32, #tpu.memory_space<hbm>>) dst(%arg8 : memref<128x32xf32, #tpu.memory_space<vmem>>)
      %dma_wait3A_571 = arith.constant 0 : i32
      %dma_wait3A_572 = arith.constant 0 : i32
      %dma_wait3A_573 = arith.constant 0 : i32
      %dma_wait3A_574 = tpu.memref_slice %arg4[%select_n3A_425, %dma_wait3A_571, %add3A_444, %dma_wait3A_572, %dma_wait3A_573] : memref<26x4x128x8x128xf32, #tpu.memory_space<hbm>> -> memref<1x4x1x8x128xf32, #tpu.memory_space<hbm>>
      %dma_wait3A_575 = tpu.memref_squeeze %dma_wait3A_574 : memref<1x4x1x8x128xf32, #tpu.memory_space<hbm>> -> memref<4x8x128xf32, #tpu.memory_space<hbm>>
      %dma_wait3A_576 = arith.constant 0 : i32
      %dma_wait3A_577 = arith.constant 0 : i32
      %dma_wait3A_578 = arith.constant 0 : i32
      %dma_wait3A_579 = tpu.memref_slice %arg4[%select_n3A_425, %dma_wait3A_576, %add3A_444, %dma_wait3A_577, %dma_wait3A_578] : memref<26x4x128x8x128xf32, #tpu.memory_space<hbm>> -> memref<1x4x1x8x128xf32, #tpu.memory_space<hbm>>
      %dma_wait3A_580 = tpu.memref_squeeze %dma_wait3A_579 : memref<1x4x1x8x128xf32, #tpu.memory_space<hbm>> -> memref<4x8x128xf32, #tpu.memory_space<hbm>>
      tpu.wait_dma2 semaphore(%arg16 : memref<!tpu.dma_semaphore, #tpu.memory_space<semaphore_mem>>) src(%arg10 : memref<4x8x128xf32, #tpu.memory_space<vmem>>) dst(%dma_wait3A_580 : memref<4x8x128xf32, #tpu.memory_space<hbm>>)
      %parallel_loop3A_581 = arith.constant 0 : i32
      %parallel_loop3A_582 = arith.constant 32 : i32
      %parallel_loop3A_583 = arith.constant 1 : i32
      scf.for %parallel_loop3A_686 = %parallel_loop3A_581 to %parallel_loop3A_582 step %parallel_loop3A_583  : i32 {
        %parallel_loop3A_687 = arith.constant 1 : i32
        %parallel_loop3A_688 = vector.broadcast %parallel_loop3A_687 : i32 to vector<16xi32>
        %parallel_loop3A_689 = vector.broadcast %parallel_loop3A_686 : i32 to vector<16xi32>
        %parallel_loop3A_690 = arith.muli %parallel_loop3A_688, %parallel_loop3A_689 : vector<16xi32>
        %parallel_loop3A_691 = arith.constant 3 : i32
        %parallel_loop3A_692 = arith.shrui %parallel_loop3A_686, %parallel_loop3A_691 : i32
        %parallel_loop3A_693 = arith.constant 7 : i32
        %parallel_loop3A_694 = arith.andi %parallel_loop3A_686, %parallel_loop3A_693 : i32
        %parallel_loop3A_695 = tpu.vector_load_idx %arg8[%add3A_107, %parallel_loop3A_690] : memref<128x32xf32, #tpu.memory_space<vmem>>[vector<16xi32>, vector<16xi32>], vector<16xf32>,
        %parallel_loop3A_696 = arith.index_cast %parallel_loop3A_692 : i32 to index
        %parallel_loop3A_697 = arith.index_cast %parallel_loop3A_694 : i32 to index
        %parallel_loop3A_698 = arith.constant 0 : index
        %parallel_loop3A_699 = tpu.vector_load %arg10[%parallel_loop3A_696, %parallel_loop3A_697, %parallel_loop3A_698] {strides = array<i32>} : memref<4x8x128xf32, #tpu.memory_space<vmem>>, vector<16xf32>,
        tpu.vector_store %arg10[%parallel_loop3A_696, %parallel_loop3A_697, %parallel_loop3A_698], %parallel_loop3A_695 {strides = array<i32>} : memref<4x8x128xf32, #tpu.memory_space<vmem>>, vector<16xf32>,
        %parallel_loop3A_700 = tpu.vector_load_idx %arg8[%add3A_111, %parallel_loop3A_690] : memref<128x32xf32, #tpu.memory_space<vmem>>[vector<16xi32>, vector<16xi32>], vector<16xf32>,
        %parallel_loop3A_701 = arith.index_cast %parallel_loop3A_692 : i32 to index
        %parallel_loop3A_702 = arith.index_cast %parallel_loop3A_694 : i32 to index
        %parallel_loop3A_703 = arith.constant 16 : index
        %parallel_loop3A_704 = tpu.vector_load %arg10[%parallel_loop3A_701, %parallel_loop3A_702, %parallel_loop3A_703] {strides = array<i32>} : memref<4x8x128xf32, #tpu.memory_space<vmem>>, vector<16xf32>,
        tpu.vector_store %arg10[%parallel_loop3A_701, %parallel_loop3A_702, %parallel_loop3A_703], %parallel_loop3A_700 {strides = array<i32>} : memref<4x8x128xf32, #tpu.memory_space<vmem>>, vector<16xf32>,
        %parallel_loop3A_705 = tpu.vector_load_idx %arg8[%add3A_115, %parallel_loop3A_690] : memref<128x32xf32, #tpu.memory_space<vmem>>[vector<16xi32>, vector<16xi32>], vector<16xf32>,
        %parallel_loop3A_706 = arith.index_cast %parallel_loop3A_692 : i32 to index
        %parallel_loop3A_707 = arith.index_cast %parallel_loop3A_694 : i32 to index
        %parallel_loop3A_708 = arith.constant 32 : index
        %parallel_loop3A_709 = tpu.vector_load %arg10[%parallel_loop3A_706, %parallel_loop3A_707, %parallel_loop3A_708] {strides = array<i32>} : memref<4x8x128xf32, #tpu.memory_space<vmem>>, vector<16xf32>,
        tpu.vector_store %arg10[%parallel_loop3A_706, %parallel_loop3A_707, %parallel_loop3A_708], %parallel_loop3A_705 {strides = array<i32>} : memref<4x8x128xf32, #tpu.memory_space<vmem>>, vector<16xf32>,
        %parallel_loop3A_710 = tpu.vector_load_idx %arg8[%add3A_119, %parallel_loop3A_690] : memref<128x32xf32, #tpu.memory_space<vmem>>[vector<16xi32>, vector<16xi32>], vector<16xf32>,
        %parallel_loop3A_711 = arith.index_cast %parallel_loop3A_692 : i32 to index
        %parallel_loop3A_712 = arith.index_cast %parallel_loop3A_694 : i32 to index
        %parallel_loop3A_713 = arith.constant 48 : index
        %parallel_loop3A_714 = tpu.vector_load %arg10[%parallel_loop3A_711, %parallel_loop3A_712, %parallel_loop3A_713] {strides = array<i32>} : memref<4x8x128xf32, #tpu.memory_space<vmem>>, vector<16xf32>,
        tpu.vector_store %arg10[%parallel_loop3A_711, %parallel_loop3A_712, %parallel_loop3A_713], %parallel_loop3A_710 {strides = array<i32>} : memref<4x8x128xf32, #tpu.memory_space<vmem>>, vector<16xf32>,
        %parallel_loop3A_715 = tpu.vector_load_idx %arg8[%add3A_123, %parallel_loop3A_690] : memref<128x32xf32, #tpu.memory_space<vmem>>[vector<16xi32>, vector<16xi32>], vector<16xf32>,
        %parallel_loop3A_716 = arith.index_cast %parallel_loop3A_692 : i32 to index
        %parallel_loop3A_717 = arith.index_cast %parallel_loop3A_694 : i32 to index
        %parallel_loop3A_718 = arith.constant 64 : index
        %parallel_loop3A_719 = tpu.vector_load %arg10[%parallel_loop3A_716, %parallel_loop3A_717, %parallel_loop3A_718] {strides = array<i32>} : memref<4x8x128xf32, #tpu.memory_space<vmem>>, vector<16xf32>,
        tpu.vector_store %arg10[%parallel_loop3A_716, %parallel_loop3A_717, %parallel_loop3A_718], %parallel_loop3A_715 {strides = array<i32>} : memref<4x8x128xf32, #tpu.memory_space<vmem>>, vector<16xf32>,
        %parallel_loop3A_720 = tpu.vector_load_idx %arg8[%add3A_127, %parallel_loop3A_690] : memref<128x32xf32, #tpu.memory_space<vmem>>[vector<16xi32>, vector<16xi32>], vector<16xf32>,
        %parallel_loop3A_721 = arith.index_cast %parallel_loop3A_692 : i32 to index
        %parallel_loop3A_722 = arith.index_cast %parallel_loop3A_694 : i32 to index
        %parallel_loop3A_723 = arith.constant 80 : index
        %parallel_loop3A_724 = tpu.vector_load %arg10[%parallel_loop3A_721, %parallel_loop3A_722, %parallel_loop3A_723] {strides = array<i32>} : memref<4x8x128xf32, #tpu.memory_space<vmem>>, vector<16xf32>,
        tpu.vector_store %arg10[%parallel_loop3A_721, %parallel_loop3A_722, %parallel_loop3A_723], %parallel_loop3A_720 {strides = array<i32>} : memref<4x8x128xf32, #tpu.memory_space<vmem>>, vector<16xf32>,
        %parallel_loop3A_725 = tpu.vector_load_idx %arg8[%add3A_131, %parallel_loop3A_690] : memref<128x32xf32, #tpu.memory_space<vmem>>[vector<16xi32>, vector<16xi32>], vector<16xf32>,
        %parallel_loop3A_726 = arith.index_cast %parallel_loop3A_692 : i32 to index
        %parallel_loop3A_727 = arith.index_cast %parallel_loop3A_694 : i32 to index
        %parallel_loop3A_728 = arith.constant 96 : index
        %parallel_loop3A_729 = tpu.vector_load %arg10[%parallel_loop3A_726, %parallel_loop3A_727, %parallel_loop3A_728] {strides = array<i32>} : memref<4x8x128xf32, #tpu.memory_space<vmem>>, vector<16xf32>,
        tpu.vector_store %arg10[%parallel_loop3A_726, %parallel_loop3A_727, %parallel_loop3A_728], %parallel_loop3A_725 {strides = array<i32>} : memref<4x8x128xf32, #tpu.memory_space<vmem>>, vector<16xf32>,
        %parallel_loop3A_730 = tpu.vector_load_idx %arg8[%add3A_135, %parallel_loop3A_690] : memref<128x32xf32, #tpu.memory_space<vmem>>[vector<16xi32>, vector<16xi32>], vector<16xf32>,
        %parallel_loop3A_731 = arith.index_cast %parallel_loop3A_692 : i32 to index
        %parallel_loop3A_732 = arith.index_cast %parallel_loop3A_694 : i32 to index
        %parallel_loop3A_733 = arith.constant 112 : index
        %parallel_loop3A_734 = tpu.vector_load %arg10[%parallel_loop3A_731, %parallel_loop3A_732, %parallel_loop3A_733] {strides = array<i32>} : memref<4x8x128xf32, #tpu.memory_space<vmem>>, vector<16xf32>,
        tpu.vector_store %arg10[%parallel_loop3A_731, %parallel_loop3A_732, %parallel_loop3A_733], %parallel_loop3A_730 {strides = array<i32>} : memref<4x8x128xf32, #tpu.memory_space<vmem>>, vector<16xf32>,
      } {sc.loop_unroll_factor = 16 : i64, sc.parallel_access}
      %dma_start3A_584 = arith.constant 0 : i32
      %dma_start3A_585 = arith.constant 0 : i32
      %dma_start3A_586 = arith.constant 0 : i32
      %dma_start3A_587 = tpu.memref_slice %arg4[%select_n3A_547, %dma_start3A_584, %add3A_566, %dma_start3A_585, %dma_start3A_586] : memref<26x4x128x8x128xf32, #tpu.memory_space<hbm>> -> memref<1x4x1x8x128xf32, #tpu.memory_space<hbm>>
      %dma_start3A_588 = tpu.memref_squeeze %dma_start3A_587 : memref<1x4x1x8x128xf32, #tpu.memory_space<hbm>> -> memref<4x8x128xf32, #tpu.memory_space<hbm>>
      %dma_start3A_589 = arith.constant 0 : i32
      %dma_start3A_590 = arith.constant 0 : i32
      %dma_start3A_591 = arith.constant 0 : i32
      %dma_start3A_592 = tpu.memref_slice %arg4[%select_n3A_547, %dma_start3A_589, %add3A_566, %dma_start3A_590, %dma_start3A_591] : memref<26x4x128x8x128xf32, #tpu.memory_space<hbm>> -> memref<1x4x1x8x128xf32, #tpu.memory_space<hbm>>
      %dma_start3A_593 = tpu.memref_squeeze %dma_start3A_592 : memref<1x4x1x8x128xf32, #tpu.memory_space<hbm>> -> memref<4x8x128xf32, #tpu.memory_space<hbm>>
      tpu.enqueue_dma source(%arg10 : memref<4x8x128xf32, #tpu.memory_space<vmem>>) target(%dma_start3A_593 : memref<4x8x128xf32, #tpu.memory_space<hbm>>) target_semaphore(%arg16 : memref<!tpu.dma_semaphore, #tpu.memory_space<semaphore_mem>>)
      %add3A_594 = arith.constant 3 : i32
      %add3A_595 = arith.addi %mul3A_206, %add3A_594 : i32
      %jit3A_596 = arith.constant 4 : i32
      %div3A_597 = arith.divsi %add3A_595, %jit3A_596 : i32
      %sign3A_598 = arith.constant 0 : i32
      %sign3A_599 = arith.cmpi sgt, %add3A_595, %sign3A_598 : i32
      %sign3A_600 = arith.extui %sign3A_599 : i1 to i32
      %sign3A_601 = arith.constant 0 : i32
      %sign3A_602 = arith.cmpi slt, %add3A_595, %sign3A_601 : i32
      %sign3A_603 = arith.extui %sign3A_602 : i1 to i32
      %sign3A_604 = arith.subi %sign3A_600, %sign3A_603 : i32
      %sign3A_605 = arith.constant 0 : i32
      %sign3A_606 = arith.cmpi sgt, %jit3A_596, %sign3A_605 : i32
      %sign3A_607 = arith.extui %sign3A_606 : i1 to i32
      %sign3A_608 = arith.constant 0 : i32
      %sign3A_609 = arith.cmpi slt, %jit3A_596, %sign3A_608 : i32
      %sign3A_610 = arith.extui %sign3A_609 : i1 to i32
      %sign3A_611 = arith.subi %sign3A_607, %sign3A_610 : i32
      %ne3A_612 = arith.cmpi ne, %sign3A_604, %sign3A_611 : i32
      %rem3A_613 = arith.remsi %add3A_595, %jit3A_596 : i32
      %ne3A_614 = arith.constant 0 : i32
      %ne3A_615 = arith.cmpi ne, %rem3A_613, %ne3A_614 : i32
      %and3A_616 = arith.andi %ne3A_612, %ne3A_615 : i1
      %sub3A_617 = arith.constant 1 : i32
      %sub3A_618 = arith.subi %div3A_597, %sub3A_617 : i32
      %select_n3A_619 = arith.select %and3A_616, %sub3A_618, %div3A_597 : i32
      %mul3A_620 = arith.constant 4 : i32
      %mul3A_621 = arith.muli %add3A, %mul3A_620 : i32
      %jit3A_622 = arith.constant 4 : i32
      %eq3A_623 = arith.constant 0 : i32
      %eq3A_624 = arith.cmpi eq, %jit3A_622, %eq3A_623 : i32
      %jit3A_625 = arith.constant 1 : i32
      %select_n3A_626 = arith.select %eq3A_624, %jit3A_625, %jit3A_622 : i32
      %rem3A_627 = arith.remsi %add3A_595, %select_n3A_626 : i32
      %ne3A_628 = arith.constant 0 : i32
      %ne3A_629 = arith.cmpi ne, %rem3A_627, %ne3A_628 : i32
      %lt3A_630 = arith.constant 0 : i32
      %lt3A_631 = arith.cmpi slt, %rem3A_627, %lt3A_630 : i32
      %lt3A_632 = arith.constant 0 : i32
      %lt3A_633 = arith.cmpi slt, %select_n3A_626, %lt3A_632 : i32
      %ne3A_634 = arith.xori %lt3A_631, %lt3A_633 : i1
      %and3A_635 = arith.andi %ne3A_634, %ne3A_629 : i1
      %add3A_636 = arith.addi %rem3A_627, %select_n3A_626 : i32
      %select_n3A_637 = arith.select %and3A_635, %add3A_636, %rem3A_627 : i32
      %add3A_638 = arith.addi %mul3A_621, %select_n3A_637 : i32
      %dma_wait3A_639 = tpu.memref_slice %arg5[%add3A_395] : memref<13312xi32, #tpu.memory_space<vmem>> -> memref<128xi32, #tpu.memory_space<vmem>>
      %dma_wait3A_640 = arith.constant 0 : i32
      %dma_wait3A_641 = arith.constant 0 : i32
      %dma_wait3A_642 = tpu.memref_slice %arg2[%dma_wait3A_640, %dma_wait3A_641] : memref<1000000x32xf32, #tpu.memory_space<hbm>> -> memref<1000000x32xf32, #tpu.memory_space<hbm>>
      tpu.wait_indirect_dma semaphore(%arg15 : memref<!tpu.dma_semaphore, #tpu.memory_space<semaphore_mem>>) src(%dma_wait3A_642 : memref<1000000x32xf32, #tpu.memory_space<hbm>>) dst(%arg9 : memref<128x32xf32, #tpu.memory_space<vmem>>)
      %dma_wait3A_643 = arith.constant 0 : i32
      %dma_wait3A_644 = arith.constant 0 : i32
      %dma_wait3A_645 = arith.constant 0 : i32
      %dma_wait3A_646 = tpu.memref_slice %arg4[%select_n3A_485, %dma_wait3A_643, %add3A_504, %dma_wait3A_644, %dma_wait3A_645] : memref<26x4x128x8x128xf32, #tpu.memory_space<hbm>> -> memref<1x4x1x8x128xf32, #tpu.memory_space<hbm>>
      %dma_wait3A_647 = tpu.memref_squeeze %dma_wait3A_646 : memref<1x4x1x8x128xf32, #tpu.memory_space<hbm>> -> memref<4x8x128xf32, #tpu.memory_space<hbm>>
      %dma_wait3A_648 = arith.constant 0 : i32
      %dma_wait3A_649 = arith.constant 0 : i32
      %dma_wait3A_650 = arith.constant 0 : i32
      %dma_wait3A_651 = tpu.memref_slice %arg4[%select_n3A_485, %dma_wait3A_648, %add3A_504, %dma_wait3A_649, %dma_wait3A_650] : memref<26x4x128x8x128xf32, #tpu.memory_space<hbm>> -> memref<1x4x1x8x128xf32, #tpu.memory_space<hbm>>
      %dma_wait3A_652 = tpu.memref_squeeze %dma_wait3A_651 : memref<1x4x1x8x128xf32, #tpu.memory_space<hbm>> -> memref<4x8x128xf32, #tpu.memory_space<hbm>>
      tpu.wait_dma2 semaphore(%arg17 : memref<!tpu.dma_semaphore, #tpu.memory_space<semaphore_mem>>) src(%arg11 : memref<4x8x128xf32, #tpu.memory_space<vmem>>) dst(%dma_wait3A_652 : memref<4x8x128xf32, #tpu.memory_space<hbm>>)
      %parallel_loop3A_653 = arith.constant 0 : i32
      %parallel_loop3A_654 = arith.constant 32 : i32
      %parallel_loop3A_655 = arith.constant 1 : i32
      scf.for %parallel_loop3A_686 = %parallel_loop3A_653 to %parallel_loop3A_654 step %parallel_loop3A_655  : i32 {
        %parallel_loop3A_687 = arith.constant 1 : i32
        %parallel_loop3A_688 = vector.broadcast %parallel_loop3A_687 : i32 to vector<16xi32>
        %parallel_loop3A_689 = vector.broadcast %parallel_loop3A_686 : i32 to vector<16xi32>
        %parallel_loop3A_690 = arith.muli %parallel_loop3A_688, %parallel_loop3A_689 : vector<16xi32>
        %parallel_loop3A_691 = arith.constant 3 : i32
        %parallel_loop3A_692 = arith.shrui %parallel_loop3A_686, %parallel_loop3A_691 : i32
        %parallel_loop3A_693 = arith.constant 7 : i32
        %parallel_loop3A_694 = arith.andi %parallel_loop3A_686, %parallel_loop3A_693 : i32
        %parallel_loop3A_695 = tpu.vector_load_idx %arg9[%add3A_107, %parallel_loop3A_690] : memref<128x32xf32, #tpu.memory_space<vmem>>[vector<16xi32>, vector<16xi32>], vector<16xf32>,
        %parallel_loop3A_696 = arith.index_cast %parallel_loop3A_692 : i32 to index
        %parallel_loop3A_697 = arith.index_cast %parallel_loop3A_694 : i32 to index
        %parallel_loop3A_698 = arith.constant 0 : index
        %parallel_loop3A_699 = tpu.vector_load %arg11[%parallel_loop3A_696, %parallel_loop3A_697, %parallel_loop3A_698] {strides = array<i32>} : memref<4x8x128xf32, #tpu.memory_space<vmem>>, vector<16xf32>,
        tpu.vector_store %arg11[%parallel_loop3A_696, %parallel_loop3A_697, %parallel_loop3A_698], %parallel_loop3A_695 {strides = array<i32>} : memref<4x8x128xf32, #tpu.memory_space<vmem>>, vector<16xf32>,
        %parallel_loop3A_700 = tpu.vector_load_idx %arg9[%add3A_111, %parallel_loop3A_690] : memref<128x32xf32, #tpu.memory_space<vmem>>[vector<16xi32>, vector<16xi32>], vector<16xf32>,
        %parallel_loop3A_701 = arith.index_cast %parallel_loop3A_692 : i32 to index
        %parallel_loop3A_702 = arith.index_cast %parallel_loop3A_694 : i32 to index
        %parallel_loop3A_703 = arith.constant 16 : index
        %parallel_loop3A_704 = tpu.vector_load %arg11[%parallel_loop3A_701, %parallel_loop3A_702, %parallel_loop3A_703] {strides = array<i32>} : memref<4x8x128xf32, #tpu.memory_space<vmem>>, vector<16xf32>,
        tpu.vector_store %arg11[%parallel_loop3A_701, %parallel_loop3A_702, %parallel_loop3A_703], %parallel_loop3A_700 {strides = array<i32>} : memref<4x8x128xf32, #tpu.memory_space<vmem>>, vector<16xf32>,
        %parallel_loop3A_705 = tpu.vector_load_idx %arg9[%add3A_115, %parallel_loop3A_690] : memref<128x32xf32, #tpu.memory_space<vmem>>[vector<16xi32>, vector<16xi32>], vector<16xf32>,
        %parallel_loop3A_706 = arith.index_cast %parallel_loop3A_692 : i32 to index
        %parallel_loop3A_707 = arith.index_cast %parallel_loop3A_694 : i32 to index
        %parallel_loop3A_708 = arith.constant 32 : index
        %parallel_loop3A_709 = tpu.vector_load %arg11[%parallel_loop3A_706, %parallel_loop3A_707, %parallel_loop3A_708] {strides = array<i32>} : memref<4x8x128xf32, #tpu.memory_space<vmem>>, vector<16xf32>,
        tpu.vector_store %arg11[%parallel_loop3A_706, %parallel_loop3A_707, %parallel_loop3A_708], %parallel_loop3A_705 {strides = array<i32>} : memref<4x8x128xf32, #tpu.memory_space<vmem>>, vector<16xf32>,
        %parallel_loop3A_710 = tpu.vector_load_idx %arg9[%add3A_119, %parallel_loop3A_690] : memref<128x32xf32, #tpu.memory_space<vmem>>[vector<16xi32>, vector<16xi32>], vector<16xf32>,
        %parallel_loop3A_711 = arith.index_cast %parallel_loop3A_692 : i32 to index
        %parallel_loop3A_712 = arith.index_cast %parallel_loop3A_694 : i32 to index
        %parallel_loop3A_713 = arith.constant 48 : index
        %parallel_loop3A_714 = tpu.vector_load %arg11[%parallel_loop3A_711, %parallel_loop3A_712, %parallel_loop3A_713] {strides = array<i32>} : memref<4x8x128xf32, #tpu.memory_space<vmem>>, vector<16xf32>,
        tpu.vector_store %arg11[%parallel_loop3A_711, %parallel_loop3A_712, %parallel_loop3A_713], %parallel_loop3A_710 {strides = array<i32>} : memref<4x8x128xf32, #tpu.memory_space<vmem>>, vector<16xf32>,
        %parallel_loop3A_715 = tpu.vector_load_idx %arg9[%add3A_123, %parallel_loop3A_690] : memref<128x32xf32, #tpu.memory_space<vmem>>[vector<16xi32>, vector<16xi32>], vector<16xf32>,
        %parallel_loop3A_716 = arith.index_cast %parallel_loop3A_692 : i32 to index
        %parallel_loop3A_717 = arith.index_cast %parallel_loop3A_694 : i32 to index
        %parallel_loop3A_718 = arith.constant 64 : index
        %parallel_loop3A_719 = tpu.vector_load %arg11[%parallel_loop3A_716, %parallel_loop3A_717, %parallel_loop3A_718] {strides = array<i32>} : memref<4x8x128xf32, #tpu.memory_space<vmem>>, vector<16xf32>,
        tpu.vector_store %arg11[%parallel_loop3A_716, %parallel_loop3A_717, %parallel_loop3A_718], %parallel_loop3A_715 {strides = array<i32>} : memref<4x8x128xf32, #tpu.memory_space<vmem>>, vector<16xf32>,
        %parallel_loop3A_720 = tpu.vector_load_idx %arg9[%add3A_127, %parallel_loop3A_690] : memref<128x32xf32, #tpu.memory_space<vmem>>[vector<16xi32>, vector<16xi32>], vector<16xf32>,
        %parallel_loop3A_721 = arith.index_cast %parallel_loop3A_692 : i32 to index
        %parallel_loop3A_722 = arith.index_cast %parallel_loop3A_694 : i32 to index
        %parallel_loop3A_723 = arith.constant 80 : index
        %parallel_loop3A_724 = tpu.vector_load %arg11[%parallel_loop3A_721, %parallel_loop3A_722, %parallel_loop3A_723] {strides = array<i32>} : memref<4x8x128xf32, #tpu.memory_space<vmem>>, vector<16xf32>,
        tpu.vector_store %arg11[%parallel_loop3A_721, %parallel_loop3A_722, %parallel_loop3A_723], %parallel_loop3A_720 {strides = array<i32>} : memref<4x8x128xf32, #tpu.memory_space<vmem>>, vector<16xf32>,
        %parallel_loop3A_725 = tpu.vector_load_idx %arg9[%add3A_131, %parallel_loop3A_690] : memref<128x32xf32, #tpu.memory_space<vmem>>[vector<16xi32>, vector<16xi32>], vector<16xf32>,
        %parallel_loop3A_726 = arith.index_cast %parallel_loop3A_692 : i32 to index
        %parallel_loop3A_727 = arith.index_cast %parallel_loop3A_694 : i32 to index
        %parallel_loop3A_728 = arith.constant 96 : index
        %parallel_loop3A_729 = tpu.vector_load %arg11[%parallel_loop3A_726, %parallel_loop3A_727, %parallel_loop3A_728] {strides = array<i32>} : memref<4x8x128xf32, #tpu.memory_space<vmem>>, vector<16xf32>,
        tpu.vector_store %arg11[%parallel_loop3A_726, %parallel_loop3A_727, %parallel_loop3A_728], %parallel_loop3A_725 {strides = array<i32>} : memref<4x8x128xf32, #tpu.memory_space<vmem>>, vector<16xf32>,
        %parallel_loop3A_730 = tpu.vector_load_idx %arg9[%add3A_135, %parallel_loop3A_690] : memref<128x32xf32, #tpu.memory_space<vmem>>[vector<16xi32>, vector<16xi32>], vector<16xf32>,
        %parallel_loop3A_731 = arith.index_cast %parallel_loop3A_692 : i32 to index
        %parallel_loop3A_732 = arith.index_cast %parallel_loop3A_694 : i32 to index
        %parallel_loop3A_733 = arith.constant 112 : index
        %parallel_loop3A_734 = tpu.vector_load %arg11[%parallel_loop3A_731, %parallel_loop3A_732, %parallel_loop3A_733] {strides = array<i32>} : memref<4x8x128xf32, #tpu.memory_space<vmem>>, vector<16xf32>,
        tpu.vector_store %arg11[%parallel_loop3A_731, %parallel_loop3A_732, %parallel_loop3A_733], %parallel_loop3A_730 {strides = array<i32>} : memref<4x8x128xf32, #tpu.memory_space<vmem>>, vector<16xf32>,
      } {sc.loop_unroll_factor = 16 : i64, sc.parallel_access}
      %dma_start3A_656 = arith.constant 0 : i32
      %dma_start3A_657 = arith.constant 0 : i32
      %dma_start3A_658 = arith.constant 0 : i32
      %dma_start3A_659 = tpu.memref_slice %arg4[%select_n3A_619, %dma_start3A_656, %add3A_638, %dma_start3A_657, %dma_start3A_658] : memref<26x4x128x8x128xf32, #tpu.memory_space<hbm>> -> memref<1x4x1x8x128xf32, #tpu.memory_space<hbm>>
      %dma_start3A_660 = tpu.memref_squeeze %dma_start3A_659 : memref<1x4x1x8x128xf32, #tpu.memory_space<hbm>> -> memref<4x8x128xf32, #tpu.memory_space<hbm>>
      %dma_start3A_661 = arith.constant 0 : i32
      %dma_start3A_662 = arith.constant 0 : i32
      %dma_start3A_663 = arith.constant 0 : i32
      %dma_start3A_664 = tpu.memref_slice %arg4[%select_n3A_619, %dma_start3A_661, %add3A_638, %dma_start3A_662, %dma_start3A_663] : memref<26x4x128x8x128xf32, #tpu.memory_space<hbm>> -> memref<1x4x1x8x128xf32, #tpu.memory_space<hbm>>
      %dma_start3A_665 = tpu.memref_squeeze %dma_start3A_664 : memref<1x4x1x8x128xf32, #tpu.memory_space<hbm>> -> memref<4x8x128xf32, #tpu.memory_space<hbm>>
      tpu.enqueue_dma source(%arg11 : memref<4x8x128xf32, #tpu.memory_space<vmem>>) target(%dma_start3A_665 : memref<4x8x128xf32, #tpu.memory_space<hbm>>) target_semaphore(%arg17 : memref<!tpu.dma_semaphore, #tpu.memory_space<semaphore_mem>>)
      %dma_wait3A_666 = arith.constant 0 : i32
      %dma_wait3A_667 = arith.constant 0 : i32
      %dma_wait3A_668 = arith.constant 0 : i32
      %dma_wait3A_669 = tpu.memref_slice %arg4[%select_n3A_547, %dma_wait3A_666, %add3A_566, %dma_wait3A_667, %dma_wait3A_668] : memref<26x4x128x8x128xf32, #tpu.memory_space<hbm>> -> memref<1x4x1x8x128xf32, #tpu.memory_space<hbm>>
      %dma_wait3A_670 = tpu.memref_squeeze %dma_wait3A_669 : memref<1x4x1x8x128xf32, #tpu.memory_space<hbm>> -> memref<4x8x128xf32, #tpu.memory_space<hbm>>
      %dma_wait3A_671 = arith.constant 0 : i32
      %dma_wait3A_672 = arith.constant 0 : i32
      %dma_wait3A_673 = arith.constant 0 : i32
      %dma_wait3A_674 = tpu.memref_slice %arg4[%select_n3A_547, %dma_wait3A_671, %add3A_566, %dma_wait3A_672, %dma_wait3A_673] : memref<26x4x128x8x128xf32, #tpu.memory_space<hbm>> -> memref<1x4x1x8x128xf32, #tpu.memory_space<hbm>>
      %dma_wait3A_675 = tpu.memref_squeeze %dma_wait3A_674 : memref<1x4x1x8x128xf32, #tpu.memory_space<hbm>> -> memref<4x8x128xf32, #tpu.memory_space<hbm>>
      tpu.wait_dma2 semaphore(%arg16 : memref<!tpu.dma_semaphore, #tpu.memory_space<semaphore_mem>>) src(%arg10 : memref<4x8x128xf32, #tpu.memory_space<vmem>>) dst(%dma_wait3A_675 : memref<4x8x128xf32, #tpu.memory_space<hbm>>)
      %dma_wait3A_676 = arith.constant 0 : i32
      %dma_wait3A_677 = arith.constant 0 : i32
      %dma_wait3A_678 = arith.constant 0 : i32
      %dma_wait3A_679 = tpu.memref_slice %arg4[%select_n3A_619, %dma_wait3A_676, %add3A_638, %dma_wait3A_677, %dma_wait3A_678] : memref<26x4x128x8x128xf32, #tpu.memory_space<hbm>> -> memref<1x4x1x8x128xf32, #tpu.memory_space<hbm>>
      %dma_wait3A_680 = tpu.memref_squeeze %dma_wait3A_679 : memref<1x4x1x8x128xf32, #tpu.memory_space<hbm>> -> memref<4x8x128xf32, #tpu.memory_space<hbm>>
      %dma_wait3A_681 = arith.constant 0 : i32
      %dma_wait3A_682 = arith.constant 0 : i32
      %dma_wait3A_683 = arith.constant 0 : i32
      %dma_wait3A_684 = tpu.memref_slice %arg4[%select_n3A_619, %dma_wait3A_681, %add3A_638, %dma_wait3A_682, %dma_wait3A_683] : memref<26x4x128x8x128xf32, #tpu.memory_space<hbm>> -> memref<1x4x1x8x128xf32, #tpu.memory_space<hbm>>
      %dma_wait3A_685 = tpu.memref_squeeze %dma_wait3A_684 : memref<1x4x1x8x128xf32, #tpu.memory_space<hbm>> -> memref<4x8x128xf32, #tpu.memory_space<hbm>>
      tpu.wait_dma2 semaphore(%arg17 : memref<!tpu.dma_semaphore, #tpu.memory_space<semaphore_mem>>) src(%arg11 : memref<4x8x128xf32, #tpu.memory_space<vmem>>) dst(%dma_wait3A_685 : memref<4x8x128xf32, #tpu.memory_space<hbm>>)
    }
    %scan3A_203 = arith.constant 26 : i32
    return
  }
}

</mosaic_0001>

<sc_bundles>
// kernel: kernel.3.cloned.1.call-start
scs
__scs_entry_jumppad:
0x0: {  	(pc) =	sbr.rel $0x88, $3  }
0x1: {  	(tag) =	ssettag $0x0;
	lr =	simm.s32 $0x1  }
0x2: {  	[smem:$0x3F9F] =	sst lr;
	_ =	strace $0xD0000000  }
0x3: {  	_ = 	snop  }
0x4: {  	_ = 	snop  }
0x5: {  	_ = 	snop  }
0x6: {  	_ = 	snop  }
0x7: {  	_ = 	snop  }
__scs_overlays_trampoline_lowered:
0x8: {  	[smem:$0x3FAE] =	sst s0  }
0x9: {  	[smem:$0x3FAF] =	sst s1  }
0xa: {  	[smem:$0x3FB0] =	sst s2  }
0xb: {  	[smem:$0x3FB1] =	sst s3  }
0xc: {  	[smem:$0x3FB2] =	sst s4  }
0xd: {  	[smem:$0x3FB3] =	sst s5  }
0xe: {  	[smem:$0x3FB4] =	sst s6  }
0xf: {  	[smem:$0x3FB5] =	sst s7  }
0x10: {  	[smem:$0x3FB6] =	sst s8  }
0x11: {  	[smem:$0x3FB7] =	sst s9;
	s0 =	simm.s32 @!p0 $0x0  }
0x12: {  	s1 =	sld [smem:$0x3F9D];
	s0 =	simm.s32 @p0 $0x1  }
0x13: {  	[smem:$0x3FB8] =	sst s0;
	s0 =	simm.s32 @!p1 $0x0  }
0x14: {  	s2 =	sld [smem:$0x3F9C];
	s0 =	simm.s32 @p1 $0x1  }
0x15: {  	[smem:$0x3FB9] =	sst s0;
	s0 =	simm.s32 @!p2 $0x0  }
0x16: {  	s3 =	sld [smem:$0x3FDB];
	s0 =	simm.s32 @p2 $0x1  }
0x17: {  	s4 =	simm.s32 $0x1BF5;
	[smem:$0x3FBB] =	sst s0  }
0x18: {  	s0 =	sld [smem:$0x3F9E];
	_ =	swait.ge [sflag:s4], $0x0  }
0x19: {  	s7 =	sld [smem:$0x3F9F]  }
0x1a: {  	s8 =	sadd.s32 $0xFFFFE003, lr  }
0x1b: {  	s9 =	sadd.s32 $0xFFFFFEF7, lr;
	s5 =	simm.s32 $0xFFFFFFFF;
	p2 =	slt.u32 s8, $0xFFFFF086  }
0x1c: {  	p1 =	slt.u32 s9, $0xF7A;
	s5 =	simm.s32 @!p2 $0x0  }
0x1d: {  	s5 =	simm.s32 @p1 $0x1;
	p0 =	seq.s32 s7, s2  }
0x1e: {  	s7 =	smul.u32 @!p0 $0xF7A, s2;
	p2 =	seq.s32 @!p0 s5, $0x0  }
0x1f: {  	s9 =	smul.u32 $0xF7A, s1;
	s8 =	simm.s32 @!p0 $0x1BF5;
	p2 =	por !p2, p0  }
0x20: {  	[sflag:s8] =	ssyncset.s32 @!p0 $0xFFFFF086;
	s6 =	sadd.s32 @!p0 s3, s7;
	s7 =	simm.s32 @!p0 $0x108  }
0x21: {  	s3 =	sadd.s32 s3, s9;
	s6 =	sadd.s32 @!p0 $0x88, s6;
	s7 =	simm.s32 @p2 $0x1082  }
0x22: {  	[simem:s7], [sflag:s8] =	dma.local @!p0 [hbm:s6], $0xF7A  }
0x23: {  	s9 =	sor.u32 $0xD0000000, s2;
	s6 =	simm.s32 $0x108;
	_ =	swait.ge @!p0 [sflag:s8], $0x0  }
0x24: {  	s3 =	sadd.s32 $0x88, s3;
	s6 =	simm.s32 @!p1 $0x1082;
	[sflag:s4] =	ssyncset.s32 $0xFFFFF086  }
0x25: {  	[simem:s6], [sflag:s4] =	dma.local [hbm:s3], $0xF7A  }
0x26: {  	[smem:$0x3F9F] =	sst s1;
	(tag) =	ssettag s2;
	_ =	strace s9  }
0x27: {  	s1 =	sld [smem:$0x3FAF]  }
0x28: {  	s2 =	sld [smem:$0x3FB0]  }
0x29: {  	s4 =	sld [smem:$0x3FB2]  }
0x2a: {  	p0 =	seq.s32 s5, $0x0;
	s5 =	sld [smem:$0x3FB3]  }
0x2b: {  	s6 =	sld [smem:$0x3FB4]  }
0x2c: {  	s7 =	sld [smem:$0x3FB5]  }
0x2d: {  	s3 =	simm.s32 $0x108;
	s8 =	sld [smem:$0x3FB6]  }
0x2e: {  	s3 =	simm.s32 @!p0 $0x1082;
	s9 =	sld [smem:$0x3FB7]  }
0x2f: {  	lr =	sadd.s32 s0, s3;
	s0 =	sld [smem:$0x3FAE]  }
0x30: {  	s3 =	sld [smem:$0x3FB1]  }
0x31: {  	[smem:$0x3FBA] =	sst s10  }
0x32: {  	s10 =	sld [smem:$0x3FB8];
	_ =	sdelay $0x3  }
0x33: {  	p0 =	seq.s32 s10, $0x1;
	s10 =	sld [smem:$0x3FBA];
	_ =	sdelay $0x3  }
0x34: {  	[smem:$0x3FBA] =	sst s10  }
0x35: {  	s10 =	sld [smem:$0x3FB9];
	_ =	sdelay $0x3  }
0x36: {  	p1 =	seq.s32 s10, $0x1;
	s10 =	sld [smem:$0x3FBA];
	_ =	sdelay $0x3  }
0x37: {  	[smem:$0x3FBA] =	sst s10  }
0x38: {  	s10 =	sld [smem:$0x3FBB]  }
0x39: {  	_ = 	snop;
	(pc) =	sbr.ind lr, $3  }
0x3a: {  	_ = 	snop  }
0x3b: {  	_ = 	snop  }
0x3c: {  	p2 =	seq.s32 s10, $0x1;
	s10 =	sld [smem:$0x3FBA]  }
0x3d: {  	_ =	shalt  }
0x3e: {  	_ =	shalt  }
0x3f: {  	_ =	shalt  }
0x40: {  	_ =	shalt  }
0x41: {  	_ =	shalt  }
0x42: {  	_ =	shalt  }
0x43: {  	_ =	shalt  }
0x44: {  	_ =	shalt  }
0x45: {  	_ =	shalt  }
0x46: {  	_ =	shalt  }
0x47: {  	_ =	shalt  }
0x48: {  	_ =	shalt  }
0x49: {  	_ =	shalt  }
0x4a: {  	_ =	shalt  }
0x4b: {  	_ =	shalt  }
0x4c: {  	_ =	shalt  }
0x4d: {  	_ =	shalt  }
0x4e: {  	_ =	shalt  }
0x4f: {  	_ =	shalt  }
0x50: {  	_ =	shalt  }
0x51: {  	_ =	shalt  }
0x52: {  	_ =	shalt  }
0x53: {  	_ =	shalt  }
0x54: {  	_ =	shalt  }
0x55: {  	_ =	shalt  }
0x56: {  	_ =	shalt  }
0x57: {  	_ =	shalt  }
0x58: {  	_ =	shalt  }
0x59: {  	_ =	shalt  }
0x5a: {  	_ =	shalt  }
0x5b: {  	_ =	shalt  }
0x5c: {  	_ =	shalt  }
0x5d: {  	_ =	shalt  }
0x5e: {  	_ =	shalt  }
0x5f: {  	_ =	shalt  }
0x60: {  	_ =	shalt  }
0x61: {  	_ =	shalt  }
0x62: {  	_ =	shalt  }
0x63: {  	_ =	shalt  }
0x64: {  	_ =	shalt  }
0x65: {  	_ =	shalt  }
0x66: {  	_ =	shalt  }
0x67: {  	_ =	shalt  }
0x68: {  	_ =	shalt  }
0x69: {  	_ =	shalt  }
0x6a: {  	_ =	shalt  }
0x6b: {  	_ =	shalt  }
0x6c: {  	_ =	shalt  }
0x6d: {  	_ =	shalt  }
0x6e: {  	_ =	shalt  }
0x6f: {  	_ =	shalt  }
0x70: {  	_ =	shalt  }
0x71: {  	_ =	shalt  }
0x72: {  	_ =	shalt  }
0x73: {  	_ =	shalt  }
0x74: {  	_ =	shalt  }
0x75: {  	_ =	shalt  }
0x76: {  	_ =	shalt  }
0x77: {  	_ =	shalt  }
0x78: {  	_ =	shalt  }
0x79: {  	_ =	shalt  }
0x7a: {  	_ =	shalt  }
0x7b: {  	_ =	shalt  }
0x7c: {  	_ =	shalt  }
0x7d: {  	_ =	shalt  }
0x7e: {  	_ =	shalt  }
0x7f: {  	_ =	shalt  }
0x80: {  	_ =	shalt  }
0x81: {  	_ =	shalt  }
0x82: {  	_ =	shalt  }
0x83: {  	_ =	shalt  }
0x84: {  	_ =	shalt  }
0x85: {  	_ =	shalt  }
0x86: {  	_ =	shalt  }
0x87: {  	_ =	shalt  }
.Lfunc_end0:
.L_simem_size_0:
called_computation_lowered:
.L_overlay_start_0:
0x88: {  	s2 =	sld [smem:$0x3FD9]  }
0x89: {  	s3 =	sld [smem:$0x3FFE];
	_ =	sdelay $0x1  }
0x8a: {  	s1 =	srdreg.scid  }
0x8b: {  	s0 =	sand.u32 $0x1, s1  }
0x8c: {  	s17 =	sshll.u32 s0, $0xA;
	s2 =	sadd.s32 s3, s2  }
0x8d: {  	s2 =	sadd.s32 s2, s17  }
0x8e: {  	[smem:$0x3FC6] =	sst s2  }
0x8f: {  	_ = 	snop  }
0x90: {  	s2 =	sld [smem:$0x3FD0];
	(tm) =	ssettm $0x1  }
0x91: {  	s18 =	sld [smem:$0x3FFB];
	_ =	sdelay $0x3  }
0x92: {  	_ =	strace s18  }
0x93: {  	s3 =	sld [smem:$0x3FFC];
	_ =	sdelay $0x3  }
0x94: {  	_ =	strace s3  }
0x95: {  	s3 =	sld [smem:$0x3FFD];
	_ =	sdelay $0x3  }
0x96: {  	_ =	strace s3  }
0x97: {  	_ =	strace $0x8FFFFFFF  }
0x98: {  	s19 =	sld [smem:$0x3FDB];
	_ =	sdelay $0x1  }
0x99: {  	s4 =	simm.s32 $_scs_section_size  }
0x9a: {  	s5 =	simm.s32 $_size__tile_overlayer_lowered;
	s6 =	simm.s32 $_tile_overlayer_lowered  }
0x9b: {  	s22 =	simm.s32 $0x1BFF;
	s21 =	sshll.u32 s6, $0x1;
	s3 =	sadd.s32 s4, s19  }
0x9c: {  	s7 =	simm.s32 $0x0;
	s20 =	sshll.u32 s5, $0x1;
	s5 =	sadd.s32 s21, s3  }
0x9d: {  	[timem:s7], [sflag:s22] =	dma.local [hbm:s5], s20  }
0x9e: {  	_ =	swait.ge [sflag:s22], s20  }
0x9f: {  	s4 =	ssub.s32 $0x0, s20;
	[sflag:s22] =	ssyncset.done $0x0  }
0xa0: {  	[sflag:s22] =	ssyncadd.s32 s4;
	_ =	sdelay $0x1  }
0xa1: {  	s23 =	simm.s32 $0x1B8B  }
0xa2: {  	_ =	swait.ge [sflag:s23], $0x1  }
0xa3: {  	[sflag:s23] =	ssyncset.done $0x0  }
0xa4: {  	s25 =	simm.s32 $0x1B8E;
	s24 =	sld [smem:$0x3FFE];
	[sflag:s23] =	ssyncadd.s32 $0xFFFFFFFF  }
0xa5: {  	s26 =	simm.s32 $execute0_lowered;
	[smem:$0x3FD2] =	sst s25  }
0xa6: {  	s5 =	sshll.u32 s26, $0x1;
	_ =	strace $0x80000046;
	[dreg:$0x1] =	wrdreg $0xFFFFFFFF  }
0xa7: {  	s28 =	simm.s32 $_size_execute0_lowered;
	s3 =	sadd.s32 s3, s5;
	[dreg:$0x0] =	wrdreg $0x0  }
0xa8: {  	s5 =	sshll.u32 s28, $0x1;
	[dreg:$0x2] =	wrdreg s3  }
0xa9: {  	[dreg:$0x3] =	wrdreg s5  }
0xaa: {  	[dreg:$0x4] =	wrdreg $0xC0  }
0xab: {  	_ =	task [dreg:s7], $0x5FFFF  }
0xac: {  	[dreg:$0x1] =	wrdreg $0xFFFFFFFF  }
0xad: {  	[dreg:$0x0] =	wrdreg $0x60  }
0xae: {  	[dreg:$0x2] =	wrdreg s24  }
0xaf: {  	[dreg:$0x3] =	wrdreg s2  }
0xb0: {  	[dreg:$0x4] =	wrdreg $0x9  }
0xb1: {  	_ =	task.clear_ibuf [dreg:s7], $0x5FFFF;
	_ =	strace $0x90000046  }
0xb2: {  	s29 =	simm.s32 $0x9;
	_ =	strace $0x80000048  }
0xb3: {  	_ =	swait.ge [sflag:s29], $0x1  }
0xb4: {  	[sflag:s29] =	ssyncadd.s32 $0xFFFFFFFF  }
0xb5: {  	_ =	strace $0x90000048  }
0xb6: {  	_ =	sfence  }
0xb7: {  	s30 =	sld [smem:$0x0];
	_ =	sdelay $0x2  }
0xb8: {  	s31 =	sshll.u32 s1, $0xD;
	s1 =	sshrl.u32 s1, $0x2  }
0xb9: {  	s3 =	sand.u32 $0x4000, s31;
	s1 =	sadd.s32 s1, s30  }
0xba: {  	s0 =	sor.u32 s3, s0;
	s1 =	sshll.u32 s1, $0x11  }
0xbb: {  	s0 =	sor.u32 s1, s0  }
0xbc: {  	s0 =	sadd.s32 $0x8F2B, s0  }
0xbd: {  	[sflag:s0] =	ssyncadd.remote.s32 $0x1  }
0xbe: {  	_ =	sfence.sel $0xFFFF  }
0xbf: {  	[dreg:$0x0] =	wrdreg $0xFFFFFFFF;
	(pc) =	sbr.abs _section_cstart, $3  }
0xc0: {  	[dreg:$0x1] =	wrdreg $0xFFFFFFFF  }
0xc1: {  	_ =	task.clear_ibuf [dreg:s7], $0x2FFFF;
	_ =	strace $0x9FFFFFFF  }
0xc2: {  	(tm) =	ssettm $0x7FFFFFFF  }
0xc3: {  	_ =	shalt  }
tec
execute0_lowered:
.L_overlay_start_1:
0x0: {  	(tag) =	ssettag $0x1  }
0x1: {  	v0 =	vlaneseq.u32  }
0x2: {  	s0 =	rddreg [dreg:$0x0];
	s4 =	simm.s32 $0x0;
	v4 =	vmul.u32 $0x20, v0  }
0x3: {  	[smem:$0x7FF] =	sst s4  }
0x4: {  	s1 =	rddreg [dreg:$0x1];
	_ =	strace $0x80000047;
	v2 =	vor.u32 $0x601, v4;
	[tilespmem:$0x1FFF0] =	vst v4  }
0x5: {  	v0 =	vor.u32 $0x805, v4;
	[tilespmem:$0x1FC10] =	vst v2  }
0x6: {  	v16 =	vor.u32 $0x200, v4;
	[tilespmem:$0x1FDE0] =	vst v0  }
0x7: {  	v17 =	vor.u32 $0x400, v4;
	[tilespmem:$0x1FF10] =	vst v16  }
0x8: {  	v18 =	vor.u32 $0x600, v4;
	[tilespmem:$0x1FF20] =	vst v17  }
0x9: {  	v19 =	vor.u32 $0x800, v4;
	[tilespmem:$0x1FF30] =	vst v18  }
0xa: {  	v15 =	vor.u32 $0x1, v4;
	[tilespmem:$0x1FF40] =	vst v19  }
0xb: {  	v12 =	vor.u32 $0xC00, v4;
	[tilespmem:$0x1FF50] =	vst v15  }
0xc: {  	v13 =	vor.u32 $0xE00, v4;
	[tilespmem:$0x1FF60] =	vst v12  }
0xd: {  	v14 =	vor.u32 $0x401, v4;
	[tilespmem:$0x1FF70] =	vst v13  }
0xe: {  	v5 =	vor.u32 $0x2, v4;
	[tilespmem:$0x1FF80] =	vst v14  }
0xf: {  	v6 =	vor.u32 $0x3, v4;
	[tilespmem:$0x1FF90] =	vst v5  }
0x10: {  	v9 =	vor.u32 $0x201, v4;
	[tilespmem:$0x1FFA0] =	vst v6  }
0x11: {  	v10 =	vor.u32 $0x202, v4;
	[tilespmem:$0x1FFB0] =	vst v9  }
0x12: {  	v11 =	vor.u32 $0x203, v4;
	[tilespmem:$0x1FFC0] =	vst v10  }
0x13: {  	v54 =	vor.u32 $0xA00, v4;
	[tilespmem:$0x1FFD0] =	vst v11  }
0x14: {  	v2 =	vor.u32 $0x801, v4;
	[tilespmem:$0x1FFE0] =	vst v54  }
0x15: {  	v0 =	vor.u32 $0xA05, v4;
	[tilespmem:$0x1FC20] =	vst v2  }
0x16: {  	v2 =	vor.u32 $0xA01, v4;
	[tilespmem:$0x1FDF0] =	vst v0  }
0x17: {  	v0 =	vor.u32 $0xC05, v4;
	[tilespmem:$0x1FC30] =	vst v2  }
0x18: {  	v2 =	vor.u32 $0xC01, v4;
	[tilespmem:$0x1FE00] =	vst v0  }
0x19: {  	v0 =	vor.u32 $0xE05, v4;
	[tilespmem:$0x1FC40] =	vst v2  }
0x1a: {  	v2 =	vor.u32 $0xE01, v4;
	[tilespmem:$0x1FE10] =	vst v0  }
0x1b: {  	s3 =	srdreg.scid;
	s2 =	stileid.u32;
	v0 =	vor.u32 $0x6, v4;
	[tilespmem:$0x1FC50] =	vst v2  }
0x1c: {  	s3 =	sand.u32 $0x1, s3;
	s28 =	sshll.u32 s2, $0x1;
	v2 =	vor.u32 $0x402, v4;
	[tilespmem:$0x1FE20] =	vst v0  }
0x1d: {  	s4 =	sor.u32 s3, s28;
	v0 =	vor.u32 $0x206, v4;
	[tilespmem:$0x1FC60] =	vst v2  }
0x1e: {  	s6 =	sshll.u32 s4, $0x6;
	v2 =	vor.u32 $0x602, v4;
	[tilespmem:$0x1FE30] =	vst v0  }
0x1f: {  	s5 =	ssub.s32 $0x2, s3;
	s3 =	sadd.s32 $0xF42A00, s0;
	s0 =	sadd.s32 s6, s0;
	v0 =	vor.u32 $0x406, v4;
	[tilespmem:$0x1FC70] =	vst v2  }
0x20: {  	s29 =	sadd.s32 $0x600, s0;
	v2 =	vor.u32 $0x802, v4;
	[tilespmem:$0x1FE40] =	vst v0  }
0x21: {  	s30 =	sadd.s32 $0xE00, s0;
	[dreg:$0x3] =	wrdreg s29;
	v0 =	vor.u32 $0x606, v4;
	[tilespmem:$0x1FC80] =	vst v2  }
0x22: {  	s31 =	sadd.s32 $0x1600, s0;
	[dreg:$0x4] =	wrdreg s30;
	v2 =	vor.u32 $0xA02, v4;
	[tilespmem:$0x1FE50] =	vst v0  }
0x23: {  	s7 =	sshrl.u32 s5, $0x1;
	s6 =	sadd.s32 $0x1E00, s0;
	[dreg:$0x5] =	wrdreg s31;
	v0 =	vor.u32 $0x806, v4;
	[tilespmem:$0x1FC90] =	vst v2  }
0x24: {  	s5 =	ssub.s32 s5, s7;
	s7 =	sadd.s32 $0x2600, s0;
	[dreg:$0x6] =	wrdreg s6;
	v2 =	vor.u32 $0xC02, v4;
	[tilespmem:$0x1FE60] =	vst v0  }
0x25: {  	s8 =	sadd.s32 $0x2E00, s0;
	[dreg:$0x7] =	wrdreg s7;
	v0 =	vor.u32 $0xA06, v4;
	[tilespmem:$0x1FCA0] =	vst v2  }
0x26: {  	s9 =	sadd.s32 $0x3600, s0;
	[dreg:$0x8] =	wrdreg s8;
	v2 =	vor.u32 $0xE02, v4;
	[tilespmem:$0x1FE70] =	vst v0  }
0x27: {  	s10 =	sadd.s32 $0x3E00, s0;
	[dreg:$0x9] =	wrdreg s9;
	v0 =	vor.u32 $0xC06, v4;
	[tilespmem:$0x1FCB0] =	vst v2  }
0x28: {  	s11 =	sadd.s32 $0x4600, s0;
	[dreg:$0xa] =	wrdreg s10;
	v2 =	vor.u32 $0x403, v4;
	[tilespmem:$0x1FE80] =	vst v0  }
0x29: {  	s12 =	sadd.s32 $0x4E00, s0;
	[dreg:$0xb] =	wrdreg s11;
	v0 =	vor.u32 $0xE06, v4;
	[tilespmem:$0x1FCC0] =	vst v2  }
0x2a: {  	s13 =	sadd.s32 $0x5600, s0;
	[dreg:$0xc] =	wrdreg s12;
	v2 =	vor.u32 $0x603, v4;
	[tilespmem:$0x1FE90] =	vst v0  }
0x2b: {  	s14 =	sadd.s32 $0x5E00, s0;
	[dreg:$0xd] =	wrdreg s13;
	v0 =	vor.u32 $0x7, v4;
	[tilespmem:$0x1FCD0] =	vst v2  }
0x2c: {  	s15 =	sadd.s32 $0x6600, s0;
	[dreg:$0xe] =	wrdreg s14;
	v2 =	vor.u32 $0x803, v4;
	[tilespmem:$0x1FEA0] =	vst v0  }
0x2d: {  	s16 =	sadd.s32 $0x6E00, s0;
	[dreg:$0xf] =	wrdreg s15;
	v0 =	vor.u32 $0x207, v4;
	[tilespmem:$0x1FCE0] =	vst v2  }
0x2e: {  	s17 =	sadd.s32 $0x7600, s0;
	[dreg:$0x10] =	wrdreg s16;
	v2 =	vor.u32 $0xA03, v4;
	[tilespmem:$0x1FEB0] =	vst v0  }
0x2f: {  	s18 =	sadd.s32 $0x7E00, s0;
	[dreg:$0x11] =	wrdreg s17;
	v0 =	vor.u32 $0x407, v4;
	[tilespmem:$0x1FCF0] =	vst v2  }
0x30: {  	s19 =	sadd.s32 $0x8600, s0;
	[dreg:$0x12] =	wrdreg s18;
	v2 =	vor.u32 $0xC03, v4;
	[tilespmem:$0x1FEC0] =	vst v0  }
0x31: {  	s20 =	sadd.s32 $0x8E00, s0;
	[dreg:$0x13] =	wrdreg s19;
	v0 =	vor.u32 $0x607, v4;
	[tilespmem:$0x1FD00] =	vst v2  }
0x32: {  	s21 =	sadd.s32 $0x9600, s0;
	[dreg:$0x14] =	wrdreg s20;
	v2 =	vor.u32 $0xE03, v4;
	[tilespmem:$0x1FED0] =	vst v0  }
0x33: {  	s22 =	sadd.s32 $0x9E00, s0;
	[dreg:$0x15] =	wrdreg s21;
	v0 =	vor.u32 $0x807, v4;
	[tilespmem:$0x1FD10] =	vst v2  }
0x34: {  	s23 =	sadd.s32 $0xA600, s0;
	[dreg:$0x16] =	wrdreg s22;
	v2 =	vor.u32 $0x4, v4;
	[tilespmem:$0x1FEE0] =	vst v0  }
0x35: {  	s24 =	sadd.s32 $0xAE00, s0;
	[dreg:$0x17] =	wrdreg s23;
	v0 =	vor.u32 $0xA07, v4;
	[tilespmem:$0x1FD20] =	vst v2  }
0x36: {  	s25 =	sadd.s32 $0xB600, s0;
	[dreg:$0x18] =	wrdreg s24;
	v2 =	vor.u32 $0x204, v4;
	[tilespmem:$0x1FEF0] =	vst v0  }
0x37: {  	s26 =	sadd.s32 $0xBE00, s0;
	[dreg:$0x19] =	wrdreg s25;
	v0 =	vor.u32 $0xC07, v4;
	[tilespmem:$0x1FD30] =	vst v2  }
0x38: {  	s4 =	sshll.u32 s4, $0x9;
	s28 =	sadd.s32 $0xC600, s0;
	[dreg:$0x1a] =	wrdreg s26;
	v2 =	vor.u32 $0x404, v4;
	[tilespmem:$0x1FF00] =	vst v0  }
0x39: {  	s1 =	sadd.s32 s1, s4;
	s0 =	sadd.s32 $0xCE00, s0;
	[dreg:$0x1b] =	wrdreg s28;
	[tilespmem:$0x1FD40] =	vst v2;
	v2 =	vor.u32 $0x604, v4  }
0x3a: {  	s4 =	smov.u32 s1;
	[dreg:$0x1c] =	wrdreg s0;
	[tilespmem:$0x1FD50] =	vst v2;
	v2 =	vor.u32 $0x804, v4  }
0x3b: {  	s29 =	smax.u32 s5, $0x1;
	s30 =	sadd.s32 $0x80, s1;
	s31 =	sadd.s32 $0x100, s1;
	[tilespmem:$0x1FD60] =	vst v2;
	v2 =	vor.u32 $0xA04, v4  }
0x3c: {  	s5 =	sadd.s32 $0x180, s1;
	s6 =	simm.s32 $0x7;
	s7 =	simm.s32 $0x400;
	[tilespmem:$0x1FD70] =	vst v2;
	v2 =	vor.u32 $0xC04, v4  }
0x3d: {  	s8 =	simm.s32 $0x80;
	s9 =	simm.s32 $0x3400;
	s10 =	simm.s32 $0x4400;
	[tilespmem:$0x1FD80] =	vst v2;
	v2 =	vor.u32 $0xE04, v4  }
0x3e: {  	s11 =	simm.s32 $0x5400;
	s12 =	simm.s32 $0x6400;
	s13 =	simm.s32 $0x1;
	[tilespmem:$0x1FD90] =	vst v2;
	v2 =	vor.u32 $0x5, v4  }
0x3f: {  	s14 =	simm.s32 $0x20000;
	s15 =	simm.s32 $0x7400;
	s16 =	simm.s32 $0x2;
	[tilespmem:$0x1FDA0] =	vst v2;
	v2 =	vor.u32 $0x205, v4  }
0x40: {  	s17 =	simm.s32 $0x8400;
	s18 =	simm.s32 $0x3;
	[dreg:$0x1d] =	wrdreg s29;
	[tilespmem:$0x1FDB0] =	vst v2;
	v2 =	vor.u32 $0x405, v4  }
0x41: {  	v1 =	vimm.s32 $0x0;
	vm0 =	vcmask $0x300;
	s19 =	simm.s32 $0x5;
	s20 =	simm.s32 $0x4;
	[dreg:$0x1e] =	wrdreg s30;
	[tilespmem:$0x1FDC0] =	vst v2;
	v2 =	vor.u32 $0x605, v4  }
0x42: {  	v1 =	vsel vm0, $0x3, v1;
	s21 =	simm.s32 $0x6;
	s1 =	simm.s32 $0x0;
	[dreg:$0x1f] =	wrdreg s31;
	[tilespmem:$0x1FDD0] =	vst v2  }
.LBB2_1:
0x43: {  	[smem:$0x7FD] =	sst s1  }
0x44: {  	s0 =	simm.s32 $0x0;
	s22 =	rddreg [dreg:$0x3]  }
0x45: {  	[tilespmem:s0], [sflag:$0x7] =	stream.linear.gather [hbm4b:s22+s0], $0x200, $0x38;
	[tilespmem:$0x9400] =	vst v63  }
0x46: {  	_ =	swait.ge [sflag:s6], $0x200  }
0x47: {  	[sflag:s6] =	ssyncset.done $0x0  }
0x48: {  	s2 =	simm.s32 $0x200;
	s23 =	rddreg [dreg:$0x4];
	[sflag:s6] =	ssyncadd.s32 $0xFFFFFE00  }
0x49: {  	[tilespmem:s2], [sflag:$0x7] =	stream.linear.gather [hbm4b:s23+s0], $0x200, $0x38;
	[tilespmem:$0x9400] =	vst v63  }
0x4a: {  	_ =	swait.ge [sflag:s6], $0x200  }
0x4b: {  	[sflag:s6] =	ssyncset.done $0x0  }
0x4c: {  	s24 =	rddreg [dreg:$0x5];
	[sflag:s6] =	ssyncadd.s32 $0xFFFFFE00  }
0x4d: {  	[tilespmem:s7], [sflag:$0x7] =	stream.linear.gather [hbm4b:s24+s0], $0x200, $0x38;
	[tilespmem:$0x9400] =	vst v63  }
0x4e: {  	_ =	swait.ge [sflag:s6], $0x200  }
0x4f: {  	[sflag:s6] =	ssyncset.done $0x0  }
0x50: {  	s26 =	simm.s32 $0x600;
	s25 =	rddreg [dreg:$0x6];
	[sflag:s6] =	ssyncadd.s32 $0xFFFFFE00  }
0x51: {  	[tilespmem:s26], [sflag:$0x7] =	stream.linear.gather [hbm4b:s25+s0], $0x200, $0x38;
	[tilespmem:$0x9400] =	vst v63  }
0x52: {  	_ =	swait.ge [sflag:s6], $0x200  }
0x53: {  	[sflag:s6] =	ssyncset.done $0x0  }
0x54: {  	s29 =	simm.s32 $0x800;
	s28 =	rddreg [dreg:$0x7];
	[sflag:s6] =	ssyncadd.s32 $0xFFFFFE00  }
0x55: {  	[tilespmem:s29], [sflag:$0x7] =	stream.linear.gather [hbm4b:s28+s0], $0x200, $0x38;
	[tilespmem:$0x9400] =	vst v63  }
0x56: {  	_ =	swait.ge [sflag:s6], $0x200  }
0x57: {  	[sflag:s6] =	ssyncset.done $0x0  }
0x58: {  	s31 =	simm.s32 $0xA00;
	s30 =	rddreg [dreg:$0x8];
	[sflag:s6] =	ssyncadd.s32 $0xFFFFFE00  }
0x59: {  	[tilespmem:s31], [sflag:$0x7] =	stream.linear.gather [hbm4b:s30+s0], $0x200, $0x38;
	[tilespmem:$0x9400] =	vst v63  }
0x5a: {  	_ =	swait.ge [sflag:s6], $0x200  }
0x5b: {  	[sflag:s6] =	ssyncset.done $0x0  }
0x5c: {  	s22 =	simm.s32 $0xC00;
	s2 =	rddreg [dreg:$0x9];
	[sflag:s6] =	ssyncadd.s32 $0xFFFFFE00  }
0x5d: {  	[tilespmem:s22], [sflag:$0x7] =	stream.linear.gather [hbm4b:s2+s0], $0x200, $0x38;
	[tilespmem:$0x9400] =	vst v63  }
0x5e: {  	_ =	swait.ge [sflag:s6], $0x200  }
0x5f: {  	[sflag:s6] =	ssyncset.done $0x0  }
0x60: {  	s24 =	simm.s32 $0xE00;
	s23 =	rddreg [dreg:$0xa];
	[sflag:s6] =	ssyncadd.s32 $0xFFFFFE00  }
0x61: {  	[tilespmem:s24], [sflag:$0x7] =	stream.linear.gather [hbm4b:s23+s0], $0x200, $0x38;
	[tilespmem:$0x9400] =	vst v63  }
0x62: {  	_ =	swait.ge [sflag:s6], $0x200  }
0x63: {  	[sflag:s6] =	ssyncset.done $0x0  }
0x64: {  	s26 =	simm.s32 $0x1000;
	s25 =	rddreg [dreg:$0xb];
	[sflag:s6] =	ssyncadd.s32 $0xFFFFFE00  }
0x65: {  	[tilespmem:s26], [sflag:$0x7] =	stream.linear.gather [hbm4b:s25+s0], $0x200, $0x38;
	[tilespmem:$0x9400] =	vst v63  }
0x66: {  	_ =	swait.ge [sflag:s6], $0x200  }
0x67: {  	[sflag:s6] =	ssyncset.done $0x0  }
0x68: {  	s29 =	simm.s32 $0x1200;
	s28 =	rddreg [dreg:$0xc];
	[sflag:s6] =	ssyncadd.s32 $0xFFFFFE00  }
0x69: {  	[tilespmem:s29], [sflag:$0x7] =	stream.linear.gather [hbm4b:s28+s0], $0x200, $0x38;
	[tilespmem:$0x9400] =	vst v63  }
0x6a: {  	_ =	swait.ge [sflag:s6], $0x200  }
0x6b: {  	[sflag:s6] =	ssyncset.done $0x0  }
0x6c: {  	s31 =	simm.s32 $0x1400;
	s30 =	rddreg [dreg:$0xd];
	[sflag:s6] =	ssyncadd.s32 $0xFFFFFE00  }
0x6d: {  	[tilespmem:s31], [sflag:$0x7] =	stream.linear.gather [hbm4b:s30+s0], $0x200, $0x38;
	[tilespmem:$0x9400] =	vst v63  }
0x6e: {  	_ =	swait.ge [sflag:s6], $0x200  }
0x6f: {  	[sflag:s6] =	ssyncset.done $0x0  }
0x70: {  	s22 =	simm.s32 $0x1600;
	s2 =	rddreg [dreg:$0xe];
	[sflag:s6] =	ssyncadd.s32 $0xFFFFFE00  }
0x71: {  	[tilespmem:s22], [sflag:$0x7] =	stream.linear.gather [hbm4b:s2+s0], $0x200, $0x38;
	[tilespmem:$0x9400] =	vst v63  }
0x72: {  	_ =	swait.ge [sflag:s6], $0x200  }
0x73: {  	[sflag:s6] =	ssyncset.done $0x0  }
0x74: {  	s24 =	simm.s32 $0x1800;
	s23 =	rddreg [dreg:$0xf];
	[sflag:s6] =	ssyncadd.s32 $0xFFFFFE00  }
0x75: {  	[tilespmem:s24], [sflag:$0x7] =	stream.linear.gather [hbm4b:s23+s0], $0x200, $0x38;
	[tilespmem:$0x9400] =	vst v63  }
0x76: {  	_ =	swait.ge [sflag:s6], $0x200  }
0x77: {  	[sflag:s6] =	ssyncset.done $0x0  }
0x78: {  	s26 =	simm.s32 $0x1A00;
	s25 =	rddreg [dreg:$0x10];
	[sflag:s6] =	ssyncadd.s32 $0xFFFFFE00  }
0x79: {  	[tilespmem:s26], [sflag:$0x7] =	stream.linear.gather [hbm4b:s25+s0], $0x200, $0x38;
	[tilespmem:$0x9400] =	vst v63  }
0x7a: {  	_ =	swait.ge [sflag:s6], $0x200  }
0x7b: {  	[sflag:s6] =	ssyncset.done $0x0  }
0x7c: {  	s29 =	simm.s32 $0x1C00;
	s28 =	rddreg [dreg:$0x11];
	[sflag:s6] =	ssyncadd.s32 $0xFFFFFE00  }
0x7d: {  	[tilespmem:s29], [sflag:$0x7] =	stream.linear.gather [hbm4b:s28+s0], $0x200, $0x38;
	[tilespmem:$0x9400] =	vst v63  }
0x7e: {  	_ =	swait.ge [sflag:s6], $0x200  }
0x7f: {  	[sflag:s6] =	ssyncset.done $0x0  }
0x80: {  	s31 =	simm.s32 $0x1E00;
	s30 =	rddreg [dreg:$0x12];
	[sflag:s6] =	ssyncadd.s32 $0xFFFFFE00  }
0x81: {  	[tilespmem:s31], [sflag:$0x7] =	stream.linear.gather [hbm4b:s30+s0], $0x200, $0x38;
	[tilespmem:$0x9400] =	vst v63  }
0x82: {  	_ =	swait.ge [sflag:s6], $0x200  }
0x83: {  	[sflag:s6] =	ssyncset.done $0x0  }
0x84: {  	s22 =	simm.s32 $0x2000;
	s2 =	rddreg [dreg:$0x13];
	[sflag:s6] =	ssyncadd.s32 $0xFFFFFE00  }
0x85: {  	[tilespmem:s22], [sflag:$0x7] =	stream.linear.gather [hbm4b:s2+s0], $0x200, $0x38;
	[tilespmem:$0x9400] =	vst v63  }
0x86: {  	_ =	swait.ge [sflag:s6], $0x200  }
0x87: {  	[sflag:s6] =	ssyncset.done $0x0  }
0x88: {  	s24 =	simm.s32 $0x2200;
	s23 =	rddreg [dreg:$0x14];
	[sflag:s6] =	ssyncadd.s32 $0xFFFFFE00  }
0x89: {  	[tilespmem:s24], [sflag:$0x7] =	stream.linear.gather [hbm4b:s23+s0], $0x200, $0x38;
	[tilespmem:$0x9400] =	vst v63  }
0x8a: {  	_ =	swait.ge [sflag:s6], $0x200  }
0x8b: {  	[sflag:s6] =	ssyncset.done $0x0  }
0x8c: {  	s26 =	simm.s32 $0x2400;
	s25 =	rddreg [dreg:$0x15];
	[sflag:s6] =	ssyncadd.s32 $0xFFFFFE00  }
0x8d: {  	[tilespmem:s26], [sflag:$0x7] =	stream.linear.gather [hbm4b:s25+s0], $0x200, $0x38;
	[tilespmem:$0x9400] =	vst v63  }
0x8e: {  	_ =	swait.ge [sflag:s6], $0x200  }
0x8f: {  	[sflag:s6] =	ssyncset.done $0x0  }
0x90: {  	s29 =	simm.s32 $0x2600;
	s28 =	rddreg [dreg:$0x16];
	[sflag:s6] =	ssyncadd.s32 $0xFFFFFE00  }
0x91: {  	[tilespmem:s29], [sflag:$0x7] =	stream.linear.gather [hbm4b:s28+s0], $0x200, $0x38;
	[tilespmem:$0x9400] =	vst v63  }
0x92: {  	_ =	swait.ge [sflag:s6], $0x200  }
0x93: {  	[sflag:s6] =	ssyncset.done $0x0  }
0x94: {  	s31 =	simm.s32 $0x2800;
	s30 =	rddreg [dreg:$0x17];
	[sflag:s6] =	ssyncadd.s32 $0xFFFFFE00  }
0x95: {  	[tilespmem:s31], [sflag:$0x7] =	stream.linear.gather [hbm4b:s30+s0], $0x200, $0x38;
	[tilespmem:$0x9400] =	vst v63  }
0x96: {  	_ =	swait.ge [sflag:s6], $0x200  }
0x97: {  	[sflag:s6] =	ssyncset.done $0x0  }
0x98: {  	s22 =	simm.s32 $0x2A00;
	s2 =	rddreg [dreg:$0x18];
	[sflag:s6] =	ssyncadd.s32 $0xFFFFFE00  }
0x99: {  	[tilespmem:s22], [sflag:$0x7] =	stream.linear.gather [hbm4b:s2+s0], $0x200, $0x38;
	[tilespmem:$0x9400] =	vst v63  }
0x9a: {  	_ =	swait.ge [sflag:s6], $0x200  }
0x9b: {  	[sflag:s6] =	ssyncset.done $0x0  }
0x9c: {  	s24 =	simm.s32 $0x2C00;
	s23 =	rddreg [dreg:$0x19];
	[sflag:s6] =	ssyncadd.s32 $0xFFFFFE00  }
0x9d: {  	[tilespmem:s24], [sflag:$0x7] =	stream.linear.gather [hbm4b:s23+s0], $0x200, $0x38;
	[tilespmem:$0x9400] =	vst v63  }
0x9e: {  	_ =	swait.ge [sflag:s6], $0x200  }
0x9f: {  	[sflag:s6] =	ssyncset.done $0x0  }
0xa0: {  	s26 =	simm.s32 $0x2E00;
	s25 =	rddreg [dreg:$0x1a];
	[sflag:s6] =	ssyncadd.s32 $0xFFFFFE00  }
0xa1: {  	[tilespmem:s26], [sflag:$0x7] =	stream.linear.gather [hbm4b:s25+s0], $0x200, $0x38;
	[tilespmem:$0x9400] =	vst v63  }
0xa2: {  	_ =	swait.ge [sflag:s6], $0x200  }
0xa3: {  	[sflag:s6] =	ssyncset.done $0x0  }
0xa4: {  	s29 =	simm.s32 $0x3000;
	s28 =	rddreg [dreg:$0x1b];
	[sflag:s6] =	ssyncadd.s32 $0xFFFFFE00  }
0xa5: {  	[tilespmem:s29], [sflag:$0x7] =	stream.linear.gather [hbm4b:s28+s0], $0x200, $0x38;
	[tilespmem:$0x9400] =	vst v63  }
0xa6: {  	_ =	swait.ge [sflag:s6], $0x200  }
0xa7: {  	[sflag:s6] =	ssyncset.done $0x0  }
0xa8: {  	s31 =	simm.s32 $0x3200;
	s30 =	rddreg [dreg:$0x1c];
	[sflag:s6] =	ssyncadd.s32 $0xFFFFFE00  }
0xa9: {  	[tilespmem:s31], [sflag:$0x7] =	stream.linear.gather [hbm4b:s30+s0], $0x200, $0x38;
	[tilespmem:$0x9400] =	vst v63  }
0xaa: {  	_ =	swait.ge [sflag:s6], $0x200  }
0xab: {  	[sflag:s6] =	ssyncset.done $0x0  }
0xac: {  	s24 =	simm.s32 $0x0;
	[sflag:s6] =	ssyncadd.s32 $0xFFFFFE00  }
.LBB2_2:
0xad: {  	s0 =	sshll.u32 s24, $0x9  }
0xae: {  	s0 =	sand.u32 $0x3FFFFE00, s0  }
0xaf: {  	[tilespmem:s9], [sflag:$0x1] =	stream.indirect.gather [hbm4b:s3+s8], $0x20, s0, s8, $0xb8;
	[tilespmem:$0x9400] =	vst v63  }
0xb0: {  	s23 =	sor.u32 $0x80, s0  }
0xb1: {  	[tilespmem:s10], [sflag:$0x2] =	stream.indirect.gather [hbm4b:s3+s8], $0x20, s23, s8, $0xb8;
	[tilespmem:$0x9400] =	vst v63  }
0xb2: {  	s31 =	sor.u32 $0x100, s0  }
0xb3: {  	[tilespmem:s11], [sflag:$0x3] =	stream.indirect.gather [hbm4b:s3+s8], $0x20, s31, s8, $0xb8;
	[tilespmem:$0x9400] =	vst v63  }
0xb4: {  	s0 =	sor.u32 $0x180, s0  }
0xb5: {  	[tilespmem:s12], [sflag:$0x4] =	stream.indirect.gather [hbm4b:s3+s8], $0x20, s0, s8, $0xb8;
	[tilespmem:$0x9400] =	vst v63  }
0xb6: {  	_ =	swait.ge [sflag:s13], $0x1000  }
0xb7: {  	v51 =	vld [tilespmem:$0x1FC70]  }
0xb8: {  	v60 =	vld [tilespmem:$0x1FC80]  }
0xb9: {  	v61 =	vld [tilespmem:$0x1FC90]  }
0xba: {  	v55 =	vld [tilespmem:$0x1FCB0]  }
0xbb: {  	v21 =	vld [tilespmem:$0x1FCC0]  }
0xbc: {  	v53 =	vld [tilespmem:$0x1FCD0]  }
0xbd: {  	[sflag:s13] =	ssyncset.done $0x0;
	v56 =	vld [tilespmem:$0x1FCE0]  }
0xbe: {  	s26 =	simm.s32 $0x0;
	p0 =	por $0x1, $0x1;
	v57 =	vld [tilespmem:$0x1FCF0];
	[sflag:s13] =	ssyncadd.s32 $0xFFFFF000  }
.LBB2_3:
0xbf: {  	v0 =	vld [tilespmem:$0x1FC60]  }
0xc0: {  	v25 =	vld [tilespmem:$0x1FC10]  }
0xc1: {  	v52 =	vld [tilespmem:$0x1FC20]  }
0xc2: {  	v50 =	vmov v55;
	v55 =	vld [tilespmem:$0x1FC30]  }
0xc3: {  	v58 =	vld [tilespmem:$0x1FD00]  }
0xc4: {  	v59 =	vld [tilespmem:$0x1FD10]  }
0xc5: {  	v62 =	vld [tilespmem:$0x1FD40]  }
0xc6: {  	v63 =	vld [tilespmem:$0x1FD50]  }
0xc7: {  	v22 =	vld [tilespmem:$0x1FD70]  }
0xc8: {  	v23 =	vld [tilespmem:$0x1FD80]  }
0xc9: {  	v24 =	vld [tilespmem:$0x1FD90]  }
0xca: {  	v31 =	vld [tilespmem:$0x1FDA0]  }
0xcb: {  	v2 =	vmov s26;
	v32 =	vld [tilespmem:$0x1FDB0]  }
0xcc: {  	v33 =	vld [tilespmem:$0x1FDC0];
	v2 =	vshrl.u32 v2, $0x3  }
0xcd: {  	v34 =	vld [tilespmem:$0x1FDD0];
	v2 =	vshll.u32 v2, v1  }
0xce: {  	v35 =	vld [tilespmem:$0x1FDE0];
	v3 =	vbroadcast v2, $0x0  }
0xcf: {  	v38 =	vld [tilespmem:$0x1FDF0]  }
0xd0: {  	v39 =	vld [tilespmem:$0x1FE00];
	v2 =	vor.u32 v4, v3  }
0xd1: {  	v40 =	vld [tilespmem:$0x1FE10];
	v4 =	vor.u32 v15, v3  }
0xd2: {  	v41 =	vld [tilespmem:$0x1FE20];
	v5 =	vor.u32 v5, v3  }
0xd3: {  	v42 =	vld [tilespmem:$0x1FE30];
	v6 =	vor.u32 v6, v3  }
0xd4: {  	v43 =	vld [tilespmem:$0x1FE40]  }
0xd5: {  	v2 =	vld.idx.msk [tilespmem:v2+s9+$0x0], $0xffff  }
0xd6: {  	v7 =	vor.u32 v16, v3;
	v4 =	vld.idx.msk [tilespmem:v4+s9+$0x0], $0xffff  }
0xd7: {  	v8 =	vor.u32 v9, v3;
	v5 =	vld.idx.msk [tilespmem:v5+s9+$0x0], $0xffff  }
0xd8: {  	s0 =	sshll.u32 s26, $0x7;
	v9 =	vor.u32 v10, v3;
	v6 =	vld.idx.msk [tilespmem:v6+s9+$0x0], $0xffff  }
0xd9: {  	v46 =	vld [tilespmem:$0x1FE50];
	s25 =	sand.u32 $0x3FFFFF80, s0;
	v10 =	vor.u32 v11, v3  }
0xda: {  	v47 =	vld [tilespmem:$0x1FE60];
	[tilespmem:s25+$0x7400] =	vst v2  }
0xdb: {  	[tilespmem:s25+$0x7480] =	vst v4;
	v2 =	vld.idx.msk [tilespmem:v7+s9+$0x0], $0xffff  }
0xdc: {  	v4 =	vor.u32 v17, v3;
	[tilespmem:s25+$0x7500] =	vst v5;
	v7 =	vld.idx.msk [tilespmem:v8+s9+$0x0], $0xffff  }
0xdd: {  	v5 =	vor.u32 v14, v3;
	[tilespmem:s25+$0x7580] =	vst v6;
	v8 =	vld.idx.msk [tilespmem:v9+s9+$0x0], $0xffff  }
0xde: {  	v6 =	vor.u32 v0, v3;
	v9 =	vld.idx.msk [tilespmem:v10+s9+$0x0], $0xffff  }
0xdf: {  	v48 =	vld [tilespmem:$0x1FE70];
	v10 =	vor.u32 v21, v3  }
0xe0: {  	v49 =	vld [tilespmem:$0x1FE80];
	[tilespmem:s25+$0x7410] =	vst v2  }
0xe1: {  	[tilespmem:s25+$0x7490] =	vst v7;
	v2 =	vld.idx.msk [tilespmem:v4+s9+$0x0], $0xffff  }
0xe2: {  	[tilespmem:s25+$0x7510] =	vst v8;
	v4 =	vor.u32 v18, v3;
	v5 =	vld.idx.msk [tilespmem:v5+s9+$0x0], $0xffff  }
0xe3: {  	v7 =	vor.u32 v25, v3;
	[tilespmem:s25+$0x7590] =	vst v9;
	v6 =	vld.idx.msk [tilespmem:v6+s9+$0x0], $0xffff  }
0xe4: {  	v8 =	vor.u32 v51, v3;
	v9 =	vld.idx.msk [tilespmem:v10+s9+$0x0], $0xffff  }
0xe5: {  	v28 =	vld [tilespmem:$0x1FE90];
	v10 =	vor.u32 v53, v3  }
0xe6: {  	v26 =	vld [tilespmem:$0x1FEA0];
	[tilespmem:s25+$0x7420] =	vst v2  }
0xe7: {  	[tilespmem:s25+$0x74A0] =	vst v5;
	v2 =	vld.idx.msk [tilespmem:v4+s9+$0x0], $0xffff  }
0xe8: {  	[tilespmem:s25+$0x7520] =	vst v6;
	v4 =	vor.u32 v19, v3;
	v5 =	vld.idx.msk [tilespmem:v7+s9+$0x0], $0xffff  }
0xe9: {  	v6 =	vor.u32 v52, v3;
	[tilespmem:s25+$0x75A0] =	vst v9;
	v7 =	vld.idx.msk [tilespmem:v8+s9+$0x0], $0xffff  }
0xea: {  	v8 =	vor.u32 v60, v3;
	v9 =	vld.idx.msk [tilespmem:v10+s9+$0x0], $0xffff  }
0xeb: {  	v27 =	vld [tilespmem:$0x1FEB0];
	v10 =	vor.u32 v56, v3  }
0xec: {  	v30 =	vld [tilespmem:$0x1FEC0];
	[tilespmem:s25+$0x7430] =	vst v2  }
0xed: {  	[tilespmem:s25+$0x74B0] =	vst v5;
	v2 =	vld.idx.msk [tilespmem:v4+s9+$0x0], $0xffff  }
0xee: {  	[tilespmem:s25+$0x7530] =	vst v7;
	v4 =	vor.u32 v54, v3;
	v5 =	vld.idx.msk [tilespmem:v6+s9+$0x0], $0xffff  }
0xef: {  	[tilespmem:s25+$0x75B0] =	vst v9;
	v6 =	vor.u32 v55, v3;
	v7 =	vld.idx.msk [tilespmem:v8+s9+$0x0], $0xffff  }
0xf0: {  	v8 =	vor.u32 v61, v3;
	v9 =	vld.idx.msk [tilespmem:v10+s9+$0x0], $0xffff  }
0xf1: {  	v45 =	vmovc v57;
	v10 =	vor.u32 v57, v3;
	v57 =	vmovc v56;
	v56 =	vmov v53;
	v53 =	vmov v51;
	v51 =	vld [tilespmem:$0x1FC40]  }
0xf2: {  	v36 =	vld [tilespmem:$0x1FED0];
	[tilespmem:s25+$0x7440] =	vst v2  }
0xf3: {  	[tilespmem:s25+$0x74C0] =	vst v5;
	v2 =	vld.idx.msk [tilespmem:v4+s9+$0x0], $0xffff  }
0xf4: {  	[tilespmem:s25+$0x7540] =	vst v7;
	v5 =	vld.idx.msk [tilespmem:v6+s9+$0x0], $0xffff  }
0xf5: {  	v7 =	vld.idx.msk [tilespmem:v8+s9+$0x0], $0xffff  }
0xf6: {  	v6 =	vor.u32 v51, v3;
	v8 =	vld [tilespmem:$0x1FCA0]  }
0xf7: {  	v20 =	vld [tilespmem:$0x1FC50];
	v4 =	vor.u32 v12, v3  }
0xf8: {  	v44 =	vld [tilespmem:$0x1FEE0];
	v14 =	vor.u32 v31, v3;
	[tilespmem:s25+$0x75C0] =	vst v9  }
0xf9: {  	v9 =	vld.idx.msk [tilespmem:v10+s9+$0x0], $0xffff  }
0xfa: {  	v29 =	vld [tilespmem:$0x1FEF0];
	v10 =	vor.u32 v58, v3;
	[tilespmem:s25+$0x74D0] =	vst v5  }
0xfb: {  	v8 =	vor.u32 v8, v3;
	[tilespmem:s25+$0x7450] =	vst v2;
	v5 =	vld.idx.msk [tilespmem:v6+s9+$0x0], $0xffff  }
0xfc: {  	v2 =	vld.idx.msk [tilespmem:v4+s9+$0x0], $0xffff;
	v6 =	vor.u32 v20, v3  }
0xfd: {  	v14 =	vld.idx.msk [tilespmem:v14+s9+$0x0], $0xffff;
	v4 =	vor.u32 v13, v3  }
0xfe: {  	v60 =	vld [tilespmem:$0x1FD20];
	[tilespmem:s25+$0x75D0] =	vst v9  }
0xff: {  	[tilespmem:s25+$0x7550] =	vst v7;
	v9 =	vld.idx.msk [tilespmem:v10+s9+$0x0], $0xffff  }
0x100: {  	s2 =	sor.u32 $0x8, s26;
	v7 =	vld.idx.msk [tilespmem:v8+s9+$0x0], $0xffff;
	[tilespmem:s25+$0x74E0] =	vst v5  }
0x101: {  	v11 =	vmov s2;
	[tilespmem:s25+$0x7460] =	vst v2;
	v6 =	vld.idx.msk [tilespmem:v6+s9+$0x0], $0xffff  }
0x102: {  	v11 =	vshrl.u32 v11, $0x3;
	v8 =	vor.u32 v50, v3;
	v13 =	vld.idx.msk [tilespmem:v4+s9+$0x0], $0xffff  }
0x103: {  	s23 =	sor.u32 $0x9, s26;
	v10 =	vor.u32 v59, v3;
	v4 =	vshll.u32 v11, v1;
	v11 =	vld [tilespmem:$0x1FFF0]  }
0x104: {  	v0 =	vld [tilespmem:$0x1FD60];
	[tilespmem:s25+$0x7680] =	vst v14;
	v12 =	vmov s23;
	v2 =	vor.u32 v60, v3  }
0x105: {  	v61 =	vld [tilespmem:$0x1FD30];
	v5 =	vshrl.u32 v12, $0x3;
	[tilespmem:s25+$0x7560] =	vst v7;
	v7 =	vor.u32 v41, v3  }
0x106: {  	v14 =	vld [tilespmem:$0x1FFB0];
	v5 =	vshll.u32 v5, v1;
	v4 =	vbroadcast v4, $0x0;
	[tilespmem:s25+$0x74F0] =	vst v6;
	v6 =	vor.u32 v32, v3  }
0x107: {  	[tilespmem:s25+$0x75E0] =	vst v9;
	v9 =	vor.u32 v26, v3;
	v5 =	vbroadcast v5, $0x0;
	v8 =	vld.idx.msk [tilespmem:v8+s9+$0x0], $0xffff  }
0x108: {  	v10 =	vld.idx.msk [tilespmem:v10+s9+$0x0], $0xffff;
	v11 =	vor.u32 v11, v4  }
0x109: {  	v12 =	vor.u32 v15, v5;
	v2 =	vld.idx.msk [tilespmem:v2+s9+$0x0], $0xffff  }
0x10a: {  	[tilespmem:s25+$0x7470] =	vst v13;
	v13 =	vor.u32 v61, v3;
	v7 =	vld.idx.msk [tilespmem:v7+s9+$0x0], $0xffff  }
0x10b: {  	v6 =	vld.idx.msk [tilespmem:v6+s9+$0x0], $0xffff  }
0x10c: {  	v9 =	vld.idx.msk [tilespmem:v9+s9+$0x0], $0xffff;
	[tilespmem:s25+$0x7570] =	vst v8;
	v8 =	vor.u32 v42, v3  }
0x10d: {  	[tilespmem:s25+$0x75F0] =	vst v10;
	v10 =	vor.u32 v27, v3;
	v11 =	vld.idx.msk [tilespmem:v11+s9+$0x0], $0xffff  }
0x10e: {  	v12 =	vld.idx.msk [tilespmem:v12+s9+$0x0], $0xffff;
	[tilespmem:s25+$0x7600] =	vst v2;
	v2 =	vor.u32 v16, v4  }
0x10f: {  	v14 =	vor.u32 v14, v5;
	v13 =	vld.idx.msk [tilespmem:v13+s9+$0x0], $0xffff;
	[tilespmem:s25+$0x7700] =	vst v7  }
0x110: {  	s0 =	sshll.u32 s2, $0x7;
	v15 =	vor.u32 v62, v3;
	[tilespmem:s25+$0x7690] =	vst v6;
	v6 =	vld [tilespmem:$0x1FF80]  }
0x111: {  	s22 =	sshll.u32 s23, $0x7;
	s28 =	sand.u32 $0x3FFFFF80, s0;
	[tilespmem:s25+$0x7780] =	vst v9;
	v7 =	vor.u32 v33, v3;
	v8 =	vld.idx.msk [tilespmem:v8+s9+$0x0], $0xffff  }
0x112: {  	s29 =	sand.u32 $0x3FFFFF80, s22;
	v9 =	vor.u32 v43, v3;
	v10 =	vld.idx.msk [tilespmem:v10+s9+$0x0], $0xffff;
	[tilespmem:s28+$0x7400] =	vst v11  }
0x113: {  	[tilespmem:s29+$0x7400] =	vst v12;
	v11 =	vor.u32 v30, v3;
	v2 =	vld.idx.msk [tilespmem:v2+s9+$0x0], $0xffff  }
0x114: {  	v12 =	vor.u32 v17, v4;
	[tilespmem:s25+$0x7610] =	vst v13;
	v13 =	vld.idx.msk [tilespmem:v14+s9+$0x0], $0xffff  }
0x115: {  	v14 =	vld.idx.msk [tilespmem:v15+s9+$0x0], $0xffff;
	v6 =	vor.u32 v6, v5  }
0x116: {  	v15 =	vor.u32 v63, v3;
	v7 =	vld.idx.msk [tilespmem:v7+s9+$0x0], $0xffff;
	[tilespmem:s25+$0x7710] =	vst v8  }
0x117: {  	[tilespmem:s25+$0x7790] =	vst v10;
	v8 =	vor.u32 v34, v3;
	v9 =	vld.idx.msk [tilespmem:v9+s9+$0x0], $0xffff  }
0x118: {  	v10 =	vor.u32 v46, v3;
	v11 =	vld.idx.msk [tilespmem:v11+s9+$0x0], $0xffff;
	[tilespmem:s28+$0x7410] =	vst v2  }
0x119: {  	[tilespmem:s29+$0x7410] =	vst v13;
	v2 =	vor.u32 v36, v3;
	v12 =	vld.idx.msk [tilespmem:v12+s9+$0x0], $0xffff  }
0x11a: {  	v13 =	vor.u32 v18, v4;
	[tilespmem:s25+$0x7620] =	vst v14;
	v6 =	vld.idx.msk [tilespmem:v6+s9+$0x0], $0xffff  }
0x11b: {  	v14 =	vld.idx.msk [tilespmem:v15+s9+$0x0], $0xffff;
	[tilespmem:s25+$0x76A0] =	vst v7;
	v7 =	vor.u32 v25, v5  }
0x11c: {  	v15 =	vor.u32 v0, v3;
	v8 =	vld.idx.msk [tilespmem:v8+s9+$0x0], $0xffff;
	[tilespmem:s25+$0x7720] =	vst v9  }
0x11d: {  	v9 =	vor.u32 v35, v3;
	[tilespmem:s25+$0x77A0] =	vst v11;
	v10 =	vld.idx.msk [tilespmem:v10+s9+$0x0], $0xffff  }
0x11e: {  	v11 =	vor.u32 v47, v3;
	v2 =	vld.idx.msk [tilespmem:v2+s9+$0x0], $0xffff;
	[tilespmem:s28+$0x7420] =	vst v12  }
0x11f: {  	v13 =	vld.idx.msk [tilespmem:v13+s9+$0x0], $0xffff;
	[tilespmem:s29+$0x7420] =	vst v6  }
0x120: {  	[tilespmem:s25+$0x7630] =	vst v14;
	v6 =	vor.u32 v19, v4;
	v7 =	vld.idx.msk [tilespmem:v7+s9+$0x0], $0xffff  }
0x121: {  	v14 =	vld.idx.msk [tilespmem:v15+s9+$0x0], $0xffff;
	[tilespmem:s25+$0x76B0] =	vst v8;
	v8 =	vor.u32 v52, v5  }
0x122: {  	v12 =	vor.u32 v44, v3;
	v9 =	vld.idx.msk [tilespmem:v9+s9+$0x0], $0xffff;
	[tilespmem:s25+$0x7730] =	vst v10  }
0x123: {  	v15 =	vor.u32 v22, v3;
	[tilespmem:s25+$0x77B0] =	vst v2;
	v11 =	vld.idx.msk [tilespmem:v11+s9+$0x0], $0xffff  }
0x124: {  	v37 =	vld [tilespmem:$0x1FF00];
	v2 =	vor.u32 v48, v3;
	[tilespmem:s28+$0x7430] =	vst v13  }
0x125: {  	v10 =	vor.u32 v38, v3;
	v6 =	vld.idx.msk [tilespmem:v6+s9+$0x0], $0xffff;
	[tilespmem:s29+$0x7430] =	vst v7  }
0x126: {  	[tilespmem:s25+$0x7640] =	vst v14;
	v7 =	vor.u32 v54, v4;
	v8 =	vld.idx.msk [tilespmem:v8+s9+$0x0], $0xffff  }
0x127: {  	v12 =	vld.idx.msk [tilespmem:v12+s9+$0x0], $0xffff;
	[tilespmem:s25+$0x76C0] =	vst v9;
	v9 =	vor.u32 v55, v5  }
0x128: {  	v13 =	vor.u32 v29, v3;
	v14 =	vld.idx.msk [tilespmem:v15+s9+$0x0], $0xffff;
	[tilespmem:s25+$0x7740] =	vst v11  }
0x129: {  	v2 =	vld.idx.msk [tilespmem:v2+s9+$0x0], $0xffff  }
0x12a: {  	v10 =	vld.idx.msk [tilespmem:v10+s9+$0x0], $0xffff;
	[tilespmem:s28+$0x7440] =	vst v6  }
0x12b: {  	v7 =	vld.idx.msk [tilespmem:v7+s9+$0x0], $0xffff;
	[tilespmem:s29+$0x7440] =	vst v8  }
0x12c: {  	[tilespmem:s25+$0x77C0] =	vst v12;
	v9 =	vld.idx.msk [tilespmem:v9+s9+$0x0], $0xffff  }
0x12d: {  	v13 =	vld.idx.msk [tilespmem:v13+s9+$0x0], $0xffff;
	[tilespmem:s25+$0x7650] =	vst v14  }
0x12e: {  	s23 =	sor.u32 $0xA, s26;
	v15 =	vor.u32 v23, v3;
	[tilespmem:s25+$0x7750] =	vst v2;
	v2 =	vld [tilespmem:$0x1FFF0]  }
0x12f: {  	v16 =	vor.u32 v49, v3;
	v18 =	vmov s23;
	v14 =	vld [tilespmem:$0x1FF60];
	[tilespmem:s25+$0x76D0] =	vst v10  }
0x130: {  	s30 =	sor.u32 $0xB, s26;
	v17 =	vor.u32 v37, v3;
	v18 =	vshrl.u32 v18, $0x3;
	v11 =	vor.u32 v39, v3;
	[tilespmem:s28+$0x7450] =	vst v7;
	v7 =	vld [tilespmem:$0x1FF70]  }
0x131: {  	v19 =	vmov s30;
	v10 =	vor.u32 v51, v5;
	[tilespmem:s29+$0x7450] =	vst v9;
	v9 =	vor.u32 v20, v5;
	v5 =	vld [tilespmem:$0x1FF90]  }
0x132: {  	v18 =	vshll.u32 v18, v1;
	v19 =	vshrl.u32 v19, $0x3;
	v54 =	vld [tilespmem:$0x1FFE0];
	v12 =	vor.u32 v24, v3  }
0x133: {  	v6 =	vor.u32 v40, v3;
	v15 =	vld.idx.msk [tilespmem:v15+s9+$0x0], $0xffff;
	v8 =	vor.u32 v28, v3;
	v2 =	vor.u32 $0xE07, v2  }
0x134: {  	s31 =	sor.u32 $0xC, s26;
	[tilespmem:s25+$0x77D0] =	vst v13;
	v14 =	vor.u32 v14, v4;
	v16 =	vld.idx.msk [tilespmem:v16+s9+$0x0], $0xffff;
	v13 =	vor.u32 v2, v3;
	v3 =	vbroadcast v18, $0x0  }
0x135: {  	v11 =	vld.idx.msk [tilespmem:v11+s9+$0x0], $0xffff;
	v18 =	vshll.u32 v19, v1;
	v19 =	vor.u32 v7, v4;
	v7 =	vmov s31  }
0x136: {  	v4 =	vbroadcast v18, $0x0;
	v18 =	vor.u32 v5, v3;
	v5 =	vshrl.u32 v7, $0x3;
	v7 =	vld [tilespmem:$0x1FFA0]  }
0x137: {  	v10 =	vld.idx.msk [tilespmem:v10+s9+$0x0], $0xffff  }
0x138: {  	v17 =	vld.idx.msk [tilespmem:v17+s9+$0x0], $0xffff  }
0x139: {  	v14 =	vld.idx.msk [tilespmem:v14+s9+$0x0], $0xffff;
	[tilespmem:s25+$0x7760] =	vst v16  }
0x13a: {  	s1 =	sor.u32 $0xD, s26;
	[tilespmem:s25+$0x7660] =	vst v15;
	v16 =	vld.idx.msk [tilespmem:v8+s9+$0x0], $0xffff  }
0x13b: {  	s2 =	sor.u32 $0xE, s26;
	v12 =	vld.idx.msk [tilespmem:v12+s9+$0x0], $0xffff;
	[tilespmem:s25+$0x76E0] =	vst v11;
	v5 =	vshll.u32 v5, v1;
	v15 =	vor.u32 v7, v4;
	v7 =	vmov s1  }
0x13c: {  	s22 =	sor.u32 $0xF, s26;
	v11 =	vmov s2;
	v20 =	vld.idx.msk [tilespmem:v6+s9+$0x0], $0xffff;
	[tilespmem:s29+$0x7460] =	vst v10;
	v5 =	vbroadcast v5, $0x0;
	v7 =	vshrl.u32 v7, $0x3  }
0x13d: {  	[tilespmem:s25+$0x77E0] =	vst v17;
	v9 =	vld.idx.msk [tilespmem:v9+s9+$0x0], $0xffff;
	v6 =	vshll.u32 v7, v1;
	v7 =	vshrl.u32 v11, $0x3;
	v11 =	vmov s22  }
0x13e: {  	[tilespmem:s28+$0x7460] =	vst v14;
	v8 =	vshrl.u32 v11, $0x3;
	v11 =	vld.idx.msk [tilespmem:v13+s9+$0x0], $0xffff  }
0x13f: {  	[tilespmem:s25+$0x7770] =	vst v16;
	v16 =	vld [tilespmem:$0x1FFC0];
	v7 =	vshll.u32 v7, v1;
	v13 =	vor.u32 v60, v5  }
0x140: {  	v14 =	vld.idx.msk [tilespmem:v19+s9+$0x0], $0xffff;
	v7 =	vbroadcast v7, $0x0  }
0x141: {  	v19 =	vld [tilespmem:$0x1FF40];
	v6 =	vbroadcast v6, $0x0  }
0x142: {  	[tilespmem:s25+$0x7670] =	vst v12;
	v17 =	vld.idx.msk [tilespmem:v18+s9+$0x0], $0xffff;
	v8 =	vshll.u32 v8, v1;
	v12 =	vor.u32 v41, v7  }
0x143: {  	v10 =	vor.u32 v31, v6;
	v8 =	vbroadcast v8, $0x0;
	[tilespmem:s25+$0x77F0] =	vst v11;
	v11 =	vld [tilespmem:$0x1FFD0]  }
0x144: {  	v13 =	vld.idx.msk [tilespmem:v13+s9+$0x0], $0xffff  }
0x145: {  	[tilespmem:s25+$0x76F0] =	vst v20;
	v60 =	vld [tilespmem:$0x1FC80];
	v18 =	vor.u32 v26, v8  }
0x146: {  	s0 =	sshll.u32 s23, $0x7;
	[tilespmem:s28+$0x7470] =	vst v14;
	v14 =	vor.u32 v61, v5;
	v15 =	vld.idx.msk [tilespmem:v15+s9+$0x0], $0xffff  }
0x147: {  	v16 =	vor.u32 v16, v3;
	[tilespmem:s29+$0x7470] =	vst v9;
	s29 =	sshll.u32 s30, $0x7;
	s30 =	sshll.u32 s31, $0x7;
	s25 =	sand.u32 $0x3FFFFF80, s0;
	v12 =	vld.idx.msk [tilespmem:v12+s9+$0x0], $0xffff  }
0x148: {  	s28 =	sand.u32 $0x3FFFFF80, s30;
	[tilespmem:s25+$0x7400] =	vst v17;
	v17 =	vor.u32 v42, v7;
	v10 =	vld.idx.msk [tilespmem:v10+s9+$0x0], $0xffff  }
0x149: {  	v11 =	vor.u32 v11, v4;
	[tilespmem:s28+$0x7400] =	vst v13;
	v13 =	vld [tilespmem:$0x1FC60]  }
0x14a: {  	s31 =	sshll.u32 s1, $0x7;
	s1 =	sshll.u32 s2, $0x7;
	s26 =	sand.u32 $0x3FFFFF80, s29;
	v9 =	vor.u32 v32, v6;
	v18 =	vld.idx.msk [tilespmem:v18+s9+$0x0], $0xffff  }
0x14b: {  	s2 =	sand.u32 $0x3FFFFF80, s1;
	[tilespmem:s26+$0x7400] =	vst v15;
	v15 =	vor.u32 v27, v8;
	v14 =	vld.idx.msk [tilespmem:v14+s9+$0x0], $0xffff  }
0x14c: {  	v16 =	vld.idx.msk [tilespmem:v16+s9+$0x0], $0xffff;
	[tilespmem:s2+$0x7400] =	vst v12;
	v12 =	vor.u32 v62, v5  }
0x14d: {  	s22 =	sshll.u32 s22, $0x7;
	s29 =	sand.u32 $0x3FFFFF80, s31;
	v17 =	vld.idx.msk [tilespmem:v17+s9+$0x0], $0xffff  }
0x14e: {  	s23 =	sand.u32 $0x3FFFFF80, s22;
	[tilespmem:s29+$0x7400] =	vst v10;
	v13 =	vor.u32 v13, v3;
	v11 =	vld.idx.msk [tilespmem:v11+s9+$0x0], $0xffff  }
0x14f: {  	v10 =	vor.u32 v21, v4;
	v9 =	vld.idx.msk [tilespmem:v9+s9+$0x0], $0xffff;
	[tilespmem:s23+$0x7400] =	vst v18  }
0x150: {  	v18 =	vor.u32 v33, v6;
	v15 =	vld.idx.msk [tilespmem:v15+s9+$0x0], $0xffff;
	[tilespmem:s28+$0x7410] =	vst v14  }
0x151: {  	[tilespmem:s25+$0x7410] =	vst v16;
	v16 =	vor.u32 v43, v7;
	v12 =	vld.idx.msk [tilespmem:v12+s9+$0x0], $0xffff  }
0x152: {  	v61 =	vld [tilespmem:$0x1FC90];
	[tilespmem:s2+$0x7410] =	vst v17;
	v17 =	vor.u32 v63, v5  }
0x153: {  	v51 =	vmov v53;
	v13 =	vld.idx.msk [tilespmem:v13+s9+$0x0], $0xffff;
	[tilespmem:s26+$0x7410] =	vst v11;
	v11 =	vor.u32 v30, v8  }
0x154: {  	v53 =	vmov v56;
	v14 =	vor.u32 v51, v3;
	[tilespmem:s29+$0x7410] =	vst v9;
	v10 =	vld.idx.msk [tilespmem:v10+s9+$0x0], $0xffff  }
0x155: {  	v9 =	vor.u32 v53, v4;
	v18 =	vld.idx.msk [tilespmem:v18+s9+$0x0], $0xffff;
	[tilespmem:s23+$0x7410] =	vst v15  }
0x156: {  	v15 =	vor.u32 v34, v6;
	v16 =	vld.idx.msk [tilespmem:v16+s9+$0x0], $0xffff;
	[tilespmem:s28+$0x7420] =	vst v12  }
0x157: {  	v17 =	vld.idx.msk [tilespmem:v17+s9+$0x0], $0xffff  }
0x158: {  	[tilespmem:s25+$0x7420] =	vst v13;
	v13 =	vor.u32 v46, v7;
	v11 =	vld.idx.msk [tilespmem:v11+s9+$0x0], $0xffff  }
0x159: {  	v14 =	vld.idx.msk [tilespmem:v14+s9+$0x0], $0xffff;
	[tilespmem:s26+$0x7420] =	vst v10;
	v10 =	vor.u32 v36, v8  }
0x15a: {  	v56 =	vmov v57;
	v12 =	vor.u32 v60, v3;
	[tilespmem:s29+$0x7420] =	vst v18;
	v9 =	vld.idx.msk [tilespmem:v9+s9+$0x0], $0xffff  }
0x15b: {  	v18 =	vor.u32 v56, v4;
	v15 =	vld.idx.msk [tilespmem:v15+s9+$0x0], $0xffff  }
0x15c: {  	[tilespmem:s2+$0x7420] =	vst v16;
	v16 =	vor.u32 v0, v5;
	v0 =	vld [tilespmem:$0x1FCA0]  }
0x15d: {  	[tilespmem:s23+$0x7420] =	vst v11;
	v11 =	vor.u32 v35, v6;
	v13 =	vld.idx.msk [tilespmem:v13+s9+$0x0], $0xffff  }
0x15e: {  	[tilespmem:s25+$0x7430] =	vst v14;
	v14 =	vor.u32 v47, v7;
	v10 =	vld.idx.msk [tilespmem:v10+s9+$0x0], $0xffff  }
0x15f: {  	v12 =	vld.idx.msk [tilespmem:v12+s9+$0x0], $0xffff;
	[tilespmem:s26+$0x7430] =	vst v9;
	v9 =	vor.u32 v44, v8  }
0x160: {  	[tilespmem:s28+$0x7430] =	vst v17;
	v17 =	vor.u32 v61, v3;
	v18 =	vld.idx.msk [tilespmem:v18+s9+$0x0], $0xffff  }
0x161: {  	[tilespmem:s29+$0x7430] =	vst v15;
	v15 =	vor.u32 v45, v4;
	v16 =	vld.idx.msk [tilespmem:v16+s9+$0x0], $0xffff  }
0x162: {  	[tilespmem:s2+$0x7430] =	vst v13;
	v13 =	vor.u32 v22, v5;
	v11 =	vld.idx.msk [tilespmem:v11+s9+$0x0], $0xffff  }
0x163: {  	[tilespmem:s23+$0x7430] =	vst v10;
	v10 =	vor.u32 v38, v6;
	v14 =	vld.idx.msk [tilespmem:v14+s9+$0x0], $0xffff  }
0x164: {  	[tilespmem:s25+$0x7440] =	vst v12;
	v12 =	vor.u32 v48, v7;
	v9 =	vld.idx.msk [tilespmem:v9+s9+$0x0], $0xffff  }
0x165: {  	v17 =	vld.idx.msk [tilespmem:v17+s9+$0x0], $0xffff;
	[tilespmem:s26+$0x7440] =	vst v18;
	v18 =	vor.u32 v29, v8  }
0x166: {  	[tilespmem:s28+$0x7440] =	vst v16;
	v16 =	vor.u32 v0, v3;
	v15 =	vld.idx.msk [tilespmem:v15+s9+$0x0], $0xffff  }
0x167: {  	[tilespmem:s29+$0x7440] =	vst v11;
	v11 =	vor.u32 v58, v4;
	v13 =	vld.idx.msk [tilespmem:v13+s9+$0x0], $0xffff  }
0x168: {  	[tilespmem:s2+$0x7440] =	vst v14;
	v14 =	vor.u32 v23, v5;
	v10 =	vld.idx.msk [tilespmem:v10+s9+$0x0], $0xffff  }
0x169: {  	[tilespmem:s23+$0x7440] =	vst v9;
	v12 =	vld.idx.msk [tilespmem:v12+s9+$0x0], $0xffff  }
0x16a: {  	v9 =	vor.u32 v39, v6;
	[tilespmem:s25+$0x7450] =	vst v17;
	v18 =	vld.idx.msk [tilespmem:v18+s9+$0x0], $0xffff  }
0x16b: {  	v16 =	vld.idx.msk [tilespmem:v16+s9+$0x0], $0xffff;
	[tilespmem:s26+$0x7450] =	vst v15  }
0x16c: {  	v17 =	vor.u32 v49, v7;
	[tilespmem:s28+$0x7450] =	vst v13;
	v11 =	vld.idx.msk [tilespmem:v11+s9+$0x0], $0xffff  }
0x16d: {  	[tilespmem:s29+$0x7450] =	vst v10;
	v10 =	vld.idx.msk [tilespmem:v14+s9+$0x0], $0xffff  }
0x16e: {  	v14 =	vld [tilespmem:$0x1FF80]  }
0x16f: {  	v15 =	vor.u32 v37, v8;
	[tilespmem:s2+$0x7450] =	vst v12;
	v9 =	vld.idx.msk [tilespmem:v9+s9+$0x0], $0xffff  }
0x170: {  	[tilespmem:s23+$0x7450] =	vst v18;
	v18 =	vld [tilespmem:$0x1FF30]  }
0x171: {  	v12 =	vld.idx.msk [tilespmem:v17+s9+$0x0], $0xffff  }
0x172: {  	v3 =	vor.u32 v50, v3;
	v17 =	vld [tilespmem:$0x1FF20]  }
0x173: {  	[tilespmem:s25+$0x7460] =	vst v16;
	v16 =	vld [tilespmem:$0x1FF10]  }
0x174: {  	v4 =	vor.u32 v59, v4;
	v13 =	vld.idx.msk [tilespmem:v15+s9+$0x0], $0xffff  }
0x175: {  	v15 =	vld [tilespmem:$0x1FF50]  }
0x176: {  	v5 =	vor.u32 v24, v5;
	[tilespmem:s26+$0x7460] =	vst v11;
	v11 =	vld [tilespmem:$0x1FFD0]  }
0x177: {  	v6 =	vor.u32 v40, v6;
	v3 =	vld.idx.msk [tilespmem:v3+s9+$0x0], $0xffff  }
0x178: {  	v7 =	vor.u32 v28, v7;
	[tilespmem:s28+$0x7460] =	vst v10;
	v10 =	vld [tilespmem:$0x1FFC0]  }
0x179: {  	v8 =	vor.u32 v2, v8;
	v4 =	vld.idx.msk [tilespmem:v4+s9+$0x0], $0xffff  }
0x17a: {  	[tilespmem:s29+$0x7460] =	vst v9;
	v9 =	vld [tilespmem:$0x1FFB0]  }
0x17b: {  	v5 =	vld.idx.msk [tilespmem:v5+s9+$0x0], $0xffff  }
0x17c: {  	[tilespmem:s2+$0x7460] =	vst v12;
	v6 =	vld.idx.msk [tilespmem:v6+s9+$0x0], $0xffff  }
0x17d: {  	[tilespmem:s23+$0x7460] =	vst v13;
	v7 =	vld.idx.msk [tilespmem:v7+s9+$0x0], $0xffff  }
0x17e: {  	p1 =	por p0, p0;
	[tilespmem:s25+$0x7470] =	vst v3;
	v3 =	vld.idx.msk [tilespmem:v8+s9+$0x0], $0xffff  }
.Ltmp0:
0x17f: {  	v12 =	vld [tilespmem:$0x1FF60];
	[tilespmem:s26+$0x7470] =	vst v4;
	(pc) =	sbr.rel @p1 .LBB2_3-.Ltmp0, $4  }
0x180: {  	v13 =	vld [tilespmem:$0x1FF70];
	[tilespmem:s28+$0x7470] =	vst v5  }
0x181: {  	v4 =	vld [tilespmem:$0x1FFF0];
	[tilespmem:s29+$0x7470] =	vst v6  }
0x182: {  	v5 =	vld [tilespmem:$0x1FF90];
	[tilespmem:s2+$0x7470] =	vst v7  }
0x183: {  	p0 =	por $0x0, $0x0;
	v55 =	vmov v50;
	v57 =	vmov v45;
	s26 =	simm.s32 $0x10;
	v6 =	vld [tilespmem:$0x1FFA0];
	[tilespmem:s23+$0x7470] =	vst v3  }
0x184: {  	s25 =	sshll.u32 s24, $0x10  }
0x185: {  	s0 =	sadd.s32 s25, s4  }
0x186: {  	[hbm4b:s0+s7] =	stream.strided.scatter [tilespmem:s15], [sflag:$0x5], $0x1000, s14, s7, $0x38;
	[tilespmem:$0x9400] =	vst v63  }
0x187: {  	_ =	swait.ge [sflag:s16], $0x1000  }
0x188: {  	[sflag:s16] =	ssyncset.done $0x0  }
0x189: {  	s28 =	simm.s32 $0x0;
	p0 =	por $0x1, $0x1;
	v25 =	vmov v51;
	v45 =	vmov v53;
	[sflag:s16] =	ssyncadd.s32 $0xFFFFF000  }
.LBB2_5:
0x18a: {  	v0 =	vld [tilespmem:$0x1FFF0]  }
0x18b: {  	v6 =	vld [tilespmem:$0x1FF90]  }
0x18c: {  	v7 =	vld [tilespmem:$0x1FFA0]  }
0x18d: {  	v9 =	vld [tilespmem:$0x1FFB0]  }
0x18e: {  	v10 =	vld [tilespmem:$0x1FFC0]  }
0x18f: {  	v11 =	vld [tilespmem:$0x1FFD0]  }
0x190: {  	v24 =	vld [tilespmem:$0x1FC60]  }
0x191: {  	v3 =	vmov s28;
	v21 =	vld [tilespmem:$0x1FCC0]  }
0x192: {  	v50 =	vld [tilespmem:$0x1FC10];
	v3 =	vshrl.u32 v3, $0x3  }
0x193: {  	v52 =	vld [tilespmem:$0x1FC40];
	v3 =	vshll.u32 v3, v1  }
0x194: {  	v53 =	vmov v2;
	v2 =	vld [tilespmem:$0x1FCA0];
	v3 =	vbroadcast v3, $0x0  }
0x195: {  	v26 =	vld [tilespmem:$0x1FEA0]  }
0x196: {  	v27 =	vld [tilespmem:$0x1FEB0];
	v4 =	vor.u32 v0, v3  }
0x197: {  	v5 =	vor.u32 v15, v3;
	v0 =	vld [tilespmem:$0x1FC20]  }
0x198: {  	v51 =	vmov v45;
	v6 =	vor.u32 v6, v3;
	v34 =	vor.u32 v45, v3;
	v45 =	vld [tilespmem:$0x1FC30]  }
0x199: {  	v38 =	vor.u32 v60, v3;
	v60 =	vld [tilespmem:$0x1FD20]  }
0x19a: {  	v15 =	vld [tilespmem:$0x1FF50]  }
0x19b: {  	v7 =	vor.u32 v7, v3;
	v4 =	vld.idx.msk [tilespmem:v4+s10+$0x0], $0xffff  }
0x19c: {  	v8 =	vor.u32 v16, v3;
	v5 =	vld.idx.msk [tilespmem:v5+s10+$0x0], $0xffff  }
0x19d: {  	v9 =	vor.u32 v9, v3;
	v6 =	vld.idx.msk [tilespmem:v6+s10+$0x0], $0xffff  }
0x19e: {  	s0 =	sshll.u32 s28, $0x7;
	v10 =	vor.u32 v10, v3;
	v42 =	vor.u32 v61, v3;
	v61 =	vld [tilespmem:$0x1FD30]  }
0x19f: {  	s26 =	sand.u32 $0x3FFFFF80, s0;
	v36 =	vor.u32 v0, v3;
	v0 =	vld [tilespmem:$0x1FC50]  }
0x1a0: {  	v49 =	vor.u32 v13, v3;
	v7 =	vld.idx.msk [tilespmem:v7+s10+$0x0], $0xffff;
	v13 =	vor.u32 v60, v3;
	[tilespmem:s26+$0x8400] =	vst v4  }
0x1a1: {  	v11 =	vor.u32 v11, v3;
	[tilespmem:s26+$0x8480] =	vst v5;
	v4 =	vld.idx.msk [tilespmem:v8+s10+$0x0], $0xffff  }
0x1a2: {  	[tilespmem:s26+$0x8500] =	vst v6;
	v59 =	vld.idx.msk [tilespmem:v9+s10+$0x0], $0xffff  }
0x1a3: {  	v63 =	vld.idx.msk [tilespmem:v10+s10+$0x0], $0xffff  }
0x1a4: {  	v58 =	vor.u32 v17, v3;
	v22 =	vor.u32 v0, v3;
	v0 =	vld [tilespmem:$0x1FFF0]  }
0x1a5: {  	v62 =	vor.u32 v14, v3;
	[tilespmem:s26+$0x8580] =	vst v7;
	v13 =	vld.idx.msk [tilespmem:v13+s10+$0x0], $0xffff  }
0x1a6: {  	v28 =	vor.u32 v24, v3;
	v29 =	vld.idx.msk [tilespmem:v11+s10+$0x0], $0xffff;
	[tilespmem:s26+$0x8410] =	vst v4  }
0x1a7: {  	v30 =	vor.u32 v21, v3;
	[tilespmem:s26+$0x8490] =	vst v59;
	v59 =	vld [tilespmem:$0x1FD10]  }
0x1a8: {  	[tilespmem:s26+$0x8510] =	vst v63;
	v63 =	vld [tilespmem:$0x1FD50]  }
0x1a9: {  	v4 =	vld.idx.msk [tilespmem:v58+s10+$0x0], $0xffff  }
0x1aa: {  	v31 =	vor.u32 v18, v3;
	v6 =	vld.idx.msk [tilespmem:v62+s10+$0x0], $0xffff  }
0x1ab: {  	v32 =	vor.u32 v50, v3;
	[tilespmem:s26+$0x8590] =	vst v29;
	v7 =	vld.idx.msk [tilespmem:v28+s10+$0x0], $0xffff  }
0x1ac: {  	v33 =	vor.u32 v25, v3;
	v10 =	vld.idx.msk [tilespmem:v30+s10+$0x0], $0xffff  }
0x1ad: {  	v58 =	vld [tilespmem:$0x1FD00]  }
0x1ae: {  	v62 =	vld [tilespmem:$0x1FD40];
	[tilespmem:s26+$0x8420] =	vst v4  }
0x1af: {  	[tilespmem:s26+$0x84A0] =	vst v6;
	v4 =	vld.idx.msk [tilespmem:v31+s10+$0x0], $0xffff  }
0x1b0: {  	v35 =	vor.u32 v19, v3;
	[tilespmem:s26+$0x8520] =	vst v7;
	v6 =	vld.idx.msk [tilespmem:v32+s10+$0x0], $0xffff  }
0x1b1: {  	[tilespmem:s26+$0x85A0] =	vst v10;
	v37 =	vld.idx.msk [tilespmem:v33+s10+$0x0], $0xffff  }
0x1b2: {  	v10 =	vld.idx.msk [tilespmem:v34+s10+$0x0], $0xffff  }
0x1b3: {  	v39 =	vor.u32 v56, v3;
	v30 =	vld [tilespmem:$0x1FEC0]  }
0x1b4: {  	v31 =	vld [tilespmem:$0x1FDA0];
	[tilespmem:s26+$0x8430] =	vst v4  }
0x1b5: {  	[tilespmem:s26+$0x84B0] =	vst v6;
	v4 =	vld.idx.msk [tilespmem:v35+s10+$0x0], $0xffff  }
0x1b6: {  	s22 =	sor.u32 $0x8, s28;
	v40 =	vor.u32 v54, v3;
	[tilespmem:s26+$0x8530] =	vst v37;
	v6 =	vld.idx.msk [tilespmem:v36+s10+$0x0], $0xffff  }
0x1b7: {  	s2 =	sor.u32 $0x9, s28;
	v44 =	vor.u32 v12, v3;
	v12 =	vmov s22;
	v41 =	vor.u32 v45, v3;
	[tilespmem:s26+$0x85B0] =	vst v10;
	v8 =	vld.idx.msk [tilespmem:v38+s10+$0x0], $0xffff  }
0x1b8: {  	v34 =	vshrl.u32 v12, $0x3;
	v12 =	vmov s2;
	v10 =	vld.idx.msk [tilespmem:v39+s10+$0x0], $0xffff  }
0x1b9: {  	v43 =	vor.u32 v57, v3;
	v32 =	vld [tilespmem:$0x1FDB0];
	v36 =	vshrl.u32 v12, $0x3  }
0x1ba: {  	v5 =	vshll.u32 v36, v1;
	v36 =	vld [tilespmem:$0x1FED0];
	[tilespmem:s26+$0x8440] =	vst v4  }
0x1bb: {  	v5 =	vbroadcast v5, $0x0;
	[tilespmem:s26+$0x84C0] =	vst v6;
	v4 =	vld.idx.msk [tilespmem:v40+s10+$0x0], $0xffff  }
0x1bc: {  	[tilespmem:s26+$0x8540] =	vst v8;
	v6 =	vld.idx.msk [tilespmem:v41+s10+$0x0], $0xffff  }
0x1bd: {  	v15 =	vor.u32 v15, v5;
	[tilespmem:s26+$0x85C0] =	vst v10;
	v8 =	vld.idx.msk [tilespmem:v42+s10+$0x0], $0xffff  }
0x1be: {  	v46 =	vor.u32 v52, v3;
	v10 =	vld.idx.msk [tilespmem:v43+s10+$0x0], $0xffff  }
0x1bf: {  	v47 =	vor.u32 v2, v3;
	v41 =	vld [tilespmem:$0x1FE20]  }
0x1c0: {  	v48 =	vor.u32 v58, v3;
	v42 =	vld [tilespmem:$0x1FE30]  }
0x1c1: {  	v43 =	vld [tilespmem:$0x1FE40]  }
0x1c2: {  	v15 =	vld.idx.msk [tilespmem:v15+s10+$0x0], $0xffff;
	[tilespmem:s26+$0x84D0] =	vst v6  }
0x1c3: {  	v35 =	vor.u32 v31, v3;
	[tilespmem:s26+$0x8550] =	vst v8;
	v6 =	vld.idx.msk [tilespmem:v46+s10+$0x0], $0xffff  }
0x1c4: {  	[tilespmem:s26+$0x85D0] =	vst v10;
	v37 =	vor.u32 v41, v3;
	v8 =	vld.idx.msk [tilespmem:v47+s10+$0x0], $0xffff  }
0x1c5: {  	v38 =	vor.u32 v26, v3;
	[tilespmem:s26+$0x8450] =	vst v4;
	v10 =	vld.idx.msk [tilespmem:v48+s10+$0x0], $0xffff  }
0x1c6: {  	v4 =	vld.idx.msk [tilespmem:v44+s10+$0x0], $0xffff  }
0x1c7: {  	v47 =	vld [tilespmem:$0x1FFB0]  }
0x1c8: {  	[tilespmem:s26+$0x84E0] =	vst v6;
	v6 =	vld.idx.msk [tilespmem:v35+s10+$0x0], $0xffff  }
0x1c9: {  	[tilespmem:s26+$0x8560] =	vst v8;
	v8 =	vld.idx.msk [tilespmem:v37+s10+$0x0], $0xffff  }
0x1ca: {  	[tilespmem:s26+$0x85E0] =	vst v10;
	v10 =	vld.idx.msk [tilespmem:v38+s10+$0x0], $0xffff  }
0x1cb: {  	v23 =	vor.u32 v55, v3;
	[tilespmem:s26+$0x8460] =	vst v4;
	v4 =	vshll.u32 v34, v1;
	v34 =	vld [tilespmem:$0x1FDD0]  }
0x1cc: {  	v33 =	vor.u32 v59, v3;
	v38 =	vld [tilespmem:$0x1FC20]  }
0x1cd: {  	v35 =	vld [tilespmem:$0x1FDE0]  }
0x1ce: {  	v14 =	vld.idx.msk [tilespmem:v49+s10+$0x0], $0xffff  }
0x1cf: {  	v7 =	vld.idx.msk [tilespmem:v22+s10+$0x0], $0xffff  }
0x1d0: {  	v9 =	vld.idx.msk [tilespmem:v23+s10+$0x0], $0xffff  }
0x1d1: {  	v39 =	vor.u32 v32, v3;
	v11 =	vld.idx.msk [tilespmem:v33+s10+$0x0], $0xffff  }
0x1d2: {  	v44 =	vor.u32 v42, v3;
	v4 =	vbroadcast v4, $0x0;
	v33 =	vld [tilespmem:$0x1FDC0];
	[tilespmem:s26+$0x8680] =	vst v6  }
0x1d3: {  	v46 =	vor.u32 v27, v3;
	v22 =	vld [tilespmem:$0x1FF80];
	[tilespmem:s26+$0x8700] =	vst v8  }
0x1d4: {  	v12 =	vor.u32 v0, v4;
	v0 =	vld [tilespmem:$0x1FD60];
	[tilespmem:s26+$0x8780] =	vst v10  }
0x1d5: {  	v6 =	vor.u32 v47, v5;
	v47 =	vld [tilespmem:$0x1FE60];
	[tilespmem:s26+$0x8470] =	vst v14  }
0x1d6: {  	[tilespmem:s26+$0x84F0] =	vst v7;
	v7 =	vld.idx.msk [tilespmem:v39+s10+$0x0], $0xffff  }
0x1d7: {  	[tilespmem:s26+$0x8570] =	vst v9;
	v9 =	vld.idx.msk [tilespmem:v44+s10+$0x0], $0xffff  }
0x1d8: {  	v14 =	vor.u32 v61, v3;
	[tilespmem:s26+$0x85F0] =	vst v11;
	v11 =	vld.idx.msk [tilespmem:v46+s10+$0x0], $0xffff  }
0x1d9: {  	s23 =	sshll.u32 s2, $0x7;
	v46 =	vld [tilespmem:$0x1FE50]  }
0x1da: {  	s30 =	sand.u32 $0x3FFFFF80, s23;
	v48 =	vor.u32 v33, v3;
	v44 =	vld [tilespmem:$0x1FEE0]  }
0x1db: {  	[tilespmem:s30+$0x8400] =	vst v15;
	v49 =	vor.u32 v43, v3;
	v12 =	vld.idx.msk [tilespmem:v12+s10+$0x0], $0xffff  }
0x1dc: {  	[tilespmem:s26+$0x8600] =	vst v13;
	v6 =	vld.idx.msk [tilespmem:v6+s10+$0x0], $0xffff  }
0x1dd: {  	v14 =	vld.idx.msk [tilespmem:v14+s10+$0x0], $0xffff  }
0x1de: {  	v13 =	vor.u32 v16, v4;
	[tilespmem:s26+$0x8690] =	vst v7;
	v7 =	vor.u32 v22, v5;
	v22 =	vld [tilespmem:$0x1FD70]  }
0x1df: {  	s0 =	sshll.u32 s22, $0x7;
	[tilespmem:s26+$0x8710] =	vst v9;
	v8 =	vld.idx.msk [tilespmem:v48+s10+$0x0], $0xffff  }
0x1e0: {  	s29 =	sand.u32 $0x3FFFFF80, s0;
	v16 =	vor.u32 v62, v3;
	v10 =	vld.idx.msk [tilespmem:v49+s10+$0x0], $0xffff  }
0x1e1: {  	v48 =	vld [tilespmem:$0x1FE70];
	[tilespmem:s29+$0x8400] =	vst v12;
	v12 =	vor.u32 v30, v3  }
0x1e2: {  	v23 =	vor.u32 v34, v3;
	v49 =	vld [tilespmem:$0x1FE80]  }
0x1e3: {  	v28 =	vor.u32 v46, v3;
	v13 =	vld.idx.msk [tilespmem:v13+s10+$0x0], $0xffff;
	[tilespmem:s30+$0x8410] =	vst v6  }
0x1e4: {  	[tilespmem:s26+$0x8610] =	vst v14;
	v7 =	vld.idx.msk [tilespmem:v7+s10+$0x0], $0xffff  }
0x1e5: {  	[tilespmem:s26+$0x8790] =	vst v11;
	v15 =	vld.idx.msk [tilespmem:v16+s10+$0x0], $0xffff  }
0x1e6: {  	v14 =	vor.u32 v17, v4;
	[tilespmem:s26+$0x86A0] =	vst v8;
	v12 =	vld.idx.msk [tilespmem:v12+s10+$0x0], $0xffff  }
0x1e7: {  	v37 =	vor.u32 v50, v5;
	[tilespmem:s26+$0x8720] =	vst v10;
	v9 =	vld.idx.msk [tilespmem:v23+s10+$0x0], $0xffff  }
0x1e8: {  	v11 =	vld.idx.msk [tilespmem:v28+s10+$0x0], $0xffff  }
0x1e9: {  	v16 =	vor.u32 v63, v3;
	v23 =	vld [tilespmem:$0x1FD80]  }
0x1ea: {  	v28 =	vor.u32 v45, v5;
	v45 =	vmov v51;
	v51 =	vld [tilespmem:$0x1FD90];
	[tilespmem:s29+$0x8410] =	vst v13  }
0x1eb: {  	v13 =	vor.u32 v36, v3;
	v14 =	vld.idx.msk [tilespmem:v14+s10+$0x0], $0xffff;
	[tilespmem:s30+$0x8420] =	vst v7  }
0x1ec: {  	v39 =	vor.u32 v35, v3;
	v8 =	vld.idx.msk [tilespmem:v37+s10+$0x0], $0xffff  }
0x1ed: {  	[tilespmem:s26+$0x8620] =	vst v15;
	v37 =	vld [tilespmem:$0x1FF00]  }
0x1ee: {  	v29 =	vor.u32 v18, v4;
	v15 =	vld.idx.msk [tilespmem:v16+s10+$0x0], $0xffff;
	[tilespmem:s26+$0x87A0] =	vst v12  }
0x1ef: {  	[tilespmem:s26+$0x86B0] =	vst v9;
	v9 =	vor.u32 v38, v5;
	v38 =	vld [tilespmem:$0x1FDF0]  }
0x1f0: {  	v12 =	vor.u32 v47, v3;
	v13 =	vld.idx.msk [tilespmem:v13+s10+$0x0], $0xffff  }
0x1f1: {  	v10 =	vld.idx.msk [tilespmem:v39+s10+$0x0], $0xffff  }
0x1f2: {  	v16 =	vor.u32 v0, v3;
	v39 =	vld [tilespmem:$0x1FE00];
	[tilespmem:s29+$0x8420] =	vst v14  }
0x1f3: {  	v14 =	vor.u32 v44, v3;
	v6 =	vld.idx.msk [tilespmem:v29+s10+$0x0], $0xffff  }
0x1f4: {  	v7 =	vor.u32 v19, v4;
	[tilespmem:s26+$0x8730] =	vst v11;
	v29 =	vld [tilespmem:$0x1FEF0]  }
0x1f5: {  	[tilespmem:s30+$0x8430] =	vst v8;
	v40 =	vor.u32 v38, v3;
	v12 =	vld.idx.msk [tilespmem:v12+s10+$0x0], $0xffff  }
0x1f6: {  	[tilespmem:s26+$0x8630] =	vst v15;
	v9 =	vld.idx.msk [tilespmem:v9+s10+$0x0], $0xffff  }
0x1f7: {  	v15 =	vld.idx.msk [tilespmem:v16+s10+$0x0], $0xffff;
	[tilespmem:s26+$0x87B0] =	vst v13;
	v13 =	vor.u32 v48, v3  }
0x1f8: {  	v14 =	vld.idx.msk [tilespmem:v14+s10+$0x0], $0xffff;
	[tilespmem:s29+$0x8430] =	vst v6  }
0x1f9: {  	[tilespmem:s26+$0x86C0] =	vst v10;
	v7 =	vld.idx.msk [tilespmem:v7+s10+$0x0], $0xffff  }
0x1fa: {  	v16 =	vor.u32 v22, v3;
	v11 =	vld.idx.msk [tilespmem:v40+s10+$0x0], $0xffff  }
0x1fb: {  	v6 =	vor.u32 v29, v3;
	[tilespmem:s26+$0x8740] =	vst v12;
	v40 =	vld [tilespmem:$0x1FE10]  }
0x1fc: {  	[tilespmem:s30+$0x8440] =	vst v9;
	v13 =	vld.idx.msk [tilespmem:v13+s10+$0x0], $0xffff  }
0x1fd: {  	v54 =	vor.u32 v54, v4;
	v10 =	vld.idx.msk [tilespmem:v28+s10+$0x0], $0xffff  }
0x1fe: {  	v12 =	vor.u32 v39, v3;
	[tilespmem:s26+$0x8640] =	vst v15;
	v28 =	vld [tilespmem:$0x1FE90]  }
0x1ff: {  	v15 =	vld.idx.msk [tilespmem:v16+s10+$0x0], $0xffff;
	[tilespmem:s26+$0x87C0] =	vst v14  }
0x200: {  	v6 =	vld.idx.msk [tilespmem:v6+s10+$0x0], $0xffff;
	[tilespmem:s29+$0x8440] =	vst v7  }
0x201: {  	v16 =	vor.u32 v23, v3;
	[tilespmem:s26+$0x86D0] =	vst v11;
	v11 =	vor.u32 v52, v5;
	v52 =	vld [tilespmem:$0x1FC50]  }
0x202: {  	v14 =	vor.u32 v49, v3;
	v8 =	vld.idx.msk [tilespmem:v54+s10+$0x0], $0xffff  }
0x203: {  	v17 =	vor.u32 v37, v3;
	v12 =	vld.idx.msk [tilespmem:v12+s10+$0x0], $0xffff  }
0x204: {  	v54 =	vld [tilespmem:$0x1FF70]  }
0x205: {  	[tilespmem:s26+$0x8650] =	vst v15;
	v15 =	vld [tilespmem:$0x1FF60]  }
0x206: {  	v9 =	vor.u32 v40, v3;
	[tilespmem:s26+$0x8750] =	vst v13;
	v16 =	vld.idx.msk [tilespmem:v16+s10+$0x0], $0xffff  }
0x207: {  	s31 =	sor.u32 $0xB, s28;
	v14 =	vld.idx.msk [tilespmem:v14+s10+$0x0], $0xffff;
	[tilespmem:s26+$0x87D0] =	vst v6  }
0x208: {  	v20 =	vor.u32 v53, v3;
	v19 =	vmov s31;
	v7 =	vor.u32 v51, v3;
	[tilespmem:s30+$0x8450] =	vst v10;
	v17 =	vld.idx.msk [tilespmem:v17+s10+$0x0], $0xffff  }
0x209: {  	s0 =	sor.u32 $0xA, s28;
	v19 =	vshrl.u32 v19, $0x3;
	v13 =	vor.u32 v28, v3;
	v10 =	vor.u32 v52, v5;
	v52 =	vld [tilespmem:$0x1FF90];
	[tilespmem:s29+$0x8450] =	vst v8  }
0x20a: {  	s23 =	sor.u32 $0xC, s28;
	v18 =	vmov s0;
	v50 =	vshll.u32 v19, v1;
	v11 =	vld.idx.msk [tilespmem:v11+s10+$0x0], $0xffff;
	v8 =	vor.u32 v54, v4;
	[tilespmem:s26+$0x86E0] =	vst v12  }
0x20b: {  	v15 =	vor.u32 v15, v4;
	v4 =	vbroadcast v50, $0x0;
	v50 =	vmov s23;
	v9 =	vld.idx.msk [tilespmem:v9+s10+$0x0], $0xffff  }
0x20c: {  	v18 =	vshrl.u32 v18, $0x3;
	v54 =	vshrl.u32 v50, $0x3;
	[tilespmem:s26+$0x8660] =	vst v16;
	v50 =	vld [tilespmem:$0x1FFA0]  }
0x20d: {  	s22 =	sor.u32 $0xE, s28;
	v18 =	vshll.u32 v18, v1;
	[tilespmem:s26+$0x8760] =	vst v14;
	v19 =	vld.idx.msk [tilespmem:v7+s10+$0x0], $0xffff  }
0x20e: {  	v3 =	vbroadcast v18, $0x0;
	v5 =	vshll.u32 v54, v1;
	v54 =	vmov s22;
	v13 =	vld.idx.msk [tilespmem:v13+s10+$0x0], $0xffff  }
0x20f: {  	s2 =	sor.u32 $0xD, s28;
	v7 =	vshrl.u32 v54, $0x3;
	[tilespmem:s26+$0x87E0] =	vst v17;
	v54 =	vld [tilespmem:$0x1FFE0]  }
0x210: {  	v18 =	vor.u32 v52, v3;
	v52 =	vmov s2;
	v14 =	vld.idx.msk [tilespmem:v20+s10+$0x0], $0xffff  }
0x211: {  	[tilespmem:s30+$0x8460] =	vst v11;
	v6 =	vshrl.u32 v52, $0x3;
	v15 =	vld.idx.msk [tilespmem:v15+s10+$0x0], $0xffff  }
0x212: {  	v10 =	vld.idx.msk [tilespmem:v10+s10+$0x0], $0xffff;
	v6 =	vshll.u32 v6, v1  }
0x213: {  	s1 =	sor.u32 $0xF, s28;
	v6 =	vbroadcast v6, $0x0;
	[tilespmem:s26+$0x8670] =	vst v19;
	v19 =	vld [tilespmem:$0x1FF40]  }
0x214: {  	v12 =	vmov s1;
	v5 =	vbroadcast v5, $0x0;
	v16 =	vor.u32 v50, v4;
	[tilespmem:s26+$0x8770] =	vst v13;
	v13 =	vld [tilespmem:$0x1FFC0]  }
0x215: {  	v12 =	vshrl.u32 v12, $0x3;
	v7 =	vshll.u32 v7, v1;
	v50 =	vor.u32 v31, v6;
	v52 =	vld.idx.msk [tilespmem:v18+s10+$0x0], $0xffff;
	[tilespmem:s26+$0x87F0] =	vst v14  }
0x216: {  	v12 =	vshll.u32 v12, v1;
	v7 =	vbroadcast v7, $0x0;
	v14 =	vld [tilespmem:$0x1FFD0];
	[tilespmem:s29+$0x8460] =	vst v15;
	v15 =	vor.u32 v60, v5  }
0x217: {  	v17 =	vld.idx.msk [tilespmem:v8+s10+$0x0], $0xffff;
	v8 =	vbroadcast v12, $0x0  }
0x218: {  	v60 =	vld [tilespmem:$0x1FC80];
	v12 =	vor.u32 v41, v7  }
0x219: {  	v16 =	vld.idx.msk [tilespmem:v16+s10+$0x0], $0xffff;
	v18 =	vor.u32 v26, v8  }
0x21a: {  	v13 =	vor.u32 v13, v3;
	v11 =	vld.idx.msk [tilespmem:v50+s10+$0x0], $0xffff  }
0x21b: {  	[tilespmem:s26+$0x86F0] =	vst v9;
	v14 =	vor.u32 v14, v4;
	v15 =	vld.idx.msk [tilespmem:v15+s10+$0x0], $0xffff  }
0x21c: {  	s0 =	sshll.u32 s0, $0x7;
	[tilespmem:s29+$0x8470] =	vst v17;
	v17 =	vor.u32 v61, v5;
	v61 =	vld [tilespmem:$0x1FC90]  }
0x21d: {  	v31 =	vor.u32 v32, v6;
	[tilespmem:s30+$0x8470] =	vst v10;
	s26 =	sand.u32 $0x3FFFFF80, s0;
	s29 =	sshll.u32 s31, $0x7;
	v12 =	vld.idx.msk [tilespmem:v12+s10+$0x0], $0xffff  }
0x21e: {  	v32 =	vor.u32 v42, v7;
	s30 =	sshll.u32 s23, $0x7;
	[tilespmem:s26+$0x8400] =	vst v52;
	s28 =	sand.u32 $0x3FFFFF80, s29;
	v18 =	vld.idx.msk [tilespmem:v18+s10+$0x0], $0xffff  }
0x21f: {  	s31 =	sshll.u32 s2, $0x7;
	v13 =	vld.idx.msk [tilespmem:v13+s10+$0x0], $0xffff;
	s29 =	sand.u32 $0x3FFFFF80, s30;
	[tilespmem:s28+$0x8400] =	vst v16;
	v16 =	vor.u32 v27, v8  }
0x220: {  	s2 =	sshll.u32 s22, $0x7;
	s30 =	sand.u32 $0x3FFFFF80, s31;
	v14 =	vld.idx.msk [tilespmem:v14+s10+$0x0], $0xffff;
	[tilespmem:s29+$0x8400] =	vst v15;
	v15 =	vor.u32 v24, v3  }
0x221: {  	s23 =	sshll.u32 s1, $0x7;
	v41 =	vor.u32 v21, v4;
	s22 =	sand.u32 $0x3FFFFF80, s2;
	[tilespmem:s30+$0x8400] =	vst v11;
	v17 =	vld.idx.msk [tilespmem:v17+s10+$0x0], $0xffff  }
0x222: {  	s0 =	sand.u32 $0x3FFFFF80, s23;
	v10 =	vld.idx.msk [tilespmem:v31+s10+$0x0], $0xffff;
	[tilespmem:s22+$0x8400] =	vst v12;
	v12 =	vor.u32 v62, v5  }
0x223: {  	v9 =	vld.idx.msk [tilespmem:v32+s10+$0x0], $0xffff;
	[tilespmem:s0+$0x8400] =	vst v18;
	v18 =	vor.u32 v33, v6  }
0x224: {  	[tilespmem:s26+$0x8410] =	vst v13;
	v13 =	vor.u32 v43, v7;
	v16 =	vld.idx.msk [tilespmem:v16+s10+$0x0], $0xffff  }
0x225: {  	[tilespmem:s28+$0x8410] =	vst v14;
	v14 =	vor.u32 v30, v8;
	v15 =	vld.idx.msk [tilespmem:v15+s10+$0x0], $0xffff  }
0x226: {  	v11 =	vld.idx.msk [tilespmem:v41+s10+$0x0], $0xffff;
	[tilespmem:s29+$0x8410] =	vst v17;
	v17 =	vor.u32 v25, v3  }
0x227: {  	v42 =	vor.u32 v45, v4;
	[tilespmem:s30+$0x8410] =	vst v10;
	v12 =	vld.idx.msk [tilespmem:v12+s10+$0x0], $0xffff  }
0x228: {  	v43 =	vor.u32 v63, v5;
	[tilespmem:s22+$0x8410] =	vst v9;
	v18 =	vld.idx.msk [tilespmem:v18+s10+$0x0], $0xffff  }
0x229: {  	v13 =	vld.idx.msk [tilespmem:v13+s10+$0x0], $0xffff;
	[tilespmem:s0+$0x8410] =	vst v16;
	v16 =	vor.u32 v34, v6  }
0x22a: {  	[tilespmem:s26+$0x8420] =	vst v15;
	v15 =	vor.u32 v46, v7;
	v14 =	vld.idx.msk [tilespmem:v14+s10+$0x0], $0xffff  }
0x22b: {  	[tilespmem:s28+$0x8420] =	vst v11;
	v46 =	vor.u32 v36, v8;
	v17 =	vld.idx.msk [tilespmem:v17+s10+$0x0], $0xffff  }
0x22c: {  	v10 =	vld.idx.msk [tilespmem:v42+s10+$0x0], $0xffff;
	[tilespmem:s29+$0x8420] =	vst v12;
	v12 =	vor.u32 v60, v3  }
0x22d: {  	[tilespmem:s30+$0x8420] =	vst v18;
	v18 =	vor.u32 v56, v4;
	v9 =	vld.idx.msk [tilespmem:v43+s10+$0x0], $0xffff  }
0x22e: {  	[tilespmem:s22+$0x8420] =	vst v13;
	v13 =	vor.u32 v0, v5;
	v16 =	vld.idx.msk [tilespmem:v16+s10+$0x0], $0xffff  }
0x22f: {  	[tilespmem:s0+$0x8420] =	vst v14;
	v14 =	vor.u32 v35, v6;
	v15 =	vld.idx.msk [tilespmem:v15+s10+$0x0], $0xffff  }
0x230: {  	[tilespmem:s26+$0x8430] =	vst v17;
	v17 =	vor.u32 v47, v7;
	v11 =	vld.idx.msk [tilespmem:v46+s10+$0x0], $0xffff  }
0x231: {  	[tilespmem:s28+$0x8430] =	vst v10;
	v47 =	vor.u32 v44, v8;
	v12 =	vld.idx.msk [tilespmem:v12+s10+$0x0], $0xffff  }
0x232: {  	v50 =	vor.u32 v61, v3;
	[tilespmem:s29+$0x8430] =	vst v9;
	v18 =	vld.idx.msk [tilespmem:v18+s10+$0x0], $0xffff  }
0x233: {  	[tilespmem:s30+$0x8430] =	vst v16;
	v16 =	vor.u32 v57, v4;
	v13 =	vld.idx.msk [tilespmem:v13+s10+$0x0], $0xffff  }
0x234: {  	[tilespmem:s22+$0x8430] =	vst v15;
	v15 =	vor.u32 v22, v5;
	v14 =	vld.idx.msk [tilespmem:v14+s10+$0x0], $0xffff  }
0x235: {  	v52 =	vor.u32 v38, v6;
	[tilespmem:s0+$0x8430] =	vst v11;
	v17 =	vld.idx.msk [tilespmem:v17+s10+$0x0], $0xffff  }
0x236: {  	[tilespmem:s26+$0x8440] =	vst v12;
	v12 =	vor.u32 v48, v7;
	v10 =	vld.idx.msk [tilespmem:v47+s10+$0x0], $0xffff  }
0x237: {  	v9 =	vld.idx.msk [tilespmem:v50+s10+$0x0], $0xffff;
	[tilespmem:s28+$0x8440] =	vst v18;
	v18 =	vor.u32 v29, v8  }
0x238: {  	[tilespmem:s29+$0x8440] =	vst v13;
	v13 =	vor.u32 v2, v3;
	v16 =	vld.idx.msk [tilespmem:v16+s10+$0x0], $0xffff  }
0x239: {  	[tilespmem:s30+$0x8440] =	vst v14;
	v15 =	vld.idx.msk [tilespmem:v15+s10+$0x0], $0xffff  }
0x23a: {  	v14 =	vor.u32 v58, v4;
	[tilespmem:s22+$0x8440] =	vst v17;
	v11 =	vld.idx.msk [tilespmem:v52+s10+$0x0], $0xffff  }
0x23b: {  	v17 =	vor.u32 v23, v5;
	[tilespmem:s0+$0x8440] =	vst v10;
	v12 =	vld.idx.msk [tilespmem:v12+s10+$0x0], $0xffff  }
0x23c: {  	[tilespmem:s26+$0x8450] =	vst v9;
	v18 =	vld.idx.msk [tilespmem:v18+s10+$0x0], $0xffff  }
0x23d: {  	v58 =	vor.u32 v39, v6;
	v13 =	vld.idx.msk [tilespmem:v13+s10+$0x0], $0xffff;
	[tilespmem:s28+$0x8450] =	vst v16  }
0x23e: {  	v62 =	vor.u32 v49, v7;
	[tilespmem:s29+$0x8450] =	vst v15;
	v15 =	vld [tilespmem:$0x1FF50]  }
0x23f: {  	v16 =	vor.u32 v37, v8;
	v14 =	vld.idx.msk [tilespmem:v14+s10+$0x0], $0xffff  }
0x240: {  	v3 =	vor.u32 v55, v3;
	v63 =	vld.idx.msk [tilespmem:v17+s10+$0x0], $0xffff  }
0x241: {  	v4 =	vor.u32 v59, v4;
	[tilespmem:s30+$0x8450] =	vst v11;
	v17 =	vld [tilespmem:$0x1FF20]  }
0x242: {  	v5 =	vor.u32 v51, v5;
	[tilespmem:s22+$0x8450] =	vst v12;
	v10 =	vld.idx.msk [tilespmem:v58+s10+$0x0], $0xffff  }
0x243: {  	v6 =	vor.u32 v40, v6;
	[tilespmem:s0+$0x8450] =	vst v18;
	v9 =	vld.idx.msk [tilespmem:v62+s10+$0x0], $0xffff  }
0x244: {  	v7 =	vor.u32 v28, v7;
	[tilespmem:s26+$0x8460] =	vst v13;
	v12 =	vld.idx.msk [tilespmem:v16+s10+$0x0], $0xffff  }
0x245: {  	v8 =	vor.u32 v53, v8;
	[tilespmem:s28+$0x8460] =	vst v14;
	v3 =	vld.idx.msk [tilespmem:v3+s10+$0x0], $0xffff  }
0x246: {  	[tilespmem:s29+$0x8460] =	vst v63;
	v4 =	vld.idx.msk [tilespmem:v4+s10+$0x0], $0xffff  }
0x247: {  	[tilespmem:s30+$0x8460] =	vst v10;
	v5 =	vld.idx.msk [tilespmem:v5+s10+$0x0], $0xffff  }
0x248: {  	[tilespmem:s22+$0x8460] =	vst v9;
	v6 =	vld.idx.msk [tilespmem:v6+s10+$0x0], $0xffff  }
0x249: {  	[tilespmem:s0+$0x8460] =	vst v12;
	v7 =	vld.idx.msk [tilespmem:v7+s10+$0x0], $0xffff  }
0x24a: {  	p1 =	por p0, p0;
	[tilespmem:s26+$0x8470] =	vst v3;
	v3 =	vld.idx.msk [tilespmem:v8+s10+$0x0], $0xffff  }
.Ltmp1:
0x24b: {  	v18 =	vld [tilespmem:$0x1FF30];
	[tilespmem:s28+$0x8470] =	vst v4;
	(pc) =	sbr.rel @p1 .LBB2_5-.Ltmp1, $4  }
0x24c: {  	v13 =	vld [tilespmem:$0x1FF70];
	[tilespmem:s29+$0x8470] =	vst v5  }
0x24d: {  	v16 =	vld [tilespmem:$0x1FF10];
	[tilespmem:s30+$0x8470] =	vst v6  }
0x24e: {  	v14 =	vld [tilespmem:$0x1FF80];
	[tilespmem:s22+$0x8470] =	vst v7  }
0x24f: {  	p0 =	por $0x0, $0x0;
	v2 =	vmov v53;
	v12 =	vld [tilespmem:$0x1FF60];
	s28 =	simm.s32 $0x10;
	[tilespmem:s0+$0x8470] =	vst v3  }
0x250: {  	s0 =	rddreg [dreg:$0x1e]  }
0x251: {  	s0 =	sadd.s32 s25, s0  }
0x252: {  	[hbm4b:s0+s7] =	stream.strided.scatter [tilespmem:s17], [sflag:$0x6], $0x1000, s14, s7, $0x38;
	[tilespmem:$0x9400] =	vst v63  }
0x253: {  	_ =	swait.ge [sflag:s18], $0x1000  }
0x254: {  	[sflag:s18] =	ssyncset.done $0x0  }
0x255: {  	[sflag:s18] =	ssyncadd.s32 $0xFFFFF000  }
0x256: {  	_ =	swait.ge [sflag:s19], $0x1000  }
0x257: {  	[sflag:s19] =	ssyncset.done $0x0;
	v62 =	vld [tilespmem:$0x1FCC0]  }
0x258: {  	s28 =	simm.s32 $0x0;
	p0 =	por $0x1, $0x1;
	v52 =	vmovc v60;
	v22 =	vmov v61;
	v59 =	vmov v56;
	v63 =	vmov v45;
	v50 =	vld [tilespmem:$0x1FC60];
	[sflag:s19] =	ssyncadd.s32 $0xFFFFF000  }
.LBB2_7:
0x259: {  	v0 =	vld [tilespmem:$0x1FFF0]  }
0x25a: {  	v6 =	vld [tilespmem:$0x1FF90]  }
0x25b: {  	v7 =	vld [tilespmem:$0x1FFA0]  }
0x25c: {  	v9 =	vld [tilespmem:$0x1FFB0]  }
0x25d: {  	v10 =	vld [tilespmem:$0x1FFC0]  }
0x25e: {  	v11 =	vld [tilespmem:$0x1FFD0]  }
0x25f: {  	v3 =	vmov s28;
	v48 =	vld [tilespmem:$0x1FE20]  }
0x260: {  	v24 =	vld [tilespmem:$0x1FDB0];
	v3 =	vshrl.u32 v3, $0x3  }
0x261: {  	v26 =	vld [tilespmem:$0x1FED0];
	v3 =	vshll.u32 v3, v1  }
0x262: {  	v23 =	vld [tilespmem:$0x1FD80];
	v3 =	vbroadcast v3, $0x0  }
0x263: {  	v27 =	vld [tilespmem:$0x1FE80]  }
0x264: {  	v45 =	vmov v50;
	v60 =	vor.u32 v50, v3;
	v50 =	vld [tilespmem:$0x1FC10]  }
0x265: {  	v4 =	vor.u32 v0, v3;
	v0 =	vld [tilespmem:$0x1FC20]  }
0x266: {  	v31 =	vor.u32 v25, v3;
	v25 =	vld [tilespmem:$0x1FC30]  }
0x267: {  	v6 =	vor.u32 v6, v3;
	v36 =	vor.u32 v52, v3;
	v52 =	vld [tilespmem:$0x1FC40]  }
0x268: {  	v5 =	vor.u32 v15, v3;
	v28 =	vor.u32 v62, v3;
	v62 =	vld [tilespmem:$0x1FD20]  }
0x269: {  	v15 =	vld [tilespmem:$0x1FF50]  }
0x26a: {  	v7 =	vor.u32 v7, v3;
	v32 =	vor.u32 v63, v3;
	v63 =	vld [tilespmem:$0x1FD30]  }
0x26b: {  	v4 =	vld.idx.msk [tilespmem:v4+s11+$0x0], $0xffff  }
0x26c: {  	v8 =	vor.u32 v16, v3;
	v6 =	vld.idx.msk [tilespmem:v6+s11+$0x0], $0xffff  }
0x26d: {  	v10 =	vor.u32 v10, v3;
	v5 =	vld.idx.msk [tilespmem:v5+s11+$0x0], $0xffff  }
0x26e: {  	s0 =	sshll.u32 s28, $0x7;
	v49 =	vmov v22;
	v9 =	vor.u32 v9, v3;
	v40 =	vor.u32 v22, v3;
	v22 =	vld [tilespmem:$0x1FD40]  }
0x26f: {  	s26 =	sand.u32 $0x3FFFFF80, s0;
	v7 =	vld.idx.msk [tilespmem:v7+s11+$0x0], $0xffff  }
0x270: {  	v21 =	vmov v59;
	v11 =	vor.u32 v11, v3;
	v37 =	vor.u32 v59, v3;
	v59 =	vld [tilespmem:$0x1FD50];
	[tilespmem:s26+$0x7400] =	vst v4  }
0x271: {  	v47 =	vor.u32 v13, v3;
	v13 =	vor.u32 v62, v3;
	[tilespmem:s26+$0x7500] =	vst v6;
	v4 =	vld.idx.msk [tilespmem:v8+s11+$0x0], $0xffff  }
0x272: {  	[tilespmem:s26+$0x7480] =	vst v5;
	v58 =	vld.idx.msk [tilespmem:v10+s11+$0x0], $0xffff  }
0x273: {  	v51 =	vor.u32 v17, v3;
	v53 =	vld.idx.msk [tilespmem:v9+s11+$0x0], $0xffff  }
0x274: {  	v56 =	vor.u32 v14, v3;
	v34 =	vor.u32 v0, v3;
	v0 =	vld [tilespmem:$0x1FC50];
	[tilespmem:s26+$0x7580] =	vst v7  }
0x275: {  	v61 =	vld.idx.msk [tilespmem:v11+s11+$0x0], $0xffff  }
0x276: {  	v13 =	vld.idx.msk [tilespmem:v13+s11+$0x0], $0xffff;
	[tilespmem:s26+$0x7410] =	vst v4  }
0x277: {  	[tilespmem:s26+$0x7510] =	vst v58;
	v58 =	vld [tilespmem:$0x1FD00]  }
0x278: {  	[tilespmem:s26+$0x7490] =	vst v53;
	v4 =	vld.idx.msk [tilespmem:v51+s11+$0x0], $0xffff  }
0x279: {  	v29 =	vor.u32 v18, v3;
	v6 =	vld.idx.msk [tilespmem:v56+s11+$0x0], $0xffff  }
0x27a: {  	v30 =	vor.u32 v50, v3;
	[tilespmem:s26+$0x7590] =	vst v61;
	v7 =	vld.idx.msk [tilespmem:v60+s11+$0x0], $0xffff  }
0x27b: {  	v10 =	vld.idx.msk [tilespmem:v28+s11+$0x0], $0xffff  }
0x27c: {  	v53 =	vld [tilespmem:$0x1FFB0]  }
0x27d: {  	v56 =	vmov v55;
	v55 =	vld [tilespmem:$0x1FCA0];
	[tilespmem:s26+$0x7420] =	vst v4  }
0x27e: {  	[tilespmem:s26+$0x74A0] =	vst v6;
	v4 =	vld.idx.msk [tilespmem:v29+s11+$0x0], $0xffff  }
0x27f: {  	v33 =	vor.u32 v19, v3;
	[tilespmem:s26+$0x7520] =	vst v7;
	v6 =	vld.idx.msk [tilespmem:v30+s11+$0x0], $0xffff  }
0x280: {  	[tilespmem:s26+$0x75A0] =	vst v10;
	v35 =	vld.idx.msk [tilespmem:v31+s11+$0x0], $0xffff  }
0x281: {  	v10 =	vld.idx.msk [tilespmem:v32+s11+$0x0], $0xffff  }
0x282: {  	v51 =	vld [tilespmem:$0x1FD10]  }
0x283: {  	v28 =	vor.u32 v0, v3;
	v0 =	vld [tilespmem:$0x1FFF0];
	[tilespmem:s26+$0x7430] =	vst v4  }
0x284: {  	[tilespmem:s26+$0x74B0] =	vst v6;
	v4 =	vld.idx.msk [tilespmem:v33+s11+$0x0], $0xffff  }
0x285: {  	s22 =	sor.u32 $0x8, s28;
	v38 =	vor.u32 v54, v3;
	[tilespmem:s26+$0x7530] =	vst v35;
	v6 =	vld.idx.msk [tilespmem:v34+s11+$0x0], $0xffff  }
0x286: {  	s1 =	sor.u32 $0x9, s28;
	v42 =	vor.u32 v12, v3;
	v12 =	vmov s22;
	v39 =	vor.u32 v25, v3;
	[tilespmem:s26+$0x75B0] =	vst v10;
	v8 =	vld.idx.msk [tilespmem:v36+s11+$0x0], $0xffff  }
0x287: {  	v31 =	vshrl.u32 v12, $0x3;
	v12 =	vmov s1;
	v10 =	vld.idx.msk [tilespmem:v37+s11+$0x0], $0xffff  }
0x288: {  	v41 =	vor.u32 v57, v3;
	v33 =	vshrl.u32 v12, $0x3;
	v36 =	vld [tilespmem:$0x1FF80]  }
0x289: {  	v5 =	vshll.u32 v33, v1;
	v33 =	vld [tilespmem:$0x1FDF0];
	[tilespmem:s26+$0x7440] =	vst v4  }
0x28a: {  	v5 =	vbroadcast v5, $0x0;
	[tilespmem:s26+$0x74C0] =	vst v6;
	v4 =	vld.idx.msk [tilespmem:v38+s11+$0x0], $0xffff  }
0x28b: {  	[tilespmem:s26+$0x7540] =	vst v8;
	v6 =	vld.idx.msk [tilespmem:v39+s11+$0x0], $0xffff  }
0x28c: {  	v15 =	vor.u32 v15, v5;
	[tilespmem:s26+$0x75C0] =	vst v10;
	v8 =	vld.idx.msk [tilespmem:v40+s11+$0x0], $0xffff  }
0x28d: {  	v10 =	vld.idx.msk [tilespmem:v41+s11+$0x0], $0xffff  }
0x28e: {  	v43 =	vor.u32 v52, v3;
	v40 =	vld [tilespmem:$0x1FDA0]  }
0x28f: {  	v44 =	vor.u32 v55, v3;
	v39 =	vld [tilespmem:$0x1FE30]  }
0x290: {  	v46 =	vor.u32 v58, v3;
	v41 =	vld [tilespmem:$0x1FE40]  }
0x291: {  	v15 =	vld.idx.msk [tilespmem:v15+s11+$0x0], $0xffff;
	[tilespmem:s26+$0x7450] =	vst v4  }
0x292: {  	[tilespmem:s26+$0x74D0] =	vst v6;
	v4 =	vld.idx.msk [tilespmem:v42+s11+$0x0], $0xffff  }
0x293: {  	[tilespmem:s26+$0x7550] =	vst v8;
	v32 =	vor.u32 v40, v3;
	v6 =	vld.idx.msk [tilespmem:v43+s11+$0x0], $0xffff  }
0x294: {  	v34 =	vor.u32 v48, v3;
	[tilespmem:s26+$0x75D0] =	vst v10;
	v8 =	vld.idx.msk [tilespmem:v44+s11+$0x0], $0xffff  }
0x295: {  	v10 =	vld.idx.msk [tilespmem:v46+s11+$0x0], $0xffff  }
0x296: {  	v44 =	vld [tilespmem:$0x1FEA0]  }
0x297: {  	v46 =	vld [tilespmem:$0x1FEB0]  }
0x298: {  	[tilespmem:s26+$0x74E0] =	vst v6;
	v6 =	vld.idx.msk [tilespmem:v32+s11+$0x0], $0xffff  }
0x299: {  	[tilespmem:s26+$0x7560] =	vst v8;
	v8 =	vld.idx.msk [tilespmem:v34+s11+$0x0], $0xffff  }
0x29a: {  	v29 =	vor.u32 v56, v3;
	[tilespmem:s26+$0x7460] =	vst v4;
	v4 =	vshll.u32 v31, v1;
	v31 =	vld [tilespmem:$0x1FDC0]  }
0x29b: {  	v30 =	vor.u32 v51, v3;
	v32 =	vld [tilespmem:$0x1FDD0]  }
0x29c: {  	v34 =	vld [tilespmem:$0x1FE10]  }
0x29d: {  	v14 =	vld.idx.msk [tilespmem:v47+s11+$0x0], $0xffff  }
0x29e: {  	v7 =	vld.idx.msk [tilespmem:v28+s11+$0x0], $0xffff  }
0x29f: {  	[tilespmem:s26+$0x75E0] =	vst v10;
	v9 =	vld.idx.msk [tilespmem:v29+s11+$0x0], $0xffff  }
0x2a0: {  	v35 =	vor.u32 v44, v3;
	v11 =	vld.idx.msk [tilespmem:v30+s11+$0x0], $0xffff  }
0x2a1: {  	v30 =	vld [tilespmem:$0x1FEC0]  }
0x2a2: {  	v42 =	vor.u32 v24, v3;
	v4 =	vbroadcast v4, $0x0;
	v28 =	vld [tilespmem:$0x1FE60]  }
0x2a3: {  	v43 =	vor.u32 v39, v3;
	v29 =	vld [tilespmem:$0x1FEF0]  }
0x2a4: {  	v12 =	vor.u32 v0, v4;
	v0 =	vld [tilespmem:$0x1FC20];
	[tilespmem:s26+$0x7680] =	vst v6  }
0x2a5: {  	v10 =	vld.idx.msk [tilespmem:v35+s11+$0x0], $0xffff;
	[tilespmem:s26+$0x7700] =	vst v8  }
0x2a6: {  	v6 =	vor.u32 v53, v5;
	v35 =	vld [tilespmem:$0x1FDE0];
	[tilespmem:s26+$0x7470] =	vst v14  }
0x2a7: {  	v14 =	vor.u32 v63, v3;
	[tilespmem:s26+$0x74F0] =	vst v7;
	v7 =	vld.idx.msk [tilespmem:v42+s11+$0x0], $0xffff  }
0x2a8: {  	s23 =	sshll.u32 s1, $0x7;
	v47 =	vor.u32 v46, v3;
	[tilespmem:s26+$0x7570] =	vst v9;
	v9 =	vld.idx.msk [tilespmem:v43+s11+$0x0], $0xffff  }
0x2a9: {  	s30 =	sand.u32 $0x3FFFFF80, s23;
	v42 =	vld [tilespmem:$0x1FE50]  }
0x2aa: {  	[tilespmem:s30+$0x7400] =	vst v15;
	v60 =	vor.u32 v31, v3;
	v12 =	vld.idx.msk [tilespmem:v12+s11+$0x0], $0xffff  }
0x2ab: {  	[tilespmem:s26+$0x7600] =	vst v13;
	v61 =	vor.u32 v41, v3;
	v6 =	vld.idx.msk [tilespmem:v6+s11+$0x0], $0xffff  }
0x2ac: {  	[tilespmem:s26+$0x7780] =	vst v10;
	v14 =	vld.idx.msk [tilespmem:v14+s11+$0x0], $0xffff  }
0x2ad: {  	[tilespmem:s26+$0x75F0] =	vst v11;
	v11 =	vld.idx.msk [tilespmem:v47+s11+$0x0], $0xffff  }
0x2ae: {  	v13 =	vor.u32 v16, v4;
	[tilespmem:s26+$0x7690] =	vst v7;
	v7 =	vor.u32 v36, v5;
	v36 =	vld [tilespmem:$0x1FEE0]  }
0x2af: {  	s0 =	sshll.u32 s22, $0x7;
	[tilespmem:s26+$0x7710] =	vst v9;
	v8 =	vld.idx.msk [tilespmem:v60+s11+$0x0], $0xffff  }
0x2b0: {  	s29 =	sand.u32 $0x3FFFFF80, s0;
	v16 =	vor.u32 v22, v3;
	v10 =	vld.idx.msk [tilespmem:v61+s11+$0x0], $0xffff  }
0x2b1: {  	v61 =	vld [tilespmem:$0x1FD60];
	[tilespmem:s29+$0x7400] =	vst v12;
	v12 =	vor.u32 v30, v3  }
0x2b2: {  	v37 =	vor.u32 v32, v3;
	v60 =	vld [tilespmem:$0x1FD70]  }
0x2b3: {  	v38 =	vor.u32 v42, v3;
	v13 =	vld.idx.msk [tilespmem:v13+s11+$0x0], $0xffff;
	[tilespmem:s30+$0x7410] =	vst v6  }
0x2b4: {  	[tilespmem:s26+$0x7610] =	vst v14;
	v14 =	vor.u32 v17, v4;
	v7 =	vld.idx.msk [tilespmem:v7+s11+$0x0], $0xffff  }
0x2b5: {  	[tilespmem:s26+$0x7790] =	vst v11;
	v15 =	vld.idx.msk [tilespmem:v16+s11+$0x0], $0xffff  }
0x2b6: {  	v47 =	vor.u32 v50, v5;
	[tilespmem:s26+$0x76A0] =	vst v8;
	v12 =	vld.idx.msk [tilespmem:v12+s11+$0x0], $0xffff  }
0x2b7: {  	v16 =	vor.u32 v59, v3;
	[tilespmem:s26+$0x7720] =	vst v10;
	v9 =	vld.idx.msk [tilespmem:v37+s11+$0x0], $0xffff  }
0x2b8: {  	v11 =	vld.idx.msk [tilespmem:v38+s11+$0x0], $0xffff;
	[tilespmem:s29+$0x7410] =	vst v13;
	v13 =	vor.u32 v26, v3  }
0x2b9: {  	v50 =	vor.u32 v35, v3;
	v14 =	vld.idx.msk [tilespmem:v14+s11+$0x0], $0xffff  }
0x2ba: {  	v43 =	vor.u32 v18, v4;
	v37 =	vor.u32 v0, v5;
	v0 =	vld [tilespmem:$0x1FD90];
	[tilespmem:s30+$0x7420] =	vst v7  }
0x2bb: {  	[tilespmem:s26+$0x7620] =	vst v15;
	v8 =	vld.idx.msk [tilespmem:v47+s11+$0x0], $0xffff  }
0x2bc: {  	v15 =	vld.idx.msk [tilespmem:v16+s11+$0x0], $0xffff;
	[tilespmem:s26+$0x77A0] =	vst v12;
	v12 =	vor.u32 v28, v3  }
0x2bd: {  	[tilespmem:s26+$0x76B0] =	vst v9;
	v13 =	vld.idx.msk [tilespmem:v13+s11+$0x0], $0xffff  }
0x2be: {  	v10 =	vld.idx.msk [tilespmem:v50+s11+$0x0], $0xffff;
	[tilespmem:s29+$0x7420] =	vst v14  }
0x2bf: {  	v16 =	vor.u32 v61, v3;
	v6 =	vld.idx.msk [tilespmem:v43+s11+$0x0], $0xffff  }
0x2c0: {  	v38 =	vor.u32 v33, v3;
	[tilespmem:s26+$0x7730] =	vst v11;
	v43 =	vld [tilespmem:$0x1FE70]  }
0x2c1: {  	[tilespmem:s30+$0x7430] =	vst v8;
	v12 =	vld.idx.msk [tilespmem:v12+s11+$0x0], $0xffff  }
0x2c2: {  	v14 =	vor.u32 v36, v3;
	v9 =	vld.idx.msk [tilespmem:v37+s11+$0x0], $0xffff  }
0x2c3: {  	v53 =	vor.u32 v19, v4;
	[tilespmem:s26+$0x7630] =	vst v15;
	v37 =	vld [tilespmem:$0x1FF00]  }
0x2c4: {  	v15 =	vld.idx.msk [tilespmem:v16+s11+$0x0], $0xffff;
	[tilespmem:s26+$0x76C0] =	vst v10  }
0x2c5: {  	v16 =	vor.u32 v60, v3;
	v11 =	vld.idx.msk [tilespmem:v38+s11+$0x0], $0xffff  }
0x2c6: {  	[tilespmem:s26+$0x77B0] =	vst v13;
	v38 =	vld [tilespmem:$0x1FE00]  }
0x2c7: {  	v14 =	vld.idx.msk [tilespmem:v14+s11+$0x0], $0xffff;
	v13 =	vor.u32 v43, v3;
	[tilespmem:s29+$0x7430] =	vst v6  }
0x2c8: {  	v47 =	vor.u32 v29, v3;
	v7 =	vld.idx.msk [tilespmem:v53+s11+$0x0], $0xffff  }
0x2c9: {  	v53 =	vor.u32 v25, v5;
	v25 =	vld [tilespmem:$0x1FC70];
	[tilespmem:s26+$0x7640] =	vst v15  }
0x2ca: {  	[tilespmem:s26+$0x7740] =	vst v12;
	v15 =	vld.idx.msk [tilespmem:v16+s11+$0x0], $0xffff  }
0x2cb: {  	[tilespmem:s26+$0x76D0] =	vst v11;
	v11 =	vor.u32 v52, v5;
	v52 =	vld [tilespmem:$0x1FC80]  }
0x2cc: {  	v50 =	vor.u32 v54, v4;
	[tilespmem:s26+$0x77C0] =	vst v14;
	v13 =	vld.idx.msk [tilespmem:v13+s11+$0x0], $0xffff  }
0x2cd: {  	v6 =	vld.idx.msk [tilespmem:v47+s11+$0x0], $0xffff  }
0x2ce: {  	[tilespmem:s30+$0x7440] =	vst v9;
	v47 =	vld [tilespmem:$0x1FE90]  }
0x2cf: {  	v16 =	vor.u32 v23, v3;
	v10 =	vld.idx.msk [tilespmem:v53+s11+$0x0], $0xffff  }
0x2d0: {  	v14 =	vor.u32 v27, v3;
	[tilespmem:s29+$0x7440] =	vst v7;
	v53 =	vld [tilespmem:$0x1FC50]  }
0x2d1: {  	v17 =	vor.u32 v37, v3;
	v8 =	vld.idx.msk [tilespmem:v50+s11+$0x0], $0xffff  }
0x2d2: {  	v12 =	vor.u32 v38, v3;
	v50 =	vld [tilespmem:$0x1FF70]  }
0x2d3: {  	[tilespmem:s26+$0x7650] =	vst v15;
	v15 =	vld [tilespmem:$0x1FF60]  }
0x2d4: {  	s31 =	sor.u32 $0xB, s28;
	v16 =	vld.idx.msk [tilespmem:v16+s11+$0x0], $0xffff;
	[tilespmem:s26+$0x7750] =	vst v13  }
0x2d5: {  	s0 =	sor.u32 $0xA, s28;
	v19 =	vmov s31;
	v7 =	vor.u32 v0, v3;
	[tilespmem:s26+$0x77D0] =	vst v6;
	v14 =	vld.idx.msk [tilespmem:v14+s11+$0x0], $0xffff  }
0x2d6: {  	v18 =	vmov s0;
	v19 =	vshrl.u32 v19, $0x3;
	v13 =	vor.u32 v47, v3;
	v17 =	vld.idx.msk [tilespmem:v17+s11+$0x0], $0xffff  }
0x2d7: {  	v20 =	vor.u32 v2, v3;
	v18 =	vshrl.u32 v18, $0x3;
	v54 =	vshll.u32 v19, v1;
	v12 =	vld.idx.msk [tilespmem:v12+s11+$0x0], $0xffff;
	[tilespmem:s30+$0x7450] =	vst v10  }
0x2d8: {  	s23 =	sor.u32 $0xC, s28;
	[tilespmem:s29+$0x7450] =	vst v8;
	v8 =	vor.u32 v50, v4;
	v15 =	vor.u32 v15, v4;
	v4 =	vbroadcast v54, $0x0;
	v54 =	vld [tilespmem:$0x1FF90]  }
0x2d9: {  	v18 =	vshll.u32 v18, v1;
	v6 =	vmov s23;
	v11 =	vld.idx.msk [tilespmem:v11+s11+$0x0], $0xffff;
	[tilespmem:s26+$0x7660] =	vst v16  }
0x2da: {  	s1 =	sor.u32 $0xD, s28;
	v9 =	vor.u32 v34, v3;
	v10 =	vor.u32 v53, v5;
	v53 =	vshrl.u32 v6, $0x3;
	v19 =	vld.idx.msk [tilespmem:v7+s11+$0x0], $0xffff;
	[tilespmem:s26+$0x7760] =	vst v14  }
0x2db: {  	v3 =	vbroadcast v18, $0x0;
	v5 =	vshll.u32 v53, v1;
	v53 =	vmov s1;
	[tilespmem:s26+$0x77E0] =	vst v17;
	v13 =	vld.idx.msk [tilespmem:v13+s11+$0x0], $0xffff  }
0x2dc: {  	v6 =	vshrl.u32 v53, $0x3;
	v14 =	vld.idx.msk [tilespmem:v20+s11+$0x0], $0xffff  }
0x2dd: {  	v6 =	vshll.u32 v6, v1;
	v18 =	vor.u32 v54, v3;
	v54 =	vld [tilespmem:$0x1FFA0]  }
0x2de: {  	[tilespmem:s26+$0x76E0] =	vst v12;
	v6 =	vbroadcast v6, $0x0;
	v15 =	vld.idx.msk [tilespmem:v15+s11+$0x0], $0xffff  }
0x2df: {  	v9 =	vld.idx.msk [tilespmem:v9+s11+$0x0], $0xffff;
	[tilespmem:s30+$0x7460] =	vst v11  }
0x2e0: {  	s22 =	sor.u32 $0xF, s28;
	v53 =	vor.u32 v40, v6;
	v10 =	vld.idx.msk [tilespmem:v10+s11+$0x0], $0xffff;
	[tilespmem:s26+$0x7670] =	vst v19  }
0x2e1: {  	v5 =	vbroadcast v5, $0x0;
	v12 =	vmov s22;
	v19 =	vld [tilespmem:$0x1FF40];
	[tilespmem:s26+$0x7770] =	vst v13  }
0x2e2: {  	s2 =	sor.u32 $0xE, s28;
	v12 =	vshrl.u32 v12, $0x3;
	v13 =	vld [tilespmem:$0x1FFC0];
	[tilespmem:s26+$0x77F0] =	vst v14;
	v16 =	vor.u32 v54, v4  }
0x2e3: {  	v12 =	vshll.u32 v12, v1;
	v14 =	vld [tilespmem:$0x1FFD0];
	v54 =	vmov s2;
	[tilespmem:s29+$0x7460] =	vst v15;
	v15 =	vor.u32 v62, v5  }
0x2e4: {  	v7 =	vshrl.u32 v54, $0x3;
	v17 =	vld.idx.msk [tilespmem:v8+s11+$0x0], $0xffff;
	v8 =	vbroadcast v12, $0x0  }
0x2e5: {  	v11 =	vld.idx.msk [tilespmem:v53+s11+$0x0], $0xffff;
	v7 =	vshll.u32 v7, v1  }
0x2e6: {  	v40 =	vld.idx.msk [tilespmem:v18+s11+$0x0], $0xffff;
	v7 =	vbroadcast v7, $0x0;
	v18 =	vor.u32 v44, v8  }
0x2e7: {  	v13 =	vor.u32 v13, v3;
	v16 =	vld.idx.msk [tilespmem:v16+s11+$0x0], $0xffff  }
0x2e8: {  	[tilespmem:s26+$0x76F0] =	vst v9;
	v12 =	vor.u32 v48, v7;
	v15 =	vld.idx.msk [tilespmem:v15+s11+$0x0], $0xffff  }
0x2e9: {  	s0 =	sshll.u32 s0, $0x7;
	v62 =	vld [tilespmem:$0x1FCC0];
	[tilespmem:s30+$0x7470] =	vst v10;
	v14 =	vor.u32 v14, v4  }
0x2ea: {  	s26 =	sand.u32 $0x3FFFFF80, s0;
	v48 =	vor.u32 v24, v6;
	[tilespmem:s29+$0x7470] =	vst v17;
	v17 =	vor.u32 v63, v5;
	v63 =	vld [tilespmem:$0x1FCD0];
	s29 =	sshll.u32 s31, $0x7  }
0x2eb: {  	s30 =	sshll.u32 s23, $0x7;
	[tilespmem:s26+$0x7400] =	vst v40;
	s28 =	sand.u32 $0x3FFFFF80, s29;
	v18 =	vld.idx.msk [tilespmem:v18+s11+$0x0], $0xffff  }
0x2ec: {  	s31 =	sshll.u32 s1, $0x7;
	s29 =	sand.u32 $0x3FFFFF80, s30;
	v13 =	vld.idx.msk [tilespmem:v13+s11+$0x0], $0xffff;
	[tilespmem:s28+$0x7400] =	vst v16;
	v16 =	vor.u32 v46, v8  }
0x2ed: {  	s30 =	sand.u32 $0x3FFFFF80, s31;
	v12 =	vld.idx.msk [tilespmem:v12+s11+$0x0], $0xffff;
	[tilespmem:s29+$0x7400] =	vst v15;
	v15 =	vor.u32 v45, v3  }
0x2ee: {  	s23 =	sshll.u32 s22, $0x7;
	v53 =	vor.u32 v39, v7;
	[tilespmem:s30+$0x7400] =	vst v11;
	v14 =	vld.idx.msk [tilespmem:v14+s11+$0x0], $0xffff  }
0x2ef: {  	s0 =	sand.u32 $0x3FFFFF80, s23;
	v39 =	vor.u32 v62, v4;
	v10 =	vld.idx.msk [tilespmem:v48+s11+$0x0], $0xffff  }
0x2f0: {  	s1 =	sshll.u32 s2, $0x7;
	v17 =	vld.idx.msk [tilespmem:v17+s11+$0x0], $0xffff;
	[tilespmem:s0+$0x7400] =	vst v18  }
0x2f1: {  	s2 =	sand.u32 $0x3FFFFF80, s1;
	v18 =	vor.u32 v31, v6;
	[tilespmem:s26+$0x7410] =	vst v13;
	v16 =	vld.idx.msk [tilespmem:v16+s11+$0x0], $0xffff  }
0x2f2: {  	[tilespmem:s2+$0x7400] =	vst v12;
	v12 =	vor.u32 v22, v5;
	v15 =	vld.idx.msk [tilespmem:v15+s11+$0x0], $0xffff  }
0x2f3: {  	v9 =	vld.idx.msk [tilespmem:v53+s11+$0x0], $0xffff;
	[tilespmem:s28+$0x7410] =	vst v14;
	v14 =	vor.u32 v30, v8  }
0x2f4: {  	v13 =	vor.u32 v41, v7;
	[tilespmem:s30+$0x7410] =	vst v10;
	v11 =	vld.idx.msk [tilespmem:v39+s11+$0x0], $0xffff  }
0x2f5: {  	v54 =	vld [tilespmem:$0x1FFE0];
	v40 =	vor.u32 v63, v4;
	[tilespmem:s29+$0x7410] =	vst v17  }
0x2f6: {  	v17 =	vor.u32 v25, v3;
	v18 =	vld.idx.msk [tilespmem:v18+s11+$0x0], $0xffff;
	[tilespmem:s0+$0x7410] =	vst v16  }
0x2f7: {  	v12 =	vld.idx.msk [tilespmem:v12+s11+$0x0], $0xffff;
	v16 =	vor.u32 v32, v6;
	[tilespmem:s26+$0x7420] =	vst v15  }
0x2f8: {  	v41 =	vor.u32 v59, v5;
	[tilespmem:s2+$0x7410] =	vst v9;
	v14 =	vld.idx.msk [tilespmem:v14+s11+$0x0], $0xffff  }
0x2f9: {  	v15 =	vor.u32 v42, v7;
	v42 =	vor.u32 v26, v8;
	v13 =	vld.idx.msk [tilespmem:v13+s11+$0x0], $0xffff;
	[tilespmem:s28+$0x7420] =	vst v11  }
0x2fa: {  	v10 =	vld.idx.msk [tilespmem:v40+s11+$0x0], $0xffff  }
0x2fb: {  	v17 =	vld.idx.msk [tilespmem:v17+s11+$0x0], $0xffff;
	[tilespmem:s30+$0x7420] =	vst v18;
	v18 =	vor.u32 v21, v4  }
0x2fc: {  	[tilespmem:s29+$0x7420] =	vst v12;
	v12 =	vor.u32 v52, v3;
	v16 =	vld.idx.msk [tilespmem:v16+s11+$0x0], $0xffff  }
0x2fd: {  	v9 =	vld.idx.msk [tilespmem:v41+s11+$0x0], $0xffff;
	[tilespmem:s0+$0x7420] =	vst v14;
	v14 =	vor.u32 v35, v6  }
0x2fe: {  	[tilespmem:s2+$0x7420] =	vst v13;
	v13 =	vor.u32 v61, v5;
	v11 =	vld.idx.msk [tilespmem:v42+s11+$0x0], $0xffff  }
0x2ff: {  	v44 =	vor.u32 v36, v8;
	v15 =	vld.idx.msk [tilespmem:v15+s11+$0x0], $0xffff;
	[tilespmem:s28+$0x7430] =	vst v10  }
0x300: {  	[tilespmem:s26+$0x7430] =	vst v17;
	v17 =	vor.u32 v28, v7;
	v18 =	vld.idx.msk [tilespmem:v18+s11+$0x0], $0xffff  }
0x301: {  	v12 =	vld.idx.msk [tilespmem:v12+s11+$0x0], $0xffff;
	[tilespmem:s30+$0x7430] =	vst v16;
	v16 =	vor.u32 v57, v4  }
0x302: {  	v46 =	vor.u32 v49, v3;
	[tilespmem:s29+$0x7430] =	vst v9;
	v14 =	vld.idx.msk [tilespmem:v14+s11+$0x0], $0xffff  }
0x303: {  	v48 =	vor.u32 v33, v6;
	v13 =	vld.idx.msk [tilespmem:v13+s11+$0x0], $0xffff;
	[tilespmem:s0+$0x7430] =	vst v11  }
0x304: {  	[tilespmem:s2+$0x7430] =	vst v15;
	v15 =	vor.u32 v60, v5;
	v10 =	vld.idx.msk [tilespmem:v44+s11+$0x0], $0xffff  }
0x305: {  	v17 =	vld.idx.msk [tilespmem:v17+s11+$0x0], $0xffff;
	[tilespmem:s28+$0x7440] =	vst v18;
	v18 =	vor.u32 v29, v8  }
0x306: {  	[tilespmem:s26+$0x7440] =	vst v12;
	v12 =	vor.u32 v43, v7;
	v16 =	vld.idx.msk [tilespmem:v16+s11+$0x0], $0xffff  }
0x307: {  	v9 =	vld.idx.msk [tilespmem:v46+s11+$0x0], $0xffff;
	[tilespmem:s30+$0x7440] =	vst v14;
	v14 =	vor.u32 v58, v4  }
0x308: {  	[tilespmem:s29+$0x7440] =	vst v13;
	v13 =	vor.u32 v55, v3;
	v11 =	vld.idx.msk [tilespmem:v48+s11+$0x0], $0xffff  }
0x309: {  	v15 =	vld.idx.msk [tilespmem:v15+s11+$0x0], $0xffff;
	[tilespmem:s0+$0x7440] =	vst v10  }
0x30a: {  	v58 =	vor.u32 v38, v6;
	[tilespmem:s2+$0x7440] =	vst v17;
	v18 =	vld.idx.msk [tilespmem:v18+s11+$0x0], $0xffff  }
0x30b: {  	v17 =	vor.u32 v23, v5;
	v12 =	vld.idx.msk [tilespmem:v12+s11+$0x0], $0xffff;
	[tilespmem:s28+$0x7450] =	vst v16  }
0x30c: {  	[tilespmem:s26+$0x7450] =	vst v9;
	v14 =	vld.idx.msk [tilespmem:v14+s11+$0x0], $0xffff  }
0x30d: {  	v60 =	vor.u32 v27, v7;
	v13 =	vld.idx.msk [tilespmem:v13+s11+$0x0], $0xffff;
	[tilespmem:s30+$0x7450] =	vst v11  }
0x30e: {  	v16 =	vor.u32 v37, v8;
	[tilespmem:s29+$0x7450] =	vst v15;
	v15 =	vld [tilespmem:$0x1FF50]  }
0x30f: {  	v3 =	vor.u32 v56, v3;
	v10 =	vld.idx.msk [tilespmem:v58+s11+$0x0], $0xffff  }
0x310: {  	v4 =	vor.u32 v51, v4;
	v61 =	vld.idx.msk [tilespmem:v17+s11+$0x0], $0xffff  }
0x311: {  	v6 =	vor.u32 v34, v6;
	v17 =	vld [tilespmem:$0x1FF20];
	[tilespmem:s2+$0x7450] =	vst v12  }
0x312: {  	v5 =	vor.u32 v0, v5;
	[tilespmem:s0+$0x7450] =	vst v18;
	v9 =	vld.idx.msk [tilespmem:v60+s11+$0x0], $0xffff  }
0x313: {  	v7 =	vor.u32 v47, v7;
	v12 =	vld.idx.msk [tilespmem:v16+s11+$0x0], $0xffff;
	[tilespmem:s26+$0x7460] =	vst v13  }
0x314: {  	v8 =	vor.u32 v2, v8;
	[tilespmem:s28+$0x7460] =	vst v14;
	v3 =	vld.idx.msk [tilespmem:v3+s11+$0x0], $0xffff  }
0x315: {  	v4 =	vld.idx.msk [tilespmem:v4+s11+$0x0], $0xffff;
	[tilespmem:s30+$0x7460] =	vst v10  }
0x316: {  	[tilespmem:s29+$0x7460] =	vst v61;
	v6 =	vld.idx.msk [tilespmem:v6+s11+$0x0], $0xffff  }
0x317: {  	v5 =	vld.idx.msk [tilespmem:v5+s11+$0x0], $0xffff;
	[tilespmem:s2+$0x7460] =	vst v9  }
0x318: {  	[tilespmem:s0+$0x7460] =	vst v12;
	v7 =	vld.idx.msk [tilespmem:v7+s11+$0x0], $0xffff  }
0x319: {  	p1 =	por p0, p0;
	[tilespmem:s26+$0x7470] =	vst v3;
	v3 =	vld.idx.msk [tilespmem:v8+s11+$0x0], $0xffff  }
.Ltmp2:
0x31a: {  	v18 =	vld [tilespmem:$0x1FF30];
	[tilespmem:s28+$0x7470] =	vst v4;
	(pc) =	sbr.rel @p1 .LBB2_7-.Ltmp2, $4  }
0x31b: {  	v16 =	vld [tilespmem:$0x1FF10];
	[tilespmem:s30+$0x7470] =	vst v6  }
0x31c: {  	v14 =	vld [tilespmem:$0x1FF80];
	[tilespmem:s29+$0x7470] =	vst v5  }
0x31d: {  	v13 =	vld [tilespmem:$0x1FF70];
	[tilespmem:s2+$0x7470] =	vst v7  }
0x31e: {  	p0 =	por $0x0, $0x0;
	v50 =	vmovc v45;
	v59 =	vmov v21;
	v22 =	vmov v49;
	v55 =	vmov v56;
	v12 =	vld [tilespmem:$0x1FF60];
	s28 =	simm.s32 $0x10;
	[tilespmem:s0+$0x7470] =	vst v3  }
0x31f: {  	s0 =	rddreg [dreg:$0x1f]  }
0x320: {  	s0 =	sadd.s32 s25, s0  }
0x321: {  	[hbm4b:s0+s7] =	stream.strided.scatter [tilespmem:s15], [sflag:$0x5], $0x1000, s14, s7, $0x38;
	[tilespmem:$0x9400] =	vst v63  }
0x322: {  	_ =	swait.ge [sflag:s20], $0x1000  }
0x323: {  	[sflag:s20] =	ssyncset.done $0x0  }
0x324: {  	[sflag:s20] =	ssyncadd.s32 $0xFFFFF000  }
0x325: {  	_ =	swait.ge [sflag:s21], $0x1000  }
0x326: {  	[sflag:s21] =	ssyncset.done $0x0  }
0x327: {  	s28 =	simm.s32 $0x0;
	p0 =	por $0x1, $0x1;
	[sflag:s21] =	ssyncadd.s32 $0xFFFFF000  }
.LBB2_9:
0x328: {  	v0 =	vld [tilespmem:$0x1FFF0]  }
0x329: {  	v6 =	vld [tilespmem:$0x1FF90]  }
0x32a: {  	v7 =	vld [tilespmem:$0x1FFA0]  }
0x32b: {  	v9 =	vld [tilespmem:$0x1FFB0]  }
0x32c: {  	v10 =	vld [tilespmem:$0x1FFC0]  }
0x32d: {  	v11 =	vld [tilespmem:$0x1FFD0]  }
0x32e: {  	v55 =	vld [tilespmem:$0x1FCA0]  }
0x32f: {  	v58 =	vld [tilespmem:$0x1FD00]  }
0x330: {  	v51 =	vld [tilespmem:$0x1FD10]  }
0x331: {  	v40 =	vld [tilespmem:$0x1FDA0]  }
0x332: {  	v48 =	vld [tilespmem:$0x1FE20]  }
0x333: {  	v44 =	vld [tilespmem:$0x1FEA0]  }
0x334: {  	v24 =	vld [tilespmem:$0x1FDB0]  }
0x335: {  	v39 =	vld [tilespmem:$0x1FE30]  }
0x336: {  	v46 =	vld [tilespmem:$0x1FEB0]  }
0x337: {  	v31 =	vld [tilespmem:$0x1FDC0]  }
0x338: {  	v41 =	vld [tilespmem:$0x1FE40]  }
0x339: {  	v30 =	vld [tilespmem:$0x1FEC0]  }
0x33a: {  	v32 =	vld [tilespmem:$0x1FDD0]  }
0x33b: {  	v42 =	vld [tilespmem:$0x1FE50]  }
0x33c: {  	v26 =	vld [tilespmem:$0x1FED0]  }
0x33d: {  	v3 =	vmov s28;
	v61 =	vld [tilespmem:$0x1FD60]  }
0x33e: {  	v35 =	vld [tilespmem:$0x1FDE0];
	v3 =	vshrl.u32 v3, $0x3  }
0x33f: {  	v28 =	vld [tilespmem:$0x1FE60];
	v3 =	vshll.u32 v3, v1  }
0x340: {  	v36 =	vld [tilespmem:$0x1FEE0];
	v3 =	vbroadcast v3, $0x0  }
0x341: {  	v60 =	vld [tilespmem:$0x1FD70]  }
0x342: {  	v33 =	vld [tilespmem:$0x1FDF0];
	v4 =	vor.u32 v0, v3  }
0x343: {  	v43 =	vld [tilespmem:$0x1FE70];
	v5 =	vor.u32 v15, v3  }
0x344: {  	v29 =	vld [tilespmem:$0x1FEF0];
	v6 =	vor.u32 v6, v3  }
0x345: {  	v23 =	vld [tilespmem:$0x1FD80];
	v7 =	vor.u32 v7, v3  }
0x346: {  	v38 =	vld [tilespmem:$0x1FE00]  }
0x347: {  	v4 =	vld.idx.msk [tilespmem:v4+s12+$0x0], $0xffff  }
0x348: {  	v8 =	vor.u32 v16, v3;
	v5 =	vld.idx.msk [tilespmem:v5+s12+$0x0], $0xffff  }
0x349: {  	v9 =	vor.u32 v9, v3;
	v6 =	vld.idx.msk [tilespmem:v6+s12+$0x0], $0xffff  }
0x34a: {  	s0 =	sshll.u32 s28, $0x7;
	v7 =	vld.idx.msk [tilespmem:v7+s12+$0x0], $0xffff  }
0x34b: {  	v27 =	vld [tilespmem:$0x1FE80];
	s26 =	sand.u32 $0x3FFFFF80, s0;
	v10 =	vor.u32 v10, v3  }
0x34c: {  	v37 =	vld [tilespmem:$0x1FF00];
	v11 =	vor.u32 v11, v3;
	[tilespmem:s26+$0x8400] =	vst v4  }
0x34d: {  	[tilespmem:s26+$0x8480] =	vst v5;
	v4 =	vld.idx.msk [tilespmem:v8+s12+$0x0], $0xffff  }
0x34e: {  	v5 =	vor.u32 v17, v3;
	[tilespmem:s26+$0x8500] =	vst v6;
	v8 =	vld.idx.msk [tilespmem:v9+s12+$0x0], $0xffff  }
0x34f: {  	v6 =	vor.u32 v14, v3;
	[tilespmem:s26+$0x8580] =	vst v7;
	v7 =	vor.u32 v50, v3;
	v50 =	vld [tilespmem:$0x1FC10]  }
0x350: {  	v9 =	vld.idx.msk [tilespmem:v10+s12+$0x0], $0xffff  }
0x351: {  	v10 =	vld.idx.msk [tilespmem:v11+s12+$0x0], $0xffff  }
0x352: {  	v34 =	vld [tilespmem:$0x1FE10];
	v11 =	vor.u32 v62, v3;
	[tilespmem:s26+$0x8410] =	vst v4  }
0x353: {  	[tilespmem:s26+$0x8490] =	vst v8;
	v4 =	vld.idx.msk [tilespmem:v5+s12+$0x0], $0xffff  }
0x354: {  	v5 =	vor.u32 v18, v3;
	v6 =	vld.idx.msk [tilespmem:v6+s12+$0x0], $0xffff  }
0x355: {  	v0 =	vld [tilespmem:$0x1FC20];
	[tilespmem:s26+$0x8510] =	vst v9;
	v8 =	vor.u32 v50, v3  }
0x356: {  	[tilespmem:s26+$0x8590] =	vst v10;
	v7 =	vld.idx.msk [tilespmem:v7+s12+$0x0], $0xffff  }
0x357: {  	v9 =	vor.u32 v25, v3;
	v10 =	vld.idx.msk [tilespmem:v11+s12+$0x0], $0xffff  }
0x358: {  	v47 =	vld [tilespmem:$0x1FE90];
	v11 =	vor.u32 v63, v3;
	[tilespmem:s26+$0x8420] =	vst v4  }
0x359: {  	[tilespmem:s26+$0x84A0] =	vst v6;
	v4 =	vld.idx.msk [tilespmem:v5+s12+$0x0], $0xffff  }
0x35a: {  	v5 =	vor.u32 v19, v3;
	v6 =	vld.idx.msk [tilespmem:v8+s12+$0x0], $0xffff  }
0x35b: {  	v25 =	vld [tilespmem:$0x1FC30];
	[tilespmem:s26+$0x8520] =	vst v7;
	v7 =	vor.u32 v0, v3  }
0x35c: {  	[tilespmem:s26+$0x85A0] =	vst v10;
	v8 =	vld.idx.msk [tilespmem:v9+s12+$0x0], $0xffff  }
0x35d: {  	v9 =	vor.u32 v52, v3;
	v10 =	vld.idx.msk [tilespmem:v11+s12+$0x0], $0xffff  }
0x35e: {  	v15 =	vld [tilespmem:$0x1FF50];
	v11 =	vor.u32 v59, v3;
	[tilespmem:s26+$0x8430] =	vst v4  }
0x35f: {  	[tilespmem:s26+$0x84B0] =	vst v6;
	v4 =	vld.idx.msk [tilespmem:v5+s12+$0x0], $0xffff  }
0x360: {  	v5 =	vor.u32 v54, v3;
	v6 =	vld.idx.msk [tilespmem:v7+s12+$0x0], $0xffff  }
0x361: {  	v52 =	vld [tilespmem:$0x1FC40];
	[tilespmem:s26+$0x8530] =	vst v8;
	v7 =	vor.u32 v25, v3  }
0x362: {  	[tilespmem:s26+$0x85B0] =	vst v10;
	v8 =	vld.idx.msk [tilespmem:v9+s12+$0x0], $0xffff  }
0x363: {  	v9 =	vor.u32 v22, v3;
	v10 =	vld.idx.msk [tilespmem:v11+s12+$0x0], $0xffff  }
0x364: {  	v62 =	vld [tilespmem:$0x1FD20];
	v11 =	vor.u32 v57, v3;
	[tilespmem:s26+$0x8440] =	vst v4  }
0x365: {  	[tilespmem:s26+$0x84C0] =	vst v6;
	v4 =	vld.idx.msk [tilespmem:v5+s12+$0x0], $0xffff  }
0x366: {  	v5 =	vor.u32 v12, v3;
	v6 =	vld.idx.msk [tilespmem:v7+s12+$0x0], $0xffff  }
0x367: {  	v0 =	vld [tilespmem:$0x1FC50];
	[tilespmem:s26+$0x8540] =	vst v8;
	v7 =	vor.u32 v52, v3  }
0x368: {  	[tilespmem:s26+$0x85C0] =	vst v10;
	v8 =	vld.idx.msk [tilespmem:v9+s12+$0x0], $0xffff  }
0x369: {  	v9 =	vor.u32 v55, v3;
	v10 =	vld.idx.msk [tilespmem:v11+s12+$0x0], $0xffff  }
0x36a: {  	v63 =	vld [tilespmem:$0x1FD30];
	v11 =	vor.u32 v58, v3;
	[tilespmem:s26+$0x8450] =	vst v4  }
0x36b: {  	[tilespmem:s26+$0x84D0] =	vst v6;
	v4 =	vld.idx.msk [tilespmem:v5+s12+$0x0], $0xffff  }
0x36c: {  	v5 =	vor.u32 v13, v3;
	v6 =	vld.idx.msk [tilespmem:v7+s12+$0x0], $0xffff;
	v13 =	vor.u32 v62, v3  }
0x36d: {  	v59 =	vld [tilespmem:$0x1FD50];
	[tilespmem:s26+$0x8550] =	vst v8  }
0x36e: {  	[tilespmem:s26+$0x85D0] =	vst v10;
	v7 =	vor.u32 v0, v3;
	v8 =	vld.idx.msk [tilespmem:v9+s12+$0x0], $0xffff  }
0x36f: {  	s22 =	sor.u32 $0x8, s28;
	v9 =	vor.u32 v56, v3;
	v10 =	vld.idx.msk [tilespmem:v11+s12+$0x0], $0xffff  }
0x370: {  	v12 =	vmov s22;
	v11 =	vor.u32 v51, v3;
	v0 =	vld [tilespmem:$0x1FFF0];
	[tilespmem:s26+$0x8460] =	vst v4  }
0x371: {  	v4 =	vshrl.u32 v12, $0x3;
	[tilespmem:s26+$0x84E0] =	vst v6;
	v6 =	vor.u32 v40, v3;
	v13 =	vld.idx.msk [tilespmem:v13+s12+$0x0], $0xffff  }
0x372: {  	v14 =	vld.idx.msk [tilespmem:v5+s12+$0x0], $0xffff;
	v4 =	vshll.u32 v4, v1  }
0x373: {  	s1 =	sor.u32 $0x9, s28;
	[tilespmem:s26+$0x8560] =	vst v8;
	v8 =	vor.u32 v48, v3;
	v7 =	vld.idx.msk [tilespmem:v7+s12+$0x0], $0xffff;
	v4 =	vbroadcast v4, $0x0  }
0x374: {  	v12 =	vmov s1;
	[tilespmem:s26+$0x85E0] =	vst v10;
	v10 =	vor.u32 v44, v3;
	v9 =	vld.idx.msk [tilespmem:v9+s12+$0x0], $0xffff  }
0x375: {  	v5 =	vshrl.u32 v12, $0x3;
	v11 =	vld.idx.msk [tilespmem:v11+s12+$0x0], $0xffff;
	v12 =	vor.u32 v0, v4  }
0x376: {  	v5 =	vshll.u32 v5, v1;
	v6 =	vld.idx.msk [tilespmem:v6+s12+$0x0], $0xffff;
	[tilespmem:s26+$0x8600] =	vst v13  }
0x377: {  	v22 =	vld [tilespmem:$0x1FD40];
	v5 =	vbroadcast v5, $0x0;
	[tilespmem:s26+$0x8470] =	vst v14;
	v14 =	vor.u32 v63, v3  }
0x378: {  	v8 =	vld.idx.msk [tilespmem:v8+s12+$0x0], $0xffff;
	[tilespmem:s26+$0x84F0] =	vst v7;
	v7 =	vor.u32 v24, v3  }
0x379: {  	v15 =	vor.u32 v15, v5;
	v10 =	vld.idx.msk [tilespmem:v10+s12+$0x0], $0xffff;
	[tilespmem:s26+$0x8570] =	vst v9  }
0x37a: {  	v9 =	vor.u32 v39, v3;
	[tilespmem:s26+$0x85F0] =	vst v11;
	v12 =	vld.idx.msk [tilespmem:v12+s12+$0x0], $0xffff  }
0x37b: {  	v11 =	vor.u32 v46, v3;
	[tilespmem:s26+$0x8680] =	vst v6;
	v6 =	vld [tilespmem:$0x1FFB0]  }
0x37c: {  	v13 =	vor.u32 v16, v4;
	v14 =	vld.idx.msk [tilespmem:v14+s12+$0x0], $0xffff  }
0x37d: {  	v7 =	vld.idx.msk [tilespmem:v7+s12+$0x0], $0xffff  }
0x37e: {  	s0 =	sshll.u32 s22, $0x7;
	v16 =	vor.u32 v22, v3;
	v15 =	vld.idx.msk [tilespmem:v15+s12+$0x0], $0xffff;
	[tilespmem:s26+$0x8700] =	vst v8  }
0x37f: {  	s29 =	sand.u32 $0x3FFFFF80, s0;
	v8 =	vor.u32 v31, v3;
	[tilespmem:s26+$0x8780] =	vst v10;
	v9 =	vld.idx.msk [tilespmem:v9+s12+$0x0], $0xffff  }
0x380: {  	v11 =	vld.idx.msk [tilespmem:v11+s12+$0x0], $0xffff;
	[tilespmem:s29+$0x8400] =	vst v12  }
0x381: {  	s23 =	sshll.u32 s1, $0x7;
	v6 =	vor.u32 v6, v5;
	v13 =	vld.idx.msk [tilespmem:v13+s12+$0x0], $0xffff;
	[tilespmem:s26+$0x8610] =	vst v14  }
0x382: {  	s30 =	sand.u32 $0x3FFFFF80, s23;
	v10 =	vor.u32 v41, v3;
	[tilespmem:s26+$0x8690] =	vst v7;
	v7 =	vld [tilespmem:$0x1FF80]  }
0x383: {  	v12 =	vor.u32 v30, v3;
	[tilespmem:s30+$0x8400] =	vst v15;
	v15 =	vld.idx.msk [tilespmem:v16+s12+$0x0], $0xffff  }
0x384: {  	v16 =	vor.u32 v59, v3;
	v8 =	vld.idx.msk [tilespmem:v8+s12+$0x0], $0xffff  }
0x385: {  	v0 =	vld [tilespmem:$0x1FC20];
	[tilespmem:s26+$0x8710] =	vst v9;
	v9 =	vor.u32 v32, v3  }
0x386: {  	v14 =	vor.u32 v17, v4;
	[tilespmem:s26+$0x8790] =	vst v11;
	v6 =	vld.idx.msk [tilespmem:v6+s12+$0x0], $0xffff  }
0x387: {  	v10 =	vld.idx.msk [tilespmem:v10+s12+$0x0], $0xffff;
	[tilespmem:s29+$0x8410] =	vst v13;
	v7 =	vor.u32 v7, v5  }
0x388: {  	v11 =	vor.u32 v42, v3;
	v12 =	vld.idx.msk [tilespmem:v12+s12+$0x0], $0xffff;
	[tilespmem:s26+$0x8620] =	vst v15  }
0x389: {  	v13 =	vor.u32 v26, v3;
	[tilespmem:s26+$0x86A0] =	vst v8;
	v15 =	vld.idx.msk [tilespmem:v16+s12+$0x0], $0xffff  }
0x38a: {  	v9 =	vld.idx.msk [tilespmem:v9+s12+$0x0], $0xffff  }
0x38b: {  	v14 =	vld.idx.msk [tilespmem:v14+s12+$0x0], $0xffff;
	v16 =	vor.u32 v61, v3;
	[tilespmem:s30+$0x8410] =	vst v6  }
0x38c: {  	[tilespmem:s26+$0x8720] =	vst v10;
	v10 =	vor.u32 v35, v3;
	v7 =	vld.idx.msk [tilespmem:v7+s12+$0x0], $0xffff  }
0x38d: {  	v8 =	vor.u32 v50, v5;
	v11 =	vld.idx.msk [tilespmem:v11+s12+$0x0], $0xffff;
	[tilespmem:s26+$0x87A0] =	vst v12  }
0x38e: {  	v6 =	vor.u32 v18, v4;
	v13 =	vld.idx.msk [tilespmem:v13+s12+$0x0], $0xffff;
	[tilespmem:s26+$0x8630] =	vst v15  }
0x38f: {  	v12 =	vor.u32 v28, v3;
	[tilespmem:s26+$0x86B0] =	vst v9;
	v9 =	vor.u32 v0, v5;
	v0 =	vld [tilespmem:$0x1FD90]  }
0x390: {  	[tilespmem:s29+$0x8420] =	vst v14;
	v14 =	vor.u32 v36, v3;
	v15 =	vld.idx.msk [tilespmem:v16+s12+$0x0], $0xffff  }
0x391: {  	v10 =	vld.idx.msk [tilespmem:v10+s12+$0x0], $0xffff;
	[tilespmem:s30+$0x8420] =	vst v7  }
0x392: {  	v16 =	vor.u32 v60, v3;
	v8 =	vld.idx.msk [tilespmem:v8+s12+$0x0], $0xffff  }
0x393: {  	[tilespmem:s26+$0x8730] =	vst v11;
	v6 =	vld.idx.msk [tilespmem:v6+s12+$0x0], $0xffff  }
0x394: {  	v11 =	vor.u32 v33, v3;
	v12 =	vld.idx.msk [tilespmem:v12+s12+$0x0], $0xffff;
	[tilespmem:s26+$0x87B0] =	vst v13  }
0x395: {  	v13 =	vor.u32 v43, v3;
	v14 =	vld.idx.msk [tilespmem:v14+s12+$0x0], $0xffff;
	[tilespmem:s26+$0x8640] =	vst v15  }
0x396: {  	v7 =	vor.u32 v19, v4;
	[tilespmem:s26+$0x86C0] =	vst v10;
	v10 =	vor.u32 v25, v5;
	v25 =	vld [tilespmem:$0x1FC70]  }
0x397: {  	v15 =	vld.idx.msk [tilespmem:v16+s12+$0x0], $0xffff;
	[tilespmem:s30+$0x8430] =	vst v8  }
0x398: {  	[tilespmem:s29+$0x8430] =	vst v6;
	v6 =	vor.u32 v29, v3;
	v9 =	vld.idx.msk [tilespmem:v9+s12+$0x0], $0xffff  }
0x399: {  	[tilespmem:s26+$0x8740] =	vst v12;
	v11 =	vld.idx.msk [tilespmem:v11+s12+$0x0], $0xffff  }
0x39a: {  	v13 =	vld.idx.msk [tilespmem:v13+s12+$0x0], $0xffff  }
0x39b: {  	v7 =	vld.idx.msk [tilespmem:v7+s12+$0x0], $0xffff  }
0x39c: {  	v16 =	vor.u32 v23, v3;
	[tilespmem:s26+$0x87C0] =	vst v14;
	v8 =	vor.u32 v54, v4;
	v54 =	vld [tilespmem:$0x1FFE0]  }
0x39d: {  	v6 =	vld.idx.msk [tilespmem:v6+s12+$0x0], $0xffff;
	[tilespmem:s30+$0x8440] =	vst v9  }
0x39e: {  	v10 =	vld.idx.msk [tilespmem:v10+s12+$0x0], $0xffff  }
0x39f: {  	v14 =	vor.u32 v27, v3;
	[tilespmem:s26+$0x8650] =	vst v15;
	v15 =	vld [tilespmem:$0x1FF60]  }
0x3a0: {  	v12 =	vor.u32 v38, v3;
	[tilespmem:s26+$0x86D0] =	vst v11;
	v11 =	vor.u32 v52, v5;
	v52 =	vld [tilespmem:$0x1FC80]  }
0x3a1: {  	v17 =	vor.u32 v37, v3;
	[tilespmem:s29+$0x8440] =	vst v7;
	v16 =	vld.idx.msk [tilespmem:v16+s12+$0x0], $0xffff  }
0x3a2: {  	[tilespmem:s26+$0x8750] =	vst v13;
	v8 =	vld.idx.msk [tilespmem:v8+s12+$0x0], $0xffff  }
0x3a3: {  	[tilespmem:s30+$0x8450] =	vst v10;
	v10 =	vld [tilespmem:$0x1FC50]  }
0x3a4: {  	v7 =	vor.u32 v0, v3;
	v14 =	vld.idx.msk [tilespmem:v14+s12+$0x0], $0xffff  }
0x3a5: {  	v13 =	vor.u32 v47, v3;
	v12 =	vld.idx.msk [tilespmem:v12+s12+$0x0], $0xffff;
	[tilespmem:s26+$0x87D0] =	vst v6  }
0x3a6: {  	s31 =	sor.u32 $0xB, s28;
	v15 =	vor.u32 v15, v4;
	v17 =	vld.idx.msk [tilespmem:v17+s12+$0x0], $0xffff  }
0x3a7: {  	s0 =	sor.u32 $0xA, s28;
	v19 =	vmov s31;
	[tilespmem:s29+$0x8450] =	vst v8;
	v8 =	vld [tilespmem:$0x1FF70]  }
0x3a8: {  	v18 =	vmov s0;
	v19 =	vshrl.u32 v19, $0x3;
	[tilespmem:s26+$0x8660] =	vst v16;
	v10 =	vor.u32 v10, v5;
	v5 =	vld [tilespmem:$0x1FF90]  }
0x3a9: {  	v20 =	vor.u32 v2, v3;
	v18 =	vshrl.u32 v18, $0x3;
	v6 =	vshll.u32 v19, v1;
	[tilespmem:s26+$0x8760] =	vst v14;
	v19 =	vld.idx.msk [tilespmem:v7+s12+$0x0], $0xffff  }
0x3aa: {  	s2 =	sor.u32 $0xE, s28;
	v18 =	vshll.u32 v18, v1;
	v9 =	vor.u32 v34, v3;
	v13 =	vld.idx.msk [tilespmem:v13+s12+$0x0], $0xffff  }
0x3ab: {  	s23 =	sor.u32 $0xC, s28;
	v3 =	vbroadcast v18, $0x0;
	v7 =	vmov s2;
	v15 =	vld.idx.msk [tilespmem:v15+s12+$0x0], $0xffff  }
0x3ac: {  	v11 =	vld.idx.msk [tilespmem:v11+s12+$0x0], $0xffff;
	v8 =	vor.u32 v8, v4;
	v4 =	vbroadcast v6, $0x0;
	v6 =	vmov s23  }
0x3ad: {  	s22 =	sor.u32 $0xF, s28;
	v7 =	vshrl.u32 v7, $0x3;
	[tilespmem:s26+$0x87E0] =	vst v17;
	v18 =	vor.u32 v5, v3;
	v5 =	vshrl.u32 v6, $0x3;
	v6 =	vld [tilespmem:$0x1FFA0]  }
0x3ae: {  	[tilespmem:s26+$0x86E0] =	vst v12;
	v12 =	vmov s22;
	v7 =	vshll.u32 v7, v1;
	v14 =	vld.idx.msk [tilespmem:v20+s12+$0x0], $0xffff  }
0x3af: {  	v12 =	vshrl.u32 v12, $0x3;
	v9 =	vld.idx.msk [tilespmem:v9+s12+$0x0], $0xffff;
	v7 =	vbroadcast v7, $0x0;
	[tilespmem:s26+$0x8770] =	vst v13;
	v5 =	vshll.u32 v5, v1  }
0x3b0: {  	v12 =	vshll.u32 v12, v1;
	v13 =	vld [tilespmem:$0x1FFC0];
	[tilespmem:s29+$0x8460] =	vst v15;
	v5 =	vbroadcast v5, $0x0  }
0x3b1: {  	s1 =	sor.u32 $0xD, s28;
	[tilespmem:s26+$0x8670] =	vst v19;
	v17 =	vld.idx.msk [tilespmem:v8+s12+$0x0], $0xffff;
	v8 =	vbroadcast v12, $0x0;
	v12 =	vor.u32 v48, v7  }
0x3b2: {  	v19 =	vld [tilespmem:$0x1FF40];
	[tilespmem:s30+$0x8460] =	vst v11;
	v15 =	vor.u32 v62, v5;
	v16 =	vor.u32 v6, v4;
	v6 =	vmov s1  }
0x3b3: {  	[tilespmem:s26+$0x87F0] =	vst v14;
	v14 =	vld [tilespmem:$0x1FFD0];
	v6 =	vshrl.u32 v6, $0x3  }
0x3b4: {  	v10 =	vld.idx.msk [tilespmem:v10+s12+$0x0], $0xffff;
	v6 =	vshll.u32 v6, v1  }
0x3b5: {  	[tilespmem:s26+$0x86F0] =	vst v9;
	v9 =	vld.idx.msk [tilespmem:v18+s12+$0x0], $0xffff;
	v6 =	vbroadcast v6, $0x0  }
0x3b6: {  	v13 =	vor.u32 v13, v3;
	v12 =	vld.idx.msk [tilespmem:v12+s12+$0x0], $0xffff  }
0x3b7: {  	v15 =	vld.idx.msk [tilespmem:v15+s12+$0x0], $0xffff;
	v11 =	vor.u32 v40, v6  }
0x3b8: {  	s0 =	sshll.u32 s0, $0x7;
	[tilespmem:s29+$0x8470] =	vst v17;
	v62 =	vld [tilespmem:$0x1FCC0];
	v17 =	vor.u32 v63, v5  }
0x3b9: {  	s26 =	sand.u32 $0x3FFFFF80, s0;
	v63 =	vld [tilespmem:$0x1FCD0];
	v18 =	vor.u32 v44, v8;
	[tilespmem:s30+$0x8470] =	vst v10  }
0x3ba: {  	s29 =	sshll.u32 s31, $0x7;
	s30 =	sshll.u32 s23, $0x7;
	v16 =	vld.idx.msk [tilespmem:v16+s12+$0x0], $0xffff;
	[tilespmem:s26+$0x8400] =	vst v9;
	v9 =	vor.u32 v39, v7  }
0x3bb: {  	v14 =	vor.u32 v14, v4;
	s28 =	sand.u32 $0x3FFFFF80, s29;
	s29 =	sand.u32 $0x3FFFFF80, s30;
	v13 =	vld.idx.msk [tilespmem:v13+s12+$0x0], $0xffff  }
0x3bc: {  	s31 =	sshll.u32 s1, $0x7;
	s1 =	sshll.u32 s2, $0x7;
	[tilespmem:s29+$0x8400] =	vst v15;
	v15 =	vor.u32 v45, v3;
	v11 =	vld.idx.msk [tilespmem:v11+s12+$0x0], $0xffff  }
0x3bd: {  	s2 =	sand.u32 $0x3FFFFF80, s1;
	v10 =	vor.u32 v24, v6;
	v17 =	vld.idx.msk [tilespmem:v17+s12+$0x0], $0xffff  }
0x3be: {  	[tilespmem:s2+$0x8400] =	vst v12;
	v12 =	vor.u32 v22, v5;
	v18 =	vld.idx.msk [tilespmem:v18+s12+$0x0], $0xffff  }
0x3bf: {  	[tilespmem:s28+$0x8400] =	vst v16;
	v16 =	vor.u32 v46, v8;
	v9 =	vld.idx.msk [tilespmem:v9+s12+$0x0], $0xffff  }
0x3c0: {  	s30 =	sand.u32 $0x3FFFFF80, s31;
	v14 =	vld.idx.msk [tilespmem:v14+s12+$0x0], $0xffff;
	[tilespmem:s26+$0x8410] =	vst v13;
	v13 =	vor.u32 v41, v7  }
0x3c1: {  	s23 =	sshll.u32 s22, $0x7;
	v15 =	vld.idx.msk [tilespmem:v15+s12+$0x0], $0xffff;
	[tilespmem:s30+$0x8400] =	vst v11;
	v11 =	vor.u32 v62, v4  }
0x3c2: {  	s0 =	sand.u32 $0x3FFFFF80, s23;
	[tilespmem:s29+$0x8410] =	vst v17;
	v17 =	vor.u32 v25, v3;
	v10 =	vld.idx.msk [tilespmem:v10+s12+$0x0], $0xffff  }
0x3c3: {  	[tilespmem:s0+$0x8400] =	vst v18;
	v18 =	vor.u32 v31, v6;
	v12 =	vld.idx.msk [tilespmem:v12+s12+$0x0], $0xffff  }
0x3c4: {  	v16 =	vld.idx.msk [tilespmem:v16+s12+$0x0], $0xffff;
	[tilespmem:s2+$0x8410] =	vst v9;
	v9 =	vor.u32 v59, v5  }
0x3c5: {  	[tilespmem:s28+$0x8410] =	vst v14;
	v14 =	vor.u32 v30, v8;
	v13 =	vld.idx.msk [tilespmem:v13+s12+$0x0], $0xffff  }
0x3c6: {  	[tilespmem:s26+$0x8420] =	vst v15;
	v15 =	vor.u32 v42, v7;
	v11 =	vld.idx.msk [tilespmem:v11+s12+$0x0], $0xffff  }
0x3c7: {  	v17 =	vld.idx.msk [tilespmem:v17+s12+$0x0], $0xffff;
	[tilespmem:s30+$0x8410] =	vst v10;
	v10 =	vor.u32 v63, v4  }
0x3c8: {  	[tilespmem:s29+$0x8420] =	vst v12;
	v12 =	vor.u32 v52, v3;
	v18 =	vld.idx.msk [tilespmem:v18+s12+$0x0], $0xffff  }
0x3c9: {  	[tilespmem:s0+$0x8410] =	vst v16;
	v16 =	vor.u32 v32, v6;
	v9 =	vld.idx.msk [tilespmem:v9+s12+$0x0], $0xffff  }
0x3ca: {  	v14 =	vld.idx.msk [tilespmem:v14+s12+$0x0], $0xffff;
	[tilespmem:s2+$0x8420] =	vst v13;
	v13 =	vor.u32 v61, v5  }
0x3cb: {  	v15 =	vld.idx.msk [tilespmem:v15+s12+$0x0], $0xffff;
	[tilespmem:s28+$0x8420] =	vst v11;
	v11 =	vor.u32 v26, v8  }
0x3cc: {  	[tilespmem:s26+$0x8430] =	vst v17;
	v17 =	vor.u32 v28, v7;
	v10 =	vld.idx.msk [tilespmem:v10+s12+$0x0], $0xffff  }
0x3cd: {  	v12 =	vld.idx.msk [tilespmem:v12+s12+$0x0], $0xffff;
	[tilespmem:s30+$0x8420] =	vst v18;
	v18 =	vor.u32 v21, v4  }
0x3ce: {  	[tilespmem:s29+$0x8430] =	vst v9;
	v9 =	vor.u32 v49, v3;
	v16 =	vld.idx.msk [tilespmem:v16+s12+$0x0], $0xffff  }
0x3cf: {  	[tilespmem:s0+$0x8420] =	vst v14;
	v14 =	vor.u32 v35, v6;
	v13 =	vld.idx.msk [tilespmem:v13+s12+$0x0], $0xffff  }
0x3d0: {  	[tilespmem:s2+$0x8430] =	vst v15;
	v15 =	vor.u32 v60, v5;
	v11 =	vld.idx.msk [tilespmem:v11+s12+$0x0], $0xffff  }
0x3d1: {  	v17 =	vld.idx.msk [tilespmem:v17+s12+$0x0], $0xffff;
	[tilespmem:s28+$0x8430] =	vst v10;
	v10 =	vor.u32 v36, v8  }
0x3d2: {  	[tilespmem:s26+$0x8440] =	vst v12;
	v12 =	vor.u32 v43, v7;
	v18 =	vld.idx.msk [tilespmem:v18+s12+$0x0], $0xffff  }
0x3d3: {  	v9 =	vld.idx.msk [tilespmem:v9+s12+$0x0], $0xffff;
	[tilespmem:s30+$0x8430] =	vst v16;
	v16 =	vor.u32 v57, v4  }
0x3d4: {  	[tilespmem:s29+$0x8440] =	vst v13;
	v13 =	vor.u32 v55, v3;
	v14 =	vld.idx.msk [tilespmem:v14+s12+$0x0], $0xffff  }
0x3d5: {  	v15 =	vld.idx.msk [tilespmem:v15+s12+$0x0], $0xffff;
	[tilespmem:s0+$0x8430] =	vst v11  }
0x3d6: {  	v11 =	vor.u32 v33, v6;
	[tilespmem:s2+$0x8440] =	vst v17;
	v10 =	vld.idx.msk [tilespmem:v10+s12+$0x0], $0xffff  }
0x3d7: {  	v12 =	vld.idx.msk [tilespmem:v12+s12+$0x0], $0xffff;
	[tilespmem:s28+$0x8440] =	vst v18;
	v18 =	vor.u32 v29, v8  }
0x3d8: {  	[tilespmem:s26+$0x8450] =	vst v9;
	v9 =	vor.u32 v27, v7;
	v16 =	vld.idx.msk [tilespmem:v16+s12+$0x0], $0xffff  }
0x3d9: {  	v13 =	vld.idx.msk [tilespmem:v13+s12+$0x0], $0xffff;
	[tilespmem:s30+$0x8440] =	vst v14  }
0x3da: {  	v14 =	vor.u32 v58, v4;
	[tilespmem:s29+$0x8450] =	vst v15;
	v15 =	vld [tilespmem:$0x1FF50]  }
0x3db: {  	v3 =	vor.u32 v56, v3;
	v11 =	vld.idx.msk [tilespmem:v11+s12+$0x0], $0xffff;
	[tilespmem:s0+$0x8440] =	vst v10  }
0x3dc: {  	v17 =	vor.u32 v23, v5;
	[tilespmem:s2+$0x8450] =	vst v12;
	v18 =	vld.idx.msk [tilespmem:v18+s12+$0x0], $0xffff  }
0x3dd: {  	v9 =	vld.idx.msk [tilespmem:v9+s12+$0x0], $0xffff;
	[tilespmem:s28+$0x8450] =	vst v16  }
0x3de: {  	v10 =	vor.u32 v38, v6;
	[tilespmem:s26+$0x8460] =	vst v13;
	v13 =	vld [tilespmem:$0x1FF70]  }
0x3df: {  	v14 =	vld.idx.msk [tilespmem:v14+s12+$0x0], $0xffff  }
0x3e0: {  	v3 =	vld.idx.msk [tilespmem:v3+s12+$0x0], $0xffff  }
0x3e1: {  	v16 =	vor.u32 v37, v8;
	[tilespmem:s30+$0x8450] =	vst v11;
	v11 =	vld.idx.msk [tilespmem:v17+s12+$0x0], $0xffff  }
0x3e2: {  	v17 =	vld [tilespmem:$0x1FF20]  }
0x3e3: {  	v7 =	vor.u32 v47, v7;
	v10 =	vld.idx.msk [tilespmem:v10+s12+$0x0], $0xffff  }
0x3e4: {  	[tilespmem:s0+$0x8450] =	vst v18;
	v18 =	vld [tilespmem:$0x1FF30]  }
0x3e5: {  	[tilespmem:s2+$0x8460] =	vst v9;
	v9 =	vld [tilespmem:$0x1FFB0]  }
0x3e6: {  	v4 =	vor.u32 v51, v4;
	v12 =	vld.idx.msk [tilespmem:v16+s12+$0x0], $0xffff  }
0x3e7: {  	v5 =	vor.u32 v0, v5;
	v16 =	vld [tilespmem:$0x1FF10]  }
0x3e8: {  	v6 =	vor.u32 v34, v6;
	v7 =	vld.idx.msk [tilespmem:v7+s12+$0x0], $0xffff  }
0x3e9: {  	v8 =	vor.u32 v2, v8;
	[tilespmem:s28+$0x8460] =	vst v14;
	v14 =	vld [tilespmem:$0x1FF80]  }
0x3ea: {  	[tilespmem:s29+$0x8460] =	vst v11;
	v11 =	vld [tilespmem:$0x1FFD0]  }
0x3eb: {  	v4 =	vld.idx.msk [tilespmem:v4+s12+$0x0], $0xffff  }
0x3ec: {  	[tilespmem:s30+$0x8460] =	vst v10;
	v5 =	vld.idx.msk [tilespmem:v5+s12+$0x0], $0xffff  }
0x3ed: {  	v6 =	vld.idx.msk [tilespmem:v6+s12+$0x0], $0xffff;
	[tilespmem:s0+$0x8460] =	vst v12  }
0x3ee: {  	p1 =	por p0, p0;
	[tilespmem:s26+$0x8470] =	vst v3;
	v3 =	vld.idx.msk [tilespmem:v8+s12+$0x0], $0xffff  }
.Ltmp3:
0x3ef: {  	v10 =	vld [tilespmem:$0x1FFC0];
	[tilespmem:s2+$0x8470] =	vst v7;
	(pc) =	sbr.rel @p1 .LBB2_9-.Ltmp3, $4  }
0x3f0: {  	v12 =	vld [tilespmem:$0x1FF60];
	[tilespmem:s28+$0x8470] =	vst v4  }
0x3f1: {  	v4 =	vld [tilespmem:$0x1FFF0];
	[tilespmem:s29+$0x8470] =	vst v5  }
0x3f2: {  	v5 =	vld [tilespmem:$0x1FF90];
	[tilespmem:s30+$0x8470] =	vst v6  }
0x3f3: {  	p0 =	por $0x0, $0x0;
	v50 =	vmov v45;
	v22 =	vmov v49;
	v59 =	vmov v21;
	s28 =	simm.s32 $0x10;
	v6 =	vld [tilespmem:$0x1FFA0];
	[tilespmem:s0+$0x8470] =	vst v3  }
0x3f4: {  	s0 =	sadd.s32 s25, s5;
	s24 =	sadd.s32 $0x1, s24  }
0x3f5: {  	[hbm4b:s0+s7] =	stream.strided.scatter [tilespmem:s17], [sflag:$0x6], $0x1000, s14, s7, $0x38;
	[tilespmem:$0x9400] =	vst v63  }
0x3f6: {  	p0 =	sne.s32 s24, $0x1A;
	_ =	swait.ge [sflag:s19], $0x1000  }
.Ltmp4:
0x3f7: {  	[sflag:s19] =	ssyncset.done $0x0;
	(pc) =	sbr.rel @p0 .LBB2_2-.Ltmp4, $4  }
0x3f8: {  	[sflag:s19] =	ssyncadd.s32 $0xFFFFF000  }
0x3f9: {  	_ =	swait.ge [sflag:s21], $0x1000  }
0x3fa: {  	[sflag:s21] =	ssyncset.done $0x0  }
0x3fb: {  	[sflag:s21] =	ssyncadd.s32 $0xFFFFF000  }
0x3fc: {  	s1 =	sld [smem:$0x7FD];
	_ =	sdelay $0x2  }
0x3fd: {  	s0 =	rddreg [dreg:$0x1d];
	s1 =	sadd.s32 $0x1, s1  }
0x3fe: {  	p0 =	sne.s32 s1, s0  }
.Ltmp5:
0x3ff: {  	_ = 	snop;
	(pc) =	sbr.rel @p0 .LBB2_1-.Ltmp5, $1  }
0x400: {  	_ =	sdelay $0x3  }
0x401: {  	_ =	sfence.sel $0x180000  }
0x402: {  	[bflag:$0x0] =	sbarrier.arrive $0xFFFF  }
0x403: {  	_ =	strace $0x90000047  }
0x404: {  	s0 =	stileid.u32;
	[bflag:$0x2] =	sbarrier.arrive $0xFFFF  }
0x405: {  	p0 =	sne.s32 s0, $0x0;
	s0 =	rddreg [dreg:$0x2]  }
0x406: {  	s0 =	sadd.s32 @!p0 $0x100000, s0  }
0x407: {  	[sflag:s0] =	ssyncadd.tile.s32 @!p0 $0x1;
	_ =	shalt  }
.Lfunc_end2:
_tile_overlayer_lowered:
.L_overlay_start_2:
0x408: {  	(tag) =	ssettag $0x2  }
0x409: {  	s0 =	rddreg [dreg:$0x0];
	s2 =	stileid.u32  }
0x40a: {  	s1 =	rddreg [dreg:$0x1];
	p0 =	sne.s32 s2, $0x0  }
0x40b: {  	s3 =	rddreg [dreg:$0x2];
	[bflag:$0x3] =	sbarrier.arrive $0xFFFF;
	s2 =	simm.s32 @!p0 $0x1C07  }
0x40c: {  	[timem:s3], [sflag:s2] =	dma.local @!p0 [hbm:s0], s1  }
0x40d: {  	s0 =	simm.s32 @!p0 $0x7  }
0x40e: {  	_ =	swait.ge @!p0 [sflag:s0], s1  }
0x40f: {  	s1 =	ssub.s32 @!p0 $0x0, s1;
	[sflag:s0] =	ssyncset.done @!p0 $0x0  }
0x410: {  	[sflag:s0] =	ssyncadd.s32 @!p0 s1  }
0x411: {  	[bflag:$0x3] =	sbarrier.arrive $0xFFFF  }
0x412: {  	_ =	shalt  }

</sc_bundles>
